<compile_context>
chip_gen: v7x
topology: tpu7x:2x2x1
jax: 0.10.2.dev20260603
libtpu: 0.0.44.dev20260713+nightly
codegen_flags: <defaults>
</compile_context>

<pallas_src>
import functools

import jax
import jax.numpy as jnp
from jax import lax
from jax.experimental import pallas as pl
from jax.experimental.pallas import tpu as pltpu
from jax.experimental.pallas import tpu_sc as plsc

NUM_EMBEDDINGS = 1000000
EMBED_SIZE = 64
BATCH = 16384
LANES = 16
TILE_W = 128
LAST_J = NUM_EMBEDDINGS // TILE_W
LAST_W = NUM_EMBEDDINGS - LAST_J * TILE_W
NUM_J = LAST_J + 1
J_PER_TEC = 245
WT = 4
NWIN = (J_PER_TEC + WT - 1) // WT
NPAIR = (NWIN + 1) // 2
IDX_BLK = 4096
ROWCAP = 64


@jax.jit
def _embed_lookup(target, table):
    info = plsc.get_sparse_core_info()
    nc, ns = info.num_cores, info.num_subcores
    nw = nc * ns

    mesh = plsc.VectorSubcoreMesh(core_axis_name="c", subcore_axis_name="s")

    @functools.partial(
        pl.kernel,
        mesh=mesh,
        out_type=jax.ShapeDtypeStruct((BATCH, TILE_W), jnp.float32),
        compiler_params=pltpu.CompilerParams(needs_layout_passes=False),
        scratch_types=[
            pltpu.VMEM((IDX_BLK + LANES,), jnp.int32),
            pltpu.VMEM((BATCH + LANES,), jnp.int32),
            pltpu.VMEM((BATCH + LANES,), jnp.int32),
            pltpu.VMEM((2 * LANES,), jnp.int32),
            pltpu.VMEM((2 * LANES,), jnp.int32),
            pltpu.VMEM((2, WT, EMBED_SIZE, TILE_W), jnp.float32),
            pltpu.VMEM((EMBED_SIZE, TILE_W), jnp.float32),
            pltpu.VMEM((ROWCAP, TILE_W), jnp.float32),
            pltpu.VMEM((ROWCAP + LANES,), jnp.int32),
            pltpu.SMEM((8,), jnp.int32),
            pltpu.SemaphoreType.DMA,
            pltpu.SemaphoreType.DMA,
            pltpu.SemaphoreType.DMA,
        ],
    )
    def gather_kernel(idx_hbm, table_hbm, edge_hbm, out_hbm, idxbuf, hit_r,
                      hit_b, whr, whb, slots, edgeslot, rowsbuf, bidx,
                      sc, semA, semB, sem_scat):
        wid = lax.axis_index("s") * nc + lax.axis_index("c")
        lo = wid * J_PER_TEC
        hi = jnp.minimum(lo + J_PER_TEC, NUM_J)
        sems = (semA, semB)
        lane = lax.iota(jnp.int32, LANES)
        lane0 = lane == 0

        def fetch_win(w, p):
            for k in range(WT):
                jf = jnp.minimum(lo + w * WT + k, LAST_J - 1)
                pltpu.make_async_copy(
                    table_hbm.at[pl.ds(0, EMBED_SIZE),
                                 pl.ds(jf * TILE_W, TILE_W)],
                    slots.at[p, k],
                    sems[p],
                ).start()

        fetch_win(0, 0)
        fetch_win(1, 1)
        pltpu.sync_copy(edge_hbm, edgeslot)

        sc[0] = 0
        for blk in range(BATCH // IDX_BLK):
            pltpu.sync_copy(idx_hbm.at[pl.ds(blk * IDX_BLK, IDX_BLK)],
                            idxbuf.at[pl.ds(0, IDX_BLK)])

            def scan_body(k, _, blk=blk):
                v = idxbuf[pl.ds(k * LANES, LANES)]
                j16 = lax.shift_right_logical(v, 7)
                m = jnp.logical_and(j16 >= lo, j16 < hi)
                nh = sc[0]
                plsc.store_compressed(hit_r.at[pl.ds(nh, LANES)], v, mask=m)
                b16 = lane + (blk * IDX_BLK + k * LANES)
                plsc.store_compressed(hit_b.at[pl.ds(nh, LANES)], b16, mask=m)
                sc[0] = nh + plsc.all_reduce_population_count(m)[0]
                return 0

            lax.fori_loop(0, IDX_BLK // LANES, scan_body, 0)

        nh = sc[0]

        def drain_win(p):
            for k in range(WT):
                pltpu.make_async_copy(
                    table_hbm.at[pl.ds(0, EMBED_SIZE), pl.ds(0, TILE_W)],
                    slots.at[p, k],
                    sems[p],
                ).wait()

        def flush():
            pltpu.async_copy(rowsbuf, out_hbm.at[bidx.at[pl.ds(0, ROWCAP)]],
                             sem_scat).wait()
            sc[1] = 0

        def emit_row(r, b, src_gather):
            l_vec = jnp.full((LANES,), r & (TILE_W - 1), dtype=jnp.int32)
            nrow = sc[1]
            for c0 in range(0, EMBED_SIZE, LANES):
                c_vec = lane + c0
                rowsbuf[nrow, pl.ds(c0, LANES)] = src_gather(c_vec, l_vec)
            plsc.store_scatter(bidx, [jnp.full((LANES,), nrow)],
                               jnp.full((LANES,), b), mask=lane0)
            sc[1] = nrow + 1

            @pl.when(nrow + 1 == ROWCAP)
            def _():
                flush()

        def process_win(w, p):
            wlo = lo + w * WT
            nchunks = lax.shift_right_logical(nh + LANES - 1, 4)

            def chunk_body(k, _):
                rv = hit_r[pl.ds(k * LANES, LANES)]
                bv = hit_b[pl.ds(k * LANES, LANES)]
                jv = lax.shift_right_logical(rv, 7)
                valid = (lane + k * LANES) < nh
                m = jnp.logical_and(
                    jnp.logical_and(jv >= wlo, jv < wlo + WT), valid)
                cw = plsc.all_reduce_population_count(m)[0]
                plsc.store_compressed(whr.at[pl.ds(0, LANES)], rv, mask=m)
                plsc.store_compressed(whb.at[pl.ds(0, LANES)], bv, mask=m)

                def hit_body(t, _):
                    r = whr[pl.ds(t, LANES)][0]
                    b = whb[pl.ds(t, LANES)][0]
                    j = lax.shift_right_logical(r, 7)
                    is_edge = j == LAST_J

                    @pl.when(jnp.logical_not(is_edge))
                    def _():
                        k_in_w = jnp.full((LANES,), j - wlo)
                        emit_row(r, b, lambda c, l: plsc.load_gather(
                            slots.at[p], [k_in_w, c, l]))

                    @pl.when(is_edge)
                    def _():
                        emit_row(r, b, lambda c, l: plsc.load_gather(
                            edgeslot, [c, l]))

                    return 0

                lax.fori_loop(0, cw, hit_body, 0)
                return 0

            lax.fori_loop(0, nchunks, chunk_body, 0)

        sc[1] = 0

        def wpair(o, _):
            for par in range(2):
                w = o * 2 + par
                drain_win(par)
                process_win(w, par)

                @pl.when(w + 2 < NWIN)
                def _(w=w, par=par):
                    fetch_win(w + 2, par)

            return 0

        lax.fori_loop(0, NPAIR, wpair, 0)

        nrow = sc[1]

        @pl.when(nrow > 0)
        def _():
            b0 = bidx[pl.ds(0, LANES)][0]

            def pad_body(t, _):
                for c0 in range(0, EMBED_SIZE, LANES):
                    rowsbuf[t, pl.ds(c0, LANES)] = rowsbuf[0, pl.ds(c0, LANES)]
                plsc.store_scatter(bidx, [jnp.full((LANES,), t)],
                                   jnp.full((LANES,), b0), mask=lane0)
                return 0

            lax.fori_loop(nrow, ROWCAP, pad_body, 0)
            flush()

    table_t = table.T
    edge_p = jnp.pad(
        table[NUM_EMBEDDINGS - LAST_W:, :].T,
        ((0, 0), (0, TILE_W - LAST_W)),
    )
    out_p = gather_kernel(target.astype(jnp.int32), table_t, edge_p)
    return out_p[:, :EMBED_SIZE]


def kernel(target, table):
    return _embed_lookup(target, table)

# --- scband reference (transcript-rebuilt; emitter-appended) ---
"""Pipeline reference for scband-attribute-embedding-16466904613401 (READ-ONLY COPY).

The authoritative reference and input builder live on the scoring server;
editing this copy changes nothing except your own understanding.
"""

import jax, jax.numpy as jnp
import numpy as np
import math

NUM_EMBEDDINGS = 1000000
EMBED_SIZE = 64
BATCH = 16384


def setup_inputs(seed: int = 0) -> dict:
    key = jax.random.key(seed)
    k1, k2 = jax.random.split(key)
    target = jax.random.randint(k1, (BATCH,), 0, NUM_EMBEDDINGS, dtype=jnp.int64 if jax.config.jax_enable_x64 else jnp.int32)
    # Embedding table initialized like the torch module: randn * sqrt(2/(fanIn+fanOut))
    factor = math.sqrt(2.0 / (NUM_EMBEDDINGS + EMBED_SIZE))
    table = jax.random.normal(k2, (NUM_EMBEDDINGS, EMBED_SIZE), dtype=jnp.float32) * factor
    return {"target": target, "table": table}


def reference(target, table):
    # one-hot path: simple embedding lookup (gather along axis 0)
    out = jnp.take(table, target, axis=0)
    return out

if __name__ == "__main__":
    import jax
    _d = setup_inputs()
    print(jax.jit(kernel)(*tuple(_d.values())))

</pallas_src>

<mosaic_0001>
#map = affine_map<(d0, d1) -> (0)>
#map1 = affine_map<(d0, d1) -> (0, 0)>
module attributes {stable_mosaic.version = 14 : i64} {
  func.func @gather_kernel(%arg0: i32, %arg1: i32, %arg2: memref<16384xi32, #tpu.memory_space<hbm>>, %arg3: memref<64x1000000xf32, #tpu.memory_space<hbm>>, %arg4: memref<64x128xf32, #tpu.memory_space<hbm>>, %arg5: memref<16384x128xf32, #tpu.memory_space<hbm>>, %arg6: memref<4112xi32, #tpu.memory_space<vmem>>, %arg7: memref<16400xi32, #tpu.memory_space<vmem>>, %arg8: memref<16400xi32, #tpu.memory_space<vmem>>, %arg9: memref<32xi32, #tpu.memory_space<vmem>>, %arg10: memref<32xi32, #tpu.memory_space<vmem>>, %arg11: memref<2x4x64x128xf32, #tpu.memory_space<vmem>>, %arg12: memref<64x128xf32, #tpu.memory_space<vmem>>, %arg13: memref<64x128xf32, #tpu.memory_space<vmem>>, %arg14: memref<80xi32, #tpu.memory_space<vmem>>, %arg15: memref<8xi32, #tpu.memory_space<smem>>, %arg16: memref<!tpu.dma_semaphore, #tpu.memory_space<semaphore_mem>>, %arg17: memref<!tpu.dma_semaphore, #tpu.memory_space<semaphore_mem>>, %arg18: memref<!tpu.dma_semaphore, #tpu.memory_space<semaphore_mem>>) attributes {dimension_semantics = [#tpu.dimension_semantics<core_parallel>, #tpu.dimension_semantics<subcore_parallel>], iteration_bounds = array<i64: 2, 16>, scalar_prefetch = 0 : i64, scratch_operands = 13 : i64, tpu.core_type = #tpu.core_type<sc_vector_subcore>, window_params = [{transform_indices = #map}, {transform_indices = #map1}, {transform_indices = #map1}, {transform_indices = #map1}]} {
    %mul3A = arith.constant 2 : i32
    %mul3A_0 = arith.muli %arg1, %mul3A : i32
    %add3A = arith.addi %mul3A_0, %arg0 : i32
    %mul3A_1 = arith.constant 245 : i32
    %mul3A_2 = arith.muli %add3A, %mul3A_1 : i32
    %add3A_3 = arith.constant 245 : i32
    %add3A_4 = arith.addi %mul3A_2, %add3A_3 : i32
    %min3A = arith.constant 7813 : i32
    %min3A_5 = arith.minsi %add3A_4, %min3A : i32
    %iota3A = tpu.iota {dimensions = array<i32: 0>} : vector<16xi32>
    %eq3A = arith.constant 0 : i32
    %eq3A_6 = vector.broadcast %eq3A : i32 to vector<16xi32>
    %eq3A_7 = arith.cmpi eq, %iota3A, %eq3A_6 : vector<16xi32>
    %add3A_8 = arith.constant 0 : i32
    %add3A_9 = arith.addi %mul3A_2, %add3A_8 : i32
    %add3A_10 = arith.constant 0 : i32
    %add3A_11 = arith.addi %add3A_9, %add3A_10 : i32
    %min3A_12 = arith.constant 7811 : i32
    %min3A_13 = arith.minsi %add3A_11, %min3A_12 : i32
    %mul3A_14 = arith.constant 128 : i32
    %mul3A_15 = arith.muli %min3A_13, %mul3A_14 : i32
    %dma_start3A = arith.constant 0 : i32
    %dma_start3A_16 = arith.constant 0 : i32
    %dma_start3A_17 = arith.constant 0 : i32
    %dma_start3A_18 = arith.constant 0 : i32
    %dma_start3A_19 = tpu.memref_slice %arg11[%dma_start3A, %dma_start3A_16, %dma_start3A_17, %dma_start3A_18] : memref<2x4x64x128xf32, #tpu.memory_space<vmem>> -> memref<1x1x64x128xf32, #tpu.memory_space<vmem>>
    %dma_start3A_20 = tpu.memref_squeeze %dma_start3A_19 : memref<1x1x64x128xf32, #tpu.memory_space<vmem>> -> memref<64x128xf32, #tpu.memory_space<vmem>>
    %dma_start3A_21 = arith.constant 0 : i32
    %dma_start3A_22 = tpu.memref_slice %arg3[%dma_start3A_21, %mul3A_15] : memref<64x1000000xf32, #tpu.memory_space<hbm>> -> memref<64x128xf32, #tpu.memory_space<hbm>>
    %dma_start3A_23 = arith.constant 0 : i32
    %dma_start3A_24 = arith.constant 0 : i32
    %dma_start3A_25 = tpu.memref_slice %arg11[%dma_start3A, %dma_start3A_16, %dma_start3A_23, %dma_start3A_24] : memref<2x4x64x128xf32, #tpu.memory_space<vmem>> -> memref<1x1x64x128xf32, #tpu.memory_space<vmem>>
    %dma_start3A_26 = tpu.memref_squeeze %dma_start3A_25 : memref<1x1x64x128xf32, #tpu.memory_space<vmem>> -> memref<64x128xf32, #tpu.memory_space<vmem>>
    %dma_start3A_27 = arith.constant 0 : i32
    %dma_start3A_28 = tpu.memref_slice %arg3[%dma_start3A_27, %mul3A_15] : memref<64x1000000xf32, #tpu.memory_space<hbm>> -> memref<64x128xf32, #tpu.memory_space<hbm>>
    tpu.enqueue_dma source(%dma_start3A_28 : memref<64x128xf32, #tpu.memory_space<hbm>>) target(%dma_start3A_26 : memref<64x128xf32, #tpu.memory_space<vmem>>) target_semaphore(%arg16 : memref<!tpu.dma_semaphore, #tpu.memory_space<semaphore_mem>>)
    %add3A_29 = arith.constant 0 : i32
    %add3A_30 = arith.addi %mul3A_2, %add3A_29 : i32
    %add3A_31 = arith.constant 1 : i32
    %add3A_32 = arith.addi %add3A_30, %add3A_31 : i32
    %min3A_33 = arith.constant 7811 : i32
    %min3A_34 = arith.minsi %add3A_32, %min3A_33 : i32
    %mul3A_35 = arith.constant 128 : i32
    %mul3A_36 = arith.muli %min3A_34, %mul3A_35 : i32
    %dma_start3A_37 = arith.constant 0 : i32
    %dma_start3A_38 = arith.constant 1 : i32
    %dma_start3A_39 = arith.constant 0 : i32
    %dma_start3A_40 = arith.constant 0 : i32
    %dma_start3A_41 = tpu.memref_slice %arg11[%dma_start3A_37, %dma_start3A_38, %dma_start3A_39, %dma_start3A_40] : memref<2x4x64x128xf32, #tpu.memory_space<vmem>> -> memref<1x1x64x128xf32, #tpu.memory_space<vmem>>
    %dma_start3A_42 = tpu.memref_squeeze %dma_start3A_41 : memref<1x1x64x128xf32, #tpu.memory_space<vmem>> -> memref<64x128xf32, #tpu.memory_space<vmem>>
    %dma_start3A_43 = arith.constant 0 : i32
    %dma_start3A_44 = tpu.memref_slice %arg3[%dma_start3A_43, %mul3A_36] : memref<64x1000000xf32, #tpu.memory_space<hbm>> -> memref<64x128xf32, #tpu.memory_space<hbm>>
    %dma_start3A_45 = arith.constant 0 : i32
    %dma_start3A_46 = arith.constant 0 : i32
    %dma_start3A_47 = tpu.memref_slice %arg11[%dma_start3A_37, %dma_start3A_38, %dma_start3A_45, %dma_start3A_46] : memref<2x4x64x128xf32, #tpu.memory_space<vmem>> -> memref<1x1x64x128xf32, #tpu.memory_space<vmem>>
    %dma_start3A_48 = tpu.memref_squeeze %dma_start3A_47 : memref<1x1x64x128xf32, #tpu.memory_space<vmem>> -> memref<64x128xf32, #tpu.memory_space<vmem>>
    %dma_start3A_49 = arith.constant 0 : i32
    %dma_start3A_50 = tpu.memref_slice %arg3[%dma_start3A_49, %mul3A_36] : memref<64x1000000xf32, #tpu.memory_space<hbm>> -> memref<64x128xf32, #tpu.memory_space<hbm>>
    tpu.enqueue_dma source(%dma_start3A_50 : memref<64x128xf32, #tpu.memory_space<hbm>>) target(%dma_start3A_48 : memref<64x128xf32, #tpu.memory_space<vmem>>) target_semaphore(%arg16 : memref<!tpu.dma_semaphore, #tpu.memory_space<semaphore_mem>>)
    %add3A_51 = arith.constant 0 : i32
    %add3A_52 = arith.addi %mul3A_2, %add3A_51 : i32
    %add3A_53 = arith.constant 2 : i32
    %add3A_54 = arith.addi %add3A_52, %add3A_53 : i32
    %min3A_55 = arith.constant 7811 : i32
    %min3A_56 = arith.minsi %add3A_54, %min3A_55 : i32
    %mul3A_57 = arith.constant 128 : i32
    %mul3A_58 = arith.muli %min3A_56, %mul3A_57 : i32
    %dma_start3A_59 = arith.constant 0 : i32
    %dma_start3A_60 = arith.constant 2 : i32
    %dma_start3A_61 = arith.constant 0 : i32
    %dma_start3A_62 = arith.constant 0 : i32
    %dma_start3A_63 = tpu.memref_slice %arg11[%dma_start3A_59, %dma_start3A_60, %dma_start3A_61, %dma_start3A_62] : memref<2x4x64x128xf32, #tpu.memory_space<vmem>> -> memref<1x1x64x128xf32, #tpu.memory_space<vmem>>
    %dma_start3A_64 = tpu.memref_squeeze %dma_start3A_63 : memref<1x1x64x128xf32, #tpu.memory_space<vmem>> -> memref<64x128xf32, #tpu.memory_space<vmem>>
    %dma_start3A_65 = arith.constant 0 : i32
    %dma_start3A_66 = tpu.memref_slice %arg3[%dma_start3A_65, %mul3A_58] : memref<64x1000000xf32, #tpu.memory_space<hbm>> -> memref<64x128xf32, #tpu.memory_space<hbm>>
    %dma_start3A_67 = arith.constant 0 : i32
    %dma_start3A_68 = arith.constant 0 : i32
    %dma_start3A_69 = tpu.memref_slice %arg11[%dma_start3A_59, %dma_start3A_60, %dma_start3A_67, %dma_start3A_68] : memref<2x4x64x128xf32, #tpu.memory_space<vmem>> -> memref<1x1x64x128xf32, #tpu.memory_space<vmem>>
    %dma_start3A_70 = tpu.memref_squeeze %dma_start3A_69 : memref<1x1x64x128xf32, #tpu.memory_space<vmem>> -> memref<64x128xf32, #tpu.memory_space<vmem>>
    %dma_start3A_71 = arith.constant 0 : i32
    %dma_start3A_72 = tpu.memref_slice %arg3[%dma_start3A_71, %mul3A_58] : memref<64x1000000xf32, #tpu.memory_space<hbm>> -> memref<64x128xf32, #tpu.memory_space<hbm>>
    tpu.enqueue_dma source(%dma_start3A_72 : memref<64x128xf32, #tpu.memory_space<hbm>>) target(%dma_start3A_70 : memref<64x128xf32, #tpu.memory_space<vmem>>) target_semaphore(%arg16 : memref<!tpu.dma_semaphore, #tpu.memory_space<semaphore_mem>>)
    %add3A_73 = arith.constant 0 : i32
    %add3A_74 = arith.addi %mul3A_2, %add3A_73 : i32
    %add3A_75 = arith.constant 3 : i32
    %add3A_76 = arith.addi %add3A_74, %add3A_75 : i32
    %min3A_77 = arith.constant 7811 : i32
    %min3A_78 = arith.minsi %add3A_76, %min3A_77 : i32
    %mul3A_79 = arith.constant 128 : i32
    %mul3A_80 = arith.muli %min3A_78, %mul3A_79 : i32
    %dma_start3A_81 = arith.constant 0 : i32
    %dma_start3A_82 = arith.constant 3 : i32
    %dma_start3A_83 = arith.constant 0 : i32
    %dma_start3A_84 = arith.constant 0 : i32
    %dma_start3A_85 = tpu.memref_slice %arg11[%dma_start3A_81, %dma_start3A_82, %dma_start3A_83, %dma_start3A_84] : memref<2x4x64x128xf32, #tpu.memory_space<vmem>> -> memref<1x1x64x128xf32, #tpu.memory_space<vmem>>
    %dma_start3A_86 = tpu.memref_squeeze %dma_start3A_85 : memref<1x1x64x128xf32, #tpu.memory_space<vmem>> -> memref<64x128xf32, #tpu.memory_space<vmem>>
    %dma_start3A_87 = arith.constant 0 : i32
    %dma_start3A_88 = tpu.memref_slice %arg3[%dma_start3A_87, %mul3A_80] : memref<64x1000000xf32, #tpu.memory_space<hbm>> -> memref<64x128xf32, #tpu.memory_space<hbm>>
    %dma_start3A_89 = arith.constant 0 : i32
    %dma_start3A_90 = arith.constant 0 : i32
    %dma_start3A_91 = tpu.memref_slice %arg11[%dma_start3A_81, %dma_start3A_82, %dma_start3A_89, %dma_start3A_90] : memref<2x4x64x128xf32, #tpu.memory_space<vmem>> -> memref<1x1x64x128xf32, #tpu.memory_space<vmem>>
    %dma_start3A_92 = tpu.memref_squeeze %dma_start3A_91 : memref<1x1x64x128xf32, #tpu.memory_space<vmem>> -> memref<64x128xf32, #tpu.memory_space<vmem>>
    %dma_start3A_93 = arith.constant 0 : i32
    %dma_start3A_94 = tpu.memref_slice %arg3[%dma_start3A_93, %mul3A_80] : memref<64x1000000xf32, #tpu.memory_space<hbm>> -> memref<64x128xf32, #tpu.memory_space<hbm>>
    tpu.enqueue_dma source(%dma_start3A_94 : memref<64x128xf32, #tpu.memory_space<hbm>>) target(%dma_start3A_92 : memref<64x128xf32, #tpu.memory_space<vmem>>) target_semaphore(%arg16 : memref<!tpu.dma_semaphore, #tpu.memory_space<semaphore_mem>>)
    %add3A_95 = arith.constant 4 : i32
    %add3A_96 = arith.addi %mul3A_2, %add3A_95 : i32
    %add3A_97 = arith.constant 0 : i32
    %add3A_98 = arith.addi %add3A_96, %add3A_97 : i32
    %min3A_99 = arith.constant 7811 : i32
    %min3A_100 = arith.minsi %add3A_98, %min3A_99 : i32
    %mul3A_101 = arith.constant 128 : i32
    %mul3A_102 = arith.muli %min3A_100, %mul3A_101 : i32
    %dma_start3A_103 = arith.constant 1 : i32
    %dma_start3A_104 = arith.constant 0 : i32
    %dma_start3A_105 = arith.constant 0 : i32
    %dma_start3A_106 = arith.constant 0 : i32
    %dma_start3A_107 = tpu.memref_slice %arg11[%dma_start3A_103, %dma_start3A_104, %dma_start3A_105, %dma_start3A_106] : memref<2x4x64x128xf32, #tpu.memory_space<vmem>> -> memref<1x1x64x128xf32, #tpu.memory_space<vmem>>
    %dma_start3A_108 = tpu.memref_squeeze %dma_start3A_107 : memref<1x1x64x128xf32, #tpu.memory_space<vmem>> -> memref<64x128xf32, #tpu.memory_space<vmem>>
    %dma_start3A_109 = arith.constant 0 : i32
    %dma_start3A_110 = tpu.memref_slice %arg3[%dma_start3A_109, %mul3A_102] : memref<64x1000000xf32, #tpu.memory_space<hbm>> -> memref<64x128xf32, #tpu.memory_space<hbm>>
    %dma_start3A_111 = arith.constant 0 : i32
    %dma_start3A_112 = arith.constant 0 : i32
    %dma_start3A_113 = tpu.memref_slice %arg11[%dma_start3A_103, %dma_start3A_104, %dma_start3A_111, %dma_start3A_112] : memref<2x4x64x128xf32, #tpu.memory_space<vmem>> -> memref<1x1x64x128xf32, #tpu.memory_space<vmem>>
    %dma_start3A_114 = tpu.memref_squeeze %dma_start3A_113 : memref<1x1x64x128xf32, #tpu.memory_space<vmem>> -> memref<64x128xf32, #tpu.memory_space<vmem>>
    %dma_start3A_115 = arith.constant 0 : i32
    %dma_start3A_116 = tpu.memref_slice %arg3[%dma_start3A_115, %mul3A_102] : memref<64x1000000xf32, #tpu.memory_space<hbm>> -> memref<64x128xf32, #tpu.memory_space<hbm>>
    tpu.enqueue_dma source(%dma_start3A_116 : memref<64x128xf32, #tpu.memory_space<hbm>>) target(%dma_start3A_114 : memref<64x128xf32, #tpu.memory_space<vmem>>) target_semaphore(%arg17 : memref<!tpu.dma_semaphore, #tpu.memory_space<semaphore_mem>>)
    %add3A_117 = arith.constant 4 : i32
    %add3A_118 = arith.addi %mul3A_2, %add3A_117 : i32
    %add3A_119 = arith.constant 1 : i32
    %add3A_120 = arith.addi %add3A_118, %add3A_119 : i32
    %min3A_121 = arith.constant 7811 : i32
    %min3A_122 = arith.minsi %add3A_120, %min3A_121 : i32
    %mul3A_123 = arith.constant 128 : i32
    %mul3A_124 = arith.muli %min3A_122, %mul3A_123 : i32
    %dma_start3A_125 = arith.constant 1 : i32
    %dma_start3A_126 = arith.constant 1 : i32
    %dma_start3A_127 = arith.constant 0 : i32
    %dma_start3A_128 = arith.constant 0 : i32
    %dma_start3A_129 = tpu.memref_slice %arg11[%dma_start3A_125, %dma_start3A_126, %dma_start3A_127, %dma_start3A_128] : memref<2x4x64x128xf32, #tpu.memory_space<vmem>> -> memref<1x1x64x128xf32, #tpu.memory_space<vmem>>
    %dma_start3A_130 = tpu.memref_squeeze %dma_start3A_129 : memref<1x1x64x128xf32, #tpu.memory_space<vmem>> -> memref<64x128xf32, #tpu.memory_space<vmem>>
    %dma_start3A_131 = arith.constant 0 : i32
    %dma_start3A_132 = tpu.memref_slice %arg3[%dma_start3A_131, %mul3A_124] : memref<64x1000000xf32, #tpu.memory_space<hbm>> -> memref<64x128xf32, #tpu.memory_space<hbm>>
    %dma_start3A_133 = arith.constant 0 : i32
    %dma_start3A_134 = arith.constant 0 : i32
    %dma_start3A_135 = tpu.memref_slice %arg11[%dma_start3A_125, %dma_start3A_126, %dma_start3A_133, %dma_start3A_134] : memref<2x4x64x128xf32, #tpu.memory_space<vmem>> -> memref<1x1x64x128xf32, #tpu.memory_space<vmem>>
    %dma_start3A_136 = tpu.memref_squeeze %dma_start3A_135 : memref<1x1x64x128xf32, #tpu.memory_space<vmem>> -> memref<64x128xf32, #tpu.memory_space<vmem>>
    %dma_start3A_137 = arith.constant 0 : i32
    %dma_start3A_138 = tpu.memref_slice %arg3[%dma_start3A_137, %mul3A_124] : memref<64x1000000xf32, #tpu.memory_space<hbm>> -> memref<64x128xf32, #tpu.memory_space<hbm>>
    tpu.enqueue_dma source(%dma_start3A_138 : memref<64x128xf32, #tpu.memory_space<hbm>>) target(%dma_start3A_136 : memref<64x128xf32, #tpu.memory_space<vmem>>) target_semaphore(%arg17 : memref<!tpu.dma_semaphore, #tpu.memory_space<semaphore_mem>>)
    %add3A_139 = arith.constant 4 : i32
    %add3A_140 = arith.addi %mul3A_2, %add3A_139 : i32
    %add3A_141 = arith.constant 2 : i32
    %add3A_142 = arith.addi %add3A_140, %add3A_141 : i32
    %min3A_143 = arith.constant 7811 : i32
    %min3A_144 = arith.minsi %add3A_142, %min3A_143 : i32
    %mul3A_145 = arith.constant 128 : i32
    %mul3A_146 = arith.muli %min3A_144, %mul3A_145 : i32
    %dma_start3A_147 = arith.constant 1 : i32
    %dma_start3A_148 = arith.constant 2 : i32
    %dma_start3A_149 = arith.constant 0 : i32
    %dma_start3A_150 = arith.constant 0 : i32
    %dma_start3A_151 = tpu.memref_slice %arg11[%dma_start3A_147, %dma_start3A_148, %dma_start3A_149, %dma_start3A_150] : memref<2x4x64x128xf32, #tpu.memory_space<vmem>> -> memref<1x1x64x128xf32, #tpu.memory_space<vmem>>
    %dma_start3A_152 = tpu.memref_squeeze %dma_start3A_151 : memref<1x1x64x128xf32, #tpu.memory_space<vmem>> -> memref<64x128xf32, #tpu.memory_space<vmem>>
    %dma_start3A_153 = arith.constant 0 : i32
    %dma_start3A_154 = tpu.memref_slice %arg3[%dma_start3A_153, %mul3A_146] : memref<64x1000000xf32, #tpu.memory_space<hbm>> -> memref<64x128xf32, #tpu.memory_space<hbm>>
    %dma_start3A_155 = arith.constant 0 : i32
    %dma_start3A_156 = arith.constant 0 : i32
    %dma_start3A_157 = tpu.memref_slice %arg11[%dma_start3A_147, %dma_start3A_148, %dma_start3A_155, %dma_start3A_156] : memref<2x4x64x128xf32, #tpu.memory_space<vmem>> -> memref<1x1x64x128xf32, #tpu.memory_space<vmem>>
    %dma_start3A_158 = tpu.memref_squeeze %dma_start3A_157 : memref<1x1x64x128xf32, #tpu.memory_space<vmem>> -> memref<64x128xf32, #tpu.memory_space<vmem>>
    %dma_start3A_159 = arith.constant 0 : i32
    %dma_start3A_160 = tpu.memref_slice %arg3[%dma_start3A_159, %mul3A_146] : memref<64x1000000xf32, #tpu.memory_space<hbm>> -> memref<64x128xf32, #tpu.memory_space<hbm>>
    tpu.enqueue_dma source(%dma_start3A_160 : memref<64x128xf32, #tpu.memory_space<hbm>>) target(%dma_start3A_158 : memref<64x128xf32, #tpu.memory_space<vmem>>) target_semaphore(%arg17 : memref<!tpu.dma_semaphore, #tpu.memory_space<semaphore_mem>>)
    %add3A_161 = arith.constant 4 : i32
    %add3A_162 = arith.addi %mul3A_2, %add3A_161 : i32
    %add3A_163 = arith.constant 3 : i32
    %add3A_164 = arith.addi %add3A_162, %add3A_163 : i32
    %min3A_165 = arith.constant 7811 : i32
    %min3A_166 = arith.minsi %add3A_164, %min3A_165 : i32
    %mul3A_167 = arith.constant 128 : i32
    %mul3A_168 = arith.muli %min3A_166, %mul3A_167 : i32
    %dma_start3A_169 = arith.constant 1 : i32
    %dma_start3A_170 = arith.constant 3 : i32
    %dma_start3A_171 = arith.constant 0 : i32
    %dma_start3A_172 = arith.constant 0 : i32
    %dma_start3A_173 = tpu.memref_slice %arg11[%dma_start3A_169, %dma_start3A_170, %dma_start3A_171, %dma_start3A_172] : memref<2x4x64x128xf32, #tpu.memory_space<vmem>> -> memref<1x1x64x128xf32, #tpu.memory_space<vmem>>
    %dma_start3A_174 = tpu.memref_squeeze %dma_start3A_173 : memref<1x1x64x128xf32, #tpu.memory_space<vmem>> -> memref<64x128xf32, #tpu.memory_space<vmem>>
    %dma_start3A_175 = arith.constant 0 : i32
    %dma_start3A_176 = tpu.memref_slice %arg3[%dma_start3A_175, %mul3A_168] : memref<64x1000000xf32, #tpu.memory_space<hbm>> -> memref<64x128xf32, #tpu.memory_space<hbm>>
    %dma_start3A_177 = arith.constant 0 : i32
    %dma_start3A_178 = arith.constant 0 : i32
    %dma_start3A_179 = tpu.memref_slice %arg11[%dma_start3A_169, %dma_start3A_170, %dma_start3A_177, %dma_start3A_178] : memref<2x4x64x128xf32, #tpu.memory_space<vmem>> -> memref<1x1x64x128xf32, #tpu.memory_space<vmem>>
    %dma_start3A_180 = tpu.memref_squeeze %dma_start3A_179 : memref<1x1x64x128xf32, #tpu.memory_space<vmem>> -> memref<64x128xf32, #tpu.memory_space<vmem>>
    %dma_start3A_181 = arith.constant 0 : i32
    %dma_start3A_182 = tpu.memref_slice %arg3[%dma_start3A_181, %mul3A_168] : memref<64x1000000xf32, #tpu.memory_space<hbm>> -> memref<64x128xf32, #tpu.memory_space<hbm>>
    tpu.enqueue_dma source(%dma_start3A_182 : memref<64x128xf32, #tpu.memory_space<hbm>>) target(%dma_start3A_180 : memref<64x128xf32, #tpu.memory_space<vmem>>) target_semaphore(%arg17 : memref<!tpu.dma_semaphore, #tpu.memory_space<semaphore_mem>>)
    "tpu.region"() ({
      %run_scoped3A = tpu.sem_alloc : memref<!tpu.dma_semaphore, #tpu.memory_space<semaphore_mem>>
      tpu.enqueue_dma source(%arg4 : memref<64x128xf32, #tpu.memory_space<hbm>>) target(%arg12 : memref<64x128xf32, #tpu.memory_space<vmem>>) target_semaphore(%run_scoped3A : memref<!tpu.dma_semaphore, #tpu.memory_space<semaphore_mem>>)
      tpu.wait_dma2 semaphore(%run_scoped3A : memref<!tpu.dma_semaphore, #tpu.memory_space<semaphore_mem>>) src(%arg4 : memref<64x128xf32, #tpu.memory_space<hbm>>) dst(%arg12 : memref<64x128xf32, #tpu.memory_space<vmem>>)
      tpu.yield
    }) : () -> ()
    %swap3A = arith.constant 0 : i32
    %swap3A_183 = arith.constant 0 : i32
    %swap3A_184 = arith.index_cast %swap3A_183 : i32 to index
    %swap3A_185 = memref.load %arg15[%swap3A_184] : memref<8xi32, #tpu.memory_space<smem>>
    memref.store %swap3A, %arg15[%swap3A_184] : memref<8xi32, #tpu.memory_space<smem>>
    "tpu.region"() ({
      %run_scoped3A = tpu.sem_alloc : memref<!tpu.dma_semaphore, #tpu.memory_space<semaphore_mem>>
      %dma_start3A_231 = arith.constant 0 : i32
      %dma_start3A_232 = tpu.memref_slice %arg6[%dma_start3A_231] : memref<4112xi32, #tpu.memory_space<vmem>> -> memref<4096xi32, #tpu.memory_space<vmem>>
      %dma_start3A_233 = arith.constant 0 : i32
      %dma_start3A_234 = tpu.memref_slice %arg2[%dma_start3A_233] : memref<16384xi32, #tpu.memory_space<hbm>> -> memref<4096xi32, #tpu.memory_space<hbm>>
      %dma_start3A_235 = arith.constant 0 : i32
      %dma_start3A_236 = tpu.memref_slice %arg6[%dma_start3A_235] : memref<4112xi32, #tpu.memory_space<vmem>> -> memref<4096xi32, #tpu.memory_space<vmem>>
      %dma_start3A_237 = arith.constant 0 : i32
      %dma_start3A_238 = tpu.memref_slice %arg2[%dma_start3A_237] : memref<16384xi32, #tpu.memory_space<hbm>> -> memref<4096xi32, #tpu.memory_space<hbm>>
      tpu.enqueue_dma source(%dma_start3A_238 : memref<4096xi32, #tpu.memory_space<hbm>>) target(%dma_start3A_236 : memref<4096xi32, #tpu.memory_space<vmem>>) target_semaphore(%run_scoped3A : memref<!tpu.dma_semaphore, #tpu.memory_space<semaphore_mem>>)
      %dma_wait3A = arith.constant 0 : i32
      %dma_wait3A_239 = tpu.memref_slice %arg6[%dma_wait3A] : memref<4112xi32, #tpu.memory_space<vmem>> -> memref<4096xi32, #tpu.memory_space<vmem>>
      %dma_wait3A_240 = arith.constant 0 : i32
      %dma_wait3A_241 = tpu.memref_slice %arg2[%dma_wait3A_240] : memref<16384xi32, #tpu.memory_space<hbm>> -> memref<4096xi32, #tpu.memory_space<hbm>>
      %dma_wait3A_242 = arith.constant 0 : i32
      %dma_wait3A_243 = tpu.memref_slice %arg6[%dma_wait3A_242] : memref<4112xi32, #tpu.memory_space<vmem>> -> memref<4096xi32, #tpu.memory_space<vmem>>
      %dma_wait3A_244 = arith.constant 0 : i32
      %dma_wait3A_245 = tpu.memref_slice %arg2[%dma_wait3A_244] : memref<16384xi32, #tpu.memory_space<hbm>> -> memref<4096xi32, #tpu.memory_space<hbm>>
      tpu.wait_dma2 semaphore(%run_scoped3A : memref<!tpu.dma_semaphore, #tpu.memory_space<semaphore_mem>>) src(%dma_wait3A_245 : memref<4096xi32, #tpu.memory_space<hbm>>) dst(%dma_wait3A_243 : memref<4096xi32, #tpu.memory_space<vmem>>)
      tpu.yield
    }) : () -> ()
    %scan3A = arith.constant 0 : i32
    %scan3A_186 = arith.constant 0 : i32
    %scan3A_187 = arith.constant 256 : i32
    %scan3A_188 = arith.addi %scan3A_186, %scan3A_187 : i32
    %scan3A_189 = arith.constant 1 : i32
    %scan3A_190 = scf.for %scan3A_231 = %scan3A_186 to %scan3A_188 step %scan3A_189 iter_args(%scan3A_232 = %scan3A) -> (i32)  : i32 {
      %mul3A_233 = arith.constant 16 : i32
      %mul3A_234 = arith.muli %scan3A_231, %mul3A_233 : i32
      %get3A_235 = arith.index_cast %mul3A_234 : i32 to index
      %get3A_236 = tpu.vector_load %arg6[%get3A_235] {strides = array<i32>} : memref<4112xi32, #tpu.memory_space<vmem>>, vector<16xi32>,
      %shift_right_logical3A = arith.constant 7 : i32
      %shift_right_logical3A_237 = vector.broadcast %shift_right_logical3A : i32 to vector<16xi32>
      %shift_right_logical3A_238 = arith.shrui %get3A_236, %shift_right_logical3A_237 : vector<16xi32>
      %ge3A = vector.broadcast %mul3A_2 : i32 to vector<16xi32>
      %ge3A_239 = arith.cmpi sge, %shift_right_logical3A_238, %ge3A : vector<16xi32>
      %lt3A = vector.broadcast %min3A_5 : i32 to vector<16xi32>
      %lt3A_240 = arith.cmpi slt, %shift_right_logical3A_238, %lt3A : vector<16xi32>
      %and3A = arith.andi %ge3A_239, %lt3A_240 : vector<16xi1>
      %get3A_241 = arith.constant 0 : i32
      %get3A_242 = arith.index_cast %get3A_241 : i32 to index
      %get3A_243 = memref.load %arg15[%get3A_242] : memref<8xi32, #tpu.memory_space<smem>>
      %swap3A_244 = arith.index_cast %get3A_243 : i32 to index
      %swap3A_245 = tpu.vector_load %arg7[%swap3A_244] masked %and3A {strides = array<i32>} : memref<16400xi32, #tpu.memory_space<vmem>>, vector<16xi32>, vector<16xi1>
      tpu.vector_store %arg7[%swap3A_244], %get3A_236 masked %and3A {strides = array<i32>} : memref<16400xi32, #tpu.memory_space<vmem>>, vector<16xi32>, vector<16xi1>
      %mul3A_246 = arith.constant 16 : i32
      %mul3A_247 = arith.muli %scan3A_231, %mul3A_246 : i32
      %add3A_248 = arith.constant 0 : i32
      %add3A_249 = arith.addi %add3A_248, %mul3A_247 : i32
      %add3A_250 = vector.broadcast %add3A_249 : i32 to vector<16xi32>
      %add3A_251 = arith.addi %iota3A, %add3A_250 : vector<16xi32>
      %swap3A_252 = arith.index_cast %get3A_243 : i32 to index
      %swap3A_253 = tpu.vector_load %arg8[%swap3A_252] masked %and3A {strides = array<i32>} : memref<16400xi32, #tpu.memory_space<vmem>>, vector<16xi32>, vector<16xi1>
      tpu.vector_store %arg8[%swap3A_252], %add3A_251 masked %and3A {strides = array<i32>} : memref<16400xi32, #tpu.memory_space<vmem>>, vector<16xi32>, vector<16xi1>
      %all_reduce_population_count3A = tpu.all_reduce %and3A {dim = 0 : i64, kind = #tpu.reduction_kind<sum>} : vector<16xi1> -> vector<16xi32>
      %slice3A = vector.extract_strided_slice %all_reduce_population_count3A {offsets = [0], sizes = [1], strides = [1]} : vector<16xi32> to vector<1xi32>
      %squeeze3A = vector.extract %slice3A[0] : i32 from vector<1xi32>
      %add3A_254 = arith.addi %get3A_243, %squeeze3A : i32
      %swap3A_255 = arith.constant 0 : i32
      %swap3A_256 = arith.index_cast %swap3A_255 : i32 to index
      %swap3A_257 = memref.load %arg15[%swap3A_256] : memref<8xi32, #tpu.memory_space<smem>>
      memref.store %add3A_254, %arg15[%swap3A_256] : memref<8xi32, #tpu.memory_space<smem>>
      %scan3A_258 = arith.constant 0 : i32
      scf.yield %scan3A_258 : i32
    }
    %scan3A_191 = arith.constant 256 : i32
    "tpu.region"() ({
      %run_scoped3A = tpu.sem_alloc : memref<!tpu.dma_semaphore, #tpu.memory_space<semaphore_mem>>
      %dma_start3A_231 = arith.constant 0 : i32
      %dma_start3A_232 = tpu.memref_slice %arg6[%dma_start3A_231] : memref<4112xi32, #tpu.memory_space<vmem>> -> memref<4096xi32, #tpu.memory_space<vmem>>
      %dma_start3A_233 = arith.constant 4096 : i32
      %dma_start3A_234 = tpu.memref_slice %arg2[%dma_start3A_233] : memref<16384xi32, #tpu.memory_space<hbm>> -> memref<4096xi32, #tpu.memory_space<hbm>>
      %dma_start3A_235 = arith.constant 0 : i32
      %dma_start3A_236 = tpu.memref_slice %arg6[%dma_start3A_235] : memref<4112xi32, #tpu.memory_space<vmem>> -> memref<4096xi32, #tpu.memory_space<vmem>>
      %dma_start3A_237 = arith.constant 4096 : i32
      %dma_start3A_238 = tpu.memref_slice %arg2[%dma_start3A_237] : memref<16384xi32, #tpu.memory_space<hbm>> -> memref<4096xi32, #tpu.memory_space<hbm>>
      tpu.enqueue_dma source(%dma_start3A_238 : memref<4096xi32, #tpu.memory_space<hbm>>) target(%dma_start3A_236 : memref<4096xi32, #tpu.memory_space<vmem>>) target_semaphore(%run_scoped3A : memref<!tpu.dma_semaphore, #tpu.memory_space<semaphore_mem>>)
      %dma_wait3A = arith.constant 0 : i32
      %dma_wait3A_239 = tpu.memref_slice %arg6[%dma_wait3A] : memref<4112xi32, #tpu.memory_space<vmem>> -> memref<4096xi32, #tpu.memory_space<vmem>>
      %dma_wait3A_240 = arith.constant 4096 : i32
      %dma_wait3A_241 = tpu.memref_slice %arg2[%dma_wait3A_240] : memref<16384xi32, #tpu.memory_space<hbm>> -> memref<4096xi32, #tpu.memory_space<hbm>>
      %dma_wait3A_242 = arith.constant 0 : i32
      %dma_wait3A_243 = tpu.memref_slice %arg6[%dma_wait3A_242] : memref<4112xi32, #tpu.memory_space<vmem>> -> memref<4096xi32, #tpu.memory_space<vmem>>
      %dma_wait3A_244 = arith.constant 4096 : i32
      %dma_wait3A_245 = tpu.memref_slice %arg2[%dma_wait3A_244] : memref<16384xi32, #tpu.memory_space<hbm>> -> memref<4096xi32, #tpu.memory_space<hbm>>
      tpu.wait_dma2 semaphore(%run_scoped3A : memref<!tpu.dma_semaphore, #tpu.memory_space<semaphore_mem>>) src(%dma_wait3A_245 : memref<4096xi32, #tpu.memory_space<hbm>>) dst(%dma_wait3A_243 : memref<4096xi32, #tpu.memory_space<vmem>>)
      tpu.yield
    }) : () -> ()
    %scan3A_192 = arith.constant 0 : i32
    %scan3A_193 = arith.constant 0 : i32
    %scan3A_194 = arith.constant 256 : i32
    %scan3A_195 = arith.addi %scan3A_193, %scan3A_194 : i32
    %scan3A_196 = arith.constant 1 : i32
    %scan3A_197 = scf.for %scan3A_231 = %scan3A_193 to %scan3A_195 step %scan3A_196 iter_args(%scan3A_232 = %scan3A_192) -> (i32)  : i32 {
      %mul3A_233 = arith.constant 16 : i32
      %mul3A_234 = arith.muli %scan3A_231, %mul3A_233 : i32
      %get3A_235 = arith.index_cast %mul3A_234 : i32 to index
      %get3A_236 = tpu.vector_load %arg6[%get3A_235] {strides = array<i32>} : memref<4112xi32, #tpu.memory_space<vmem>>, vector<16xi32>,
      %shift_right_logical3A = arith.constant 7 : i32
      %shift_right_logical3A_237 = vector.broadcast %shift_right_logical3A : i32 to vector<16xi32>
      %shift_right_logical3A_238 = arith.shrui %get3A_236, %shift_right_logical3A_237 : vector<16xi32>
      %ge3A = vector.broadcast %mul3A_2 : i32 to vector<16xi32>
      %ge3A_239 = arith.cmpi sge, %shift_right_logical3A_238, %ge3A : vector<16xi32>
      %lt3A = vector.broadcast %min3A_5 : i32 to vector<16xi32>
      %lt3A_240 = arith.cmpi slt, %shift_right_logical3A_238, %lt3A : vector<16xi32>
      %and3A = arith.andi %ge3A_239, %lt3A_240 : vector<16xi1>
      %get3A_241 = arith.constant 0 : i32
      %get3A_242 = arith.index_cast %get3A_241 : i32 to index
      %get3A_243 = memref.load %arg15[%get3A_242] : memref<8xi32, #tpu.memory_space<smem>>
      %swap3A_244 = arith.index_cast %get3A_243 : i32 to index
      %swap3A_245 = tpu.vector_load %arg7[%swap3A_244] masked %and3A {strides = array<i32>} : memref<16400xi32, #tpu.memory_space<vmem>>, vector<16xi32>, vector<16xi1>
      tpu.vector_store %arg7[%swap3A_244], %get3A_236 masked %and3A {strides = array<i32>} : memref<16400xi32, #tpu.memory_space<vmem>>, vector<16xi32>, vector<16xi1>
      %mul3A_246 = arith.constant 16 : i32
      %mul3A_247 = arith.muli %scan3A_231, %mul3A_246 : i32
      %add3A_248 = arith.constant 4096 : i32
      %add3A_249 = arith.addi %add3A_248, %mul3A_247 : i32
      %add3A_250 = vector.broadcast %add3A_249 : i32 to vector<16xi32>
      %add3A_251 = arith.addi %iota3A, %add3A_250 : vector<16xi32>
      %swap3A_252 = arith.index_cast %get3A_243 : i32 to index
      %swap3A_253 = tpu.vector_load %arg8[%swap3A_252] masked %and3A {strides = array<i32>} : memref<16400xi32, #tpu.memory_space<vmem>>, vector<16xi32>, vector<16xi1>
      tpu.vector_store %arg8[%swap3A_252], %add3A_251 masked %and3A {strides = array<i32>} : memref<16400xi32, #tpu.memory_space<vmem>>, vector<16xi32>, vector<16xi1>
      %all_reduce_population_count3A = tpu.all_reduce %and3A {dim = 0 : i64, kind = #tpu.reduction_kind<sum>} : vector<16xi1> -> vector<16xi32>
      %slice3A = vector.extract_strided_slice %all_reduce_population_count3A {offsets = [0], sizes = [1], strides = [1]} : vector<16xi32> to vector<1xi32>
      %squeeze3A = vector.extract %slice3A[0] : i32 from vector<1xi32>
      %add3A_254 = arith.addi %get3A_243, %squeeze3A : i32
      %swap3A_255 = arith.constant 0 : i32
      %swap3A_256 = arith.index_cast %swap3A_255 : i32 to index
      %swap3A_257 = memref.load %arg15[%swap3A_256] : memref<8xi32, #tpu.memory_space<smem>>
      memref.store %add3A_254, %arg15[%swap3A_256] : memref<8xi32, #tpu.memory_space<smem>>
      %scan3A_258 = arith.constant 0 : i32
      scf.yield %scan3A_258 : i32
    }
    %scan3A_198 = arith.constant 256 : i32
    "tpu.region"() ({
      %run_scoped3A = tpu.sem_alloc : memref<!tpu.dma_semaphore, #tpu.memory_space<semaphore_mem>>
      %dma_start3A_231 = arith.constant 0 : i32
      %dma_start3A_232 = tpu.memref_slice %arg6[%dma_start3A_231] : memref<4112xi32, #tpu.memory_space<vmem>> -> memref<4096xi32, #tpu.memory_space<vmem>>
      %dma_start3A_233 = arith.constant 8192 : i32
      %dma_start3A_234 = tpu.memref_slice %arg2[%dma_start3A_233] : memref<16384xi32, #tpu.memory_space<hbm>> -> memref<4096xi32, #tpu.memory_space<hbm>>
      %dma_start3A_235 = arith.constant 0 : i32
      %dma_start3A_236 = tpu.memref_slice %arg6[%dma_start3A_235] : memref<4112xi32, #tpu.memory_space<vmem>> -> memref<4096xi32, #tpu.memory_space<vmem>>
      %dma_start3A_237 = arith.constant 8192 : i32
      %dma_start3A_238 = tpu.memref_slice %arg2[%dma_start3A_237] : memref<16384xi32, #tpu.memory_space<hbm>> -> memref<4096xi32, #tpu.memory_space<hbm>>
      tpu.enqueue_dma source(%dma_start3A_238 : memref<4096xi32, #tpu.memory_space<hbm>>) target(%dma_start3A_236 : memref<4096xi32, #tpu.memory_space<vmem>>) target_semaphore(%run_scoped3A : memref<!tpu.dma_semaphore, #tpu.memory_space<semaphore_mem>>)
      %dma_wait3A = arith.constant 0 : i32
      %dma_wait3A_239 = tpu.memref_slice %arg6[%dma_wait3A] : memref<4112xi32, #tpu.memory_space<vmem>> -> memref<4096xi32, #tpu.memory_space<vmem>>
      %dma_wait3A_240 = arith.constant 8192 : i32
      %dma_wait3A_241 = tpu.memref_slice %arg2[%dma_wait3A_240] : memref<16384xi32, #tpu.memory_space<hbm>> -> memref<4096xi32, #tpu.memory_space<hbm>>
      %dma_wait3A_242 = arith.constant 0 : i32
      %dma_wait3A_243 = tpu.memref_slice %arg6[%dma_wait3A_242] : memref<4112xi32, #tpu.memory_space<vmem>> -> memref<4096xi32, #tpu.memory_space<vmem>>
      %dma_wait3A_244 = arith.constant 8192 : i32
      %dma_wait3A_245 = tpu.memref_slice %arg2[%dma_wait3A_244] : memref<16384xi32, #tpu.memory_space<hbm>> -> memref<4096xi32, #tpu.memory_space<hbm>>
      tpu.wait_dma2 semaphore(%run_scoped3A : memref<!tpu.dma_semaphore, #tpu.memory_space<semaphore_mem>>) src(%dma_wait3A_245 : memref<4096xi32, #tpu.memory_space<hbm>>) dst(%dma_wait3A_243 : memref<4096xi32, #tpu.memory_space<vmem>>)
      tpu.yield
    }) : () -> ()
    %scan3A_199 = arith.constant 0 : i32
    %scan3A_200 = arith.constant 0 : i32
    %scan3A_201 = arith.constant 256 : i32
    %scan3A_202 = arith.addi %scan3A_200, %scan3A_201 : i32
    %scan3A_203 = arith.constant 1 : i32
    %scan3A_204 = scf.for %scan3A_231 = %scan3A_200 to %scan3A_202 step %scan3A_203 iter_args(%scan3A_232 = %scan3A_199) -> (i32)  : i32 {
      %mul3A_233 = arith.constant 16 : i32
      %mul3A_234 = arith.muli %scan3A_231, %mul3A_233 : i32
      %get3A_235 = arith.index_cast %mul3A_234 : i32 to index
      %get3A_236 = tpu.vector_load %arg6[%get3A_235] {strides = array<i32>} : memref<4112xi32, #tpu.memory_space<vmem>>, vector<16xi32>,
      %shift_right_logical3A = arith.constant 7 : i32
      %shift_right_logical3A_237 = vector.broadcast %shift_right_logical3A : i32 to vector<16xi32>
      %shift_right_logical3A_238 = arith.shrui %get3A_236, %shift_right_logical3A_237 : vector<16xi32>
      %ge3A = vector.broadcast %mul3A_2 : i32 to vector<16xi32>
      %ge3A_239 = arith.cmpi sge, %shift_right_logical3A_238, %ge3A : vector<16xi32>
      %lt3A = vector.broadcast %min3A_5 : i32 to vector<16xi32>
      %lt3A_240 = arith.cmpi slt, %shift_right_logical3A_238, %lt3A : vector<16xi32>
      %and3A = arith.andi %ge3A_239, %lt3A_240 : vector<16xi1>
      %get3A_241 = arith.constant 0 : i32
      %get3A_242 = arith.index_cast %get3A_241 : i32 to index
      %get3A_243 = memref.load %arg15[%get3A_242] : memref<8xi32, #tpu.memory_space<smem>>
      %swap3A_244 = arith.index_cast %get3A_243 : i32 to index
      %swap3A_245 = tpu.vector_load %arg7[%swap3A_244] masked %and3A {strides = array<i32>} : memref<16400xi32, #tpu.memory_space<vmem>>, vector<16xi32>, vector<16xi1>
      tpu.vector_store %arg7[%swap3A_244], %get3A_236 masked %and3A {strides = array<i32>} : memref<16400xi32, #tpu.memory_space<vmem>>, vector<16xi32>, vector<16xi1>
      %mul3A_246 = arith.constant 16 : i32
      %mul3A_247 = arith.muli %scan3A_231, %mul3A_246 : i32
      %add3A_248 = arith.constant 8192 : i32
      %add3A_249 = arith.addi %add3A_248, %mul3A_247 : i32
      %add3A_250 = vector.broadcast %add3A_249 : i32 to vector<16xi32>
      %add3A_251 = arith.addi %iota3A, %add3A_250 : vector<16xi32>
      %swap3A_252 = arith.index_cast %get3A_243 : i32 to index
      %swap3A_253 = tpu.vector_load %arg8[%swap3A_252] masked %and3A {strides = array<i32>} : memref<16400xi32, #tpu.memory_space<vmem>>, vector<16xi32>, vector<16xi1>
      tpu.vector_store %arg8[%swap3A_252], %add3A_251 masked %and3A {strides = array<i32>} : memref<16400xi32, #tpu.memory_space<vmem>>, vector<16xi32>, vector<16xi1>
      %all_reduce_population_count3A = tpu.all_reduce %and3A {dim = 0 : i64, kind = #tpu.reduction_kind<sum>} : vector<16xi1> -> vector<16xi32>
      %slice3A = vector.extract_strided_slice %all_reduce_population_count3A {offsets = [0], sizes = [1], strides = [1]} : vector<16xi32> to vector<1xi32>
      %squeeze3A = vector.extract %slice3A[0] : i32 from vector<1xi32>
      %add3A_254 = arith.addi %get3A_243, %squeeze3A : i32
      %swap3A_255 = arith.constant 0 : i32
      %swap3A_256 = arith.index_cast %swap3A_255 : i32 to index
      %swap3A_257 = memref.load %arg15[%swap3A_256] : memref<8xi32, #tpu.memory_space<smem>>
      memref.store %add3A_254, %arg15[%swap3A_256] : memref<8xi32, #tpu.memory_space<smem>>
      %scan3A_258 = arith.constant 0 : i32
      scf.yield %scan3A_258 : i32
    }
    %scan3A_205 = arith.constant 256 : i32
    "tpu.region"() ({
      %run_scoped3A = tpu.sem_alloc : memref<!tpu.dma_semaphore, #tpu.memory_space<semaphore_mem>>
      %dma_start3A_231 = arith.constant 0 : i32
      %dma_start3A_232 = tpu.memref_slice %arg6[%dma_start3A_231] : memref<4112xi32, #tpu.memory_space<vmem>> -> memref<4096xi32, #tpu.memory_space<vmem>>
      %dma_start3A_233 = arith.constant 12288 : i32
      %dma_start3A_234 = tpu.memref_slice %arg2[%dma_start3A_233] : memref<16384xi32, #tpu.memory_space<hbm>> -> memref<4096xi32, #tpu.memory_space<hbm>>
      %dma_start3A_235 = arith.constant 0 : i32
      %dma_start3A_236 = tpu.memref_slice %arg6[%dma_start3A_235] : memref<4112xi32, #tpu.memory_space<vmem>> -> memref<4096xi32, #tpu.memory_space<vmem>>
      %dma_start3A_237 = arith.constant 12288 : i32
      %dma_start3A_238 = tpu.memref_slice %arg2[%dma_start3A_237] : memref<16384xi32, #tpu.memory_space<hbm>> -> memref<4096xi32, #tpu.memory_space<hbm>>
      tpu.enqueue_dma source(%dma_start3A_238 : memref<4096xi32, #tpu.memory_space<hbm>>) target(%dma_start3A_236 : memref<4096xi32, #tpu.memory_space<vmem>>) target_semaphore(%run_scoped3A : memref<!tpu.dma_semaphore, #tpu.memory_space<semaphore_mem>>)
      %dma_wait3A = arith.constant 0 : i32
      %dma_wait3A_239 = tpu.memref_slice %arg6[%dma_wait3A] : memref<4112xi32, #tpu.memory_space<vmem>> -> memref<4096xi32, #tpu.memory_space<vmem>>
      %dma_wait3A_240 = arith.constant 12288 : i32
      %dma_wait3A_241 = tpu.memref_slice %arg2[%dma_wait3A_240] : memref<16384xi32, #tpu.memory_space<hbm>> -> memref<4096xi32, #tpu.memory_space<hbm>>
      %dma_wait3A_242 = arith.constant 0 : i32
      %dma_wait3A_243 = tpu.memref_slice %arg6[%dma_wait3A_242] : memref<4112xi32, #tpu.memory_space<vmem>> -> memref<4096xi32, #tpu.memory_space<vmem>>
      %dma_wait3A_244 = arith.constant 12288 : i32
      %dma_wait3A_245 = tpu.memref_slice %arg2[%dma_wait3A_244] : memref<16384xi32, #tpu.memory_space<hbm>> -> memref<4096xi32, #tpu.memory_space<hbm>>
      tpu.wait_dma2 semaphore(%run_scoped3A : memref<!tpu.dma_semaphore, #tpu.memory_space<semaphore_mem>>) src(%dma_wait3A_245 : memref<4096xi32, #tpu.memory_space<hbm>>) dst(%dma_wait3A_243 : memref<4096xi32, #tpu.memory_space<vmem>>)
      tpu.yield
    }) : () -> ()
    %scan3A_206 = arith.constant 0 : i32
    %scan3A_207 = arith.constant 0 : i32
    %scan3A_208 = arith.constant 256 : i32
    %scan3A_209 = arith.addi %scan3A_207, %scan3A_208 : i32
    %scan3A_210 = arith.constant 1 : i32
    %scan3A_211 = scf.for %scan3A_231 = %scan3A_207 to %scan3A_209 step %scan3A_210 iter_args(%scan3A_232 = %scan3A_206) -> (i32)  : i32 {
      %mul3A_233 = arith.constant 16 : i32
      %mul3A_234 = arith.muli %scan3A_231, %mul3A_233 : i32
      %get3A_235 = arith.index_cast %mul3A_234 : i32 to index
      %get3A_236 = tpu.vector_load %arg6[%get3A_235] {strides = array<i32>} : memref<4112xi32, #tpu.memory_space<vmem>>, vector<16xi32>,
      %shift_right_logical3A = arith.constant 7 : i32
      %shift_right_logical3A_237 = vector.broadcast %shift_right_logical3A : i32 to vector<16xi32>
      %shift_right_logical3A_238 = arith.shrui %get3A_236, %shift_right_logical3A_237 : vector<16xi32>
      %ge3A = vector.broadcast %mul3A_2 : i32 to vector<16xi32>
      %ge3A_239 = arith.cmpi sge, %shift_right_logical3A_238, %ge3A : vector<16xi32>
      %lt3A = vector.broadcast %min3A_5 : i32 to vector<16xi32>
      %lt3A_240 = arith.cmpi slt, %shift_right_logical3A_238, %lt3A : vector<16xi32>
      %and3A = arith.andi %ge3A_239, %lt3A_240 : vector<16xi1>
      %get3A_241 = arith.constant 0 : i32
      %get3A_242 = arith.index_cast %get3A_241 : i32 to index
      %get3A_243 = memref.load %arg15[%get3A_242] : memref<8xi32, #tpu.memory_space<smem>>
      %swap3A_244 = arith.index_cast %get3A_243 : i32 to index
      %swap3A_245 = tpu.vector_load %arg7[%swap3A_244] masked %and3A {strides = array<i32>} : memref<16400xi32, #tpu.memory_space<vmem>>, vector<16xi32>, vector<16xi1>
      tpu.vector_store %arg7[%swap3A_244], %get3A_236 masked %and3A {strides = array<i32>} : memref<16400xi32, #tpu.memory_space<vmem>>, vector<16xi32>, vector<16xi1>
      %mul3A_246 = arith.constant 16 : i32
      %mul3A_247 = arith.muli %scan3A_231, %mul3A_246 : i32
      %add3A_248 = arith.constant 12288 : i32
      %add3A_249 = arith.addi %add3A_248, %mul3A_247 : i32
      %add3A_250 = vector.broadcast %add3A_249 : i32 to vector<16xi32>
      %add3A_251 = arith.addi %iota3A, %add3A_250 : vector<16xi32>
      %swap3A_252 = arith.index_cast %get3A_243 : i32 to index
      %swap3A_253 = tpu.vector_load %arg8[%swap3A_252] masked %and3A {strides = array<i32>} : memref<16400xi32, #tpu.memory_space<vmem>>, vector<16xi32>, vector<16xi1>
      tpu.vector_store %arg8[%swap3A_252], %add3A_251 masked %and3A {strides = array<i32>} : memref<16400xi32, #tpu.memory_space<vmem>>, vector<16xi32>, vector<16xi1>
      %all_reduce_population_count3A = tpu.all_reduce %and3A {dim = 0 : i64, kind = #tpu.reduction_kind<sum>} : vector<16xi1> -> vector<16xi32>
      %slice3A = vector.extract_strided_slice %all_reduce_population_count3A {offsets = [0], sizes = [1], strides = [1]} : vector<16xi32> to vector<1xi32>
      %squeeze3A = vector.extract %slice3A[0] : i32 from vector<1xi32>
      %add3A_254 = arith.addi %get3A_243, %squeeze3A : i32
      %swap3A_255 = arith.constant 0 : i32
      %swap3A_256 = arith.index_cast %swap3A_255 : i32 to index
      %swap3A_257 = memref.load %arg15[%swap3A_256] : memref<8xi32, #tpu.memory_space<smem>>
      memref.store %add3A_254, %arg15[%swap3A_256] : memref<8xi32, #tpu.memory_space<smem>>
      %scan3A_258 = arith.constant 0 : i32
      scf.yield %scan3A_258 : i32
    }
    %scan3A_212 = arith.constant 256 : i32
    %get3A = arith.constant 0 : i32
    %get3A_213 = arith.index_cast %get3A : i32 to index
    %get3A_214 = memref.load %arg15[%get3A_213] : memref<8xi32, #tpu.memory_space<smem>>
    %swap3A_215 = arith.constant 0 : i32
    %swap3A_216 = arith.constant 1 : i32
    %swap3A_217 = arith.index_cast %swap3A_216 : i32 to index
    %swap3A_218 = memref.load %arg15[%swap3A_217] : memref<8xi32, #tpu.memory_space<smem>>
    memref.store %swap3A_215, %arg15[%swap3A_217] : memref<8xi32, #tpu.memory_space<smem>>
    %scan3A_219 = arith.constant 0 : i32
    %scan3A_220 = arith.constant 0 : i32
    %scan3A_221 = arith.constant 31 : i32
    %scan3A_222 = arith.addi %scan3A_220, %scan3A_221 : i32
    %scan3A_223 = arith.constant 1 : i32
    %scan3A_224 = scf.for %scan3A_231 = %scan3A_220 to %scan3A_222 step %scan3A_223 iter_args(%scan3A_232 = %scan3A_219) -> (i32)  : i32 {
      %mul3A_233 = arith.constant 2 : i32
      %mul3A_234 = arith.muli %scan3A_231, %mul3A_233 : i32
      %add3A_235 = arith.constant 0 : i32
      %add3A_236 = arith.addi %mul3A_234, %add3A_235 : i32
      %dma_wait3A = arith.constant 0 : i32
      %dma_wait3A_237 = arith.constant 0 : i32
      %dma_wait3A_238 = arith.constant 0 : i32
      %dma_wait3A_239 = arith.constant 0 : i32
      %dma_wait3A_240 = tpu.memref_slice %arg11[%dma_wait3A, %dma_wait3A_237, %dma_wait3A_238, %dma_wait3A_239] : memref<2x4x64x128xf32, #tpu.memory_space<vmem>> -> memref<1x1x64x128xf32, #tpu.memory_space<vmem>>
      %dma_wait3A_241 = tpu.memref_squeeze %dma_wait3A_240 : memref<1x1x64x128xf32, #tpu.memory_space<vmem>> -> memref<64x128xf32, #tpu.memory_space<vmem>>
      %dma_wait3A_242 = arith.constant 0 : i32
      %dma_wait3A_243 = arith.constant 0 : i32
      %dma_wait3A_244 = tpu.memref_slice %arg3[%dma_wait3A_242, %dma_wait3A_243] : memref<64x1000000xf32, #tpu.memory_space<hbm>> -> memref<64x128xf32, #tpu.memory_space<hbm>>
      %dma_wait3A_245 = arith.constant 0 : i32
      %dma_wait3A_246 = arith.constant 0 : i32
      %dma_wait3A_247 = tpu.memref_slice %arg11[%dma_wait3A, %dma_wait3A_237, %dma_wait3A_245, %dma_wait3A_246] : memref<2x4x64x128xf32, #tpu.memory_space<vmem>> -> memref<1x1x64x128xf32, #tpu.memory_space<vmem>>
      %dma_wait3A_248 = tpu.memref_squeeze %dma_wait3A_247 : memref<1x1x64x128xf32, #tpu.memory_space<vmem>> -> memref<64x128xf32, #tpu.memory_space<vmem>>
      %dma_wait3A_249 = arith.constant 0 : i32
      %dma_wait3A_250 = arith.constant 0 : i32
      %dma_wait3A_251 = tpu.memref_slice %arg3[%dma_wait3A_249, %dma_wait3A_250] : memref<64x1000000xf32, #tpu.memory_space<hbm>> -> memref<64x128xf32, #tpu.memory_space<hbm>>
      tpu.wait_dma2 semaphore(%arg16 : memref<!tpu.dma_semaphore, #tpu.memory_space<semaphore_mem>>) src(%dma_wait3A_251 : memref<64x128xf32, #tpu.memory_space<hbm>>) dst(%dma_wait3A_248 : memref<64x128xf32, #tpu.memory_space<vmem>>)
      %dma_wait3A_252 = arith.constant 0 : i32
      %dma_wait3A_253 = arith.constant 1 : i32
      %dma_wait3A_254 = arith.constant 0 : i32
      %dma_wait3A_255 = arith.constant 0 : i32
      %dma_wait3A_256 = tpu.memref_slice %arg11[%dma_wait3A_252, %dma_wait3A_253, %dma_wait3A_254, %dma_wait3A_255] : memref<2x4x64x128xf32, #tpu.memory_space<vmem>> -> memref<1x1x64x128xf32, #tpu.memory_space<vmem>>
      %dma_wait3A_257 = tpu.memref_squeeze %dma_wait3A_256 : memref<1x1x64x128xf32, #tpu.memory_space<vmem>> -> memref<64x128xf32, #tpu.memory_space<vmem>>
      %dma_wait3A_258 = arith.constant 0 : i32
      %dma_wait3A_259 = arith.constant 0 : i32
      %dma_wait3A_260 = tpu.memref_slice %arg3[%dma_wait3A_258, %dma_wait3A_259] : memref<64x1000000xf32, #tpu.memory_space<hbm>> -> memref<64x128xf32, #tpu.memory_space<hbm>>
      %dma_wait3A_261 = arith.constant 0 : i32
      %dma_wait3A_262 = arith.constant 0 : i32
      %dma_wait3A_263 = tpu.memref_slice %arg11[%dma_wait3A_252, %dma_wait3A_253, %dma_wait3A_261, %dma_wait3A_262] : memref<2x4x64x128xf32, #tpu.memory_space<vmem>> -> memref<1x1x64x128xf32, #tpu.memory_space<vmem>>
      %dma_wait3A_264 = tpu.memref_squeeze %dma_wait3A_263 : memref<1x1x64x128xf32, #tpu.memory_space<vmem>> -> memref<64x128xf32, #tpu.memory_space<vmem>>
      %dma_wait3A_265 = arith.constant 0 : i32
      %dma_wait3A_266 = arith.constant 0 : i32
      %dma_wait3A_267 = tpu.memref_slice %arg3[%dma_wait3A_265, %dma_wait3A_266] : memref<64x1000000xf32, #tpu.memory_space<hbm>> -> memref<64x128xf32, #tpu.memory_space<hbm>>
      tpu.wait_dma2 semaphore(%arg16 : memref<!tpu.dma_semaphore, #tpu.memory_space<semaphore_mem>>) src(%dma_wait3A_267 : memref<64x128xf32, #tpu.memory_space<hbm>>) dst(%dma_wait3A_264 : memref<64x128xf32, #tpu.memory_space<vmem>>)
      %dma_wait3A_268 = arith.constant 0 : i32
      %dma_wait3A_269 = arith.constant 2 : i32
      %dma_wait3A_270 = arith.constant 0 : i32
      %dma_wait3A_271 = arith.constant 0 : i32
      %dma_wait3A_272 = tpu.memref_slice %arg11[%dma_wait3A_268, %dma_wait3A_269, %dma_wait3A_270, %dma_wait3A_271] : memref<2x4x64x128xf32, #tpu.memory_space<vmem>> -> memref<1x1x64x128xf32, #tpu.memory_space<vmem>>
      %dma_wait3A_273 = tpu.memref_squeeze %dma_wait3A_272 : memref<1x1x64x128xf32, #tpu.memory_space<vmem>> -> memref<64x128xf32, #tpu.memory_space<vmem>>
      %dma_wait3A_274 = arith.constant 0 : i32
      %dma_wait3A_275 = arith.constant 0 : i32
      %dma_wait3A_276 = tpu.memref_slice %arg3[%dma_wait3A_274, %dma_wait3A_275] : memref<64x1000000xf32, #tpu.memory_space<hbm>> -> memref<64x128xf32, #tpu.memory_space<hbm>>
      %dma_wait3A_277 = arith.constant 0 : i32
      %dma_wait3A_278 = arith.constant 0 : i32
      %dma_wait3A_279 = tpu.memref_slice %arg11[%dma_wait3A_268, %dma_wait3A_269, %dma_wait3A_277, %dma_wait3A_278] : memref<2x4x64x128xf32, #tpu.memory_space<vmem>> -> memref<1x1x64x128xf32, #tpu.memory_space<vmem>>
      %dma_wait3A_280 = tpu.memref_squeeze %dma_wait3A_279 : memref<1x1x64x128xf32, #tpu.memory_space<vmem>> -> memref<64x128xf32, #tpu.memory_space<vmem>>
      %dma_wait3A_281 = arith.constant 0 : i32
      %dma_wait3A_282 = arith.constant 0 : i32
      %dma_wait3A_283 = tpu.memref_slice %arg3[%dma_wait3A_281, %dma_wait3A_282] : memref<64x1000000xf32, #tpu.memory_space<hbm>> -> memref<64x128xf32, #tpu.memory_space<hbm>>
      tpu.wait_dma2 semaphore(%arg16 : memref<!tpu.dma_semaphore, #tpu.memory_space<semaphore_mem>>) src(%dma_wait3A_283 : memref<64x128xf32, #tpu.memory_space<hbm>>) dst(%dma_wait3A_280 : memref<64x128xf32, #tpu.memory_space<vmem>>)
      %dma_wait3A_284 = arith.constant 0 : i32
      %dma_wait3A_285 = arith.constant 3 : i32
      %dma_wait3A_286 = arith.constant 0 : i32
      %dma_wait3A_287 = arith.constant 0 : i32
      %dma_wait3A_288 = tpu.memref_slice %arg11[%dma_wait3A_284, %dma_wait3A_285, %dma_wait3A_286, %dma_wait3A_287] : memref<2x4x64x128xf32, #tpu.memory_space<vmem>> -> memref<1x1x64x128xf32, #tpu.memory_space<vmem>>
      %dma_wait3A_289 = tpu.memref_squeeze %dma_wait3A_288 : memref<1x1x64x128xf32, #tpu.memory_space<vmem>> -> memref<64x128xf32, #tpu.memory_space<vmem>>
      %dma_wait3A_290 = arith.constant 0 : i32
      %dma_wait3A_291 = arith.constant 0 : i32
      %dma_wait3A_292 = tpu.memref_slice %arg3[%dma_wait3A_290, %dma_wait3A_291] : memref<64x1000000xf32, #tpu.memory_space<hbm>> -> memref<64x128xf32, #tpu.memory_space<hbm>>
      %dma_wait3A_293 = arith.constant 0 : i32
      %dma_wait3A_294 = arith.constant 0 : i32
      %dma_wait3A_295 = tpu.memref_slice %arg11[%dma_wait3A_284, %dma_wait3A_285, %dma_wait3A_293, %dma_wait3A_294] : memref<2x4x64x128xf32, #tpu.memory_space<vmem>> -> memref<1x1x64x128xf32, #tpu.memory_space<vmem>>
      %dma_wait3A_296 = tpu.memref_squeeze %dma_wait3A_295 : memref<1x1x64x128xf32, #tpu.memory_space<vmem>> -> memref<64x128xf32, #tpu.memory_space<vmem>>
      %dma_wait3A_297 = arith.constant 0 : i32
      %dma_wait3A_298 = arith.constant 0 : i32
      %dma_wait3A_299 = tpu.memref_slice %arg3[%dma_wait3A_297, %dma_wait3A_298] : memref<64x1000000xf32, #tpu.memory_space<hbm>> -> memref<64x128xf32, #tpu.memory_space<hbm>>
      tpu.wait_dma2 semaphore(%arg16 : memref<!tpu.dma_semaphore, #tpu.memory_space<semaphore_mem>>) src(%dma_wait3A_299 : memref<64x128xf32, #tpu.memory_space<hbm>>) dst(%dma_wait3A_296 : memref<64x128xf32, #tpu.memory_space<vmem>>)
      %mul3A_300 = arith.constant 4 : i32
      %mul3A_301 = arith.muli %add3A_236, %mul3A_300 : i32
      %add3A_302 = arith.addi %mul3A_2, %mul3A_301 : i32
      %add3A_303 = arith.constant 16 : i32
      %add3A_304 = arith.addi %get3A_214, %add3A_303 : i32
      %sub3A = arith.constant 1 : i32
      %sub3A_305 = arith.subi %add3A_304, %sub3A : i32
      %shift_right_logical3A = arith.constant 4 : i32
      %shift_right_logical3A_306 = arith.shrui %sub3A_305, %shift_right_logical3A : i32
      %while3A = arith.constant 0 : i32
      %while3A_307 = arith.constant 0 : i32
      %while3A_308 = arith.subi %shift_right_logical3A_306, %while3A : i32
      %while3A_309 = arith.addi %while3A, %while3A_308 : i32
      %while3A_310 = arith.constant 1 : i32
      %while3A_311 = arith.divsi %while3A_308, %while3A_310 : i32
      %while3A_312 = arith.muli %while3A_311, %while3A_310 : i32
      %while3A_313 = arith.addi %while3A, %while3A_312 : i32
      %while3A_314 = arith.constant 1 : i32
      %while3A_315 = scf.for %while3A_421 = %while3A to %while3A_313 step %while3A_314 iter_args(%while3A_422 = %while3A_307) -> (i32)  : i32 {
        %mul3A_423 = arith.constant 16 : i32
        %mul3A_424 = arith.muli %while3A_421, %mul3A_423 : i32
        %get3A_425 = arith.index_cast %mul3A_424 : i32 to index
        %get3A_426 = tpu.vector_load %arg7[%get3A_425] {strides = array<i32>} : memref<16400xi32, #tpu.memory_space<vmem>>, vector<16xi32>,
        %mul3A_427 = arith.constant 16 : i32
        %mul3A_428 = arith.muli %while3A_421, %mul3A_427 : i32
        %get3A_429 = arith.index_cast %mul3A_428 : i32 to index
        %get3A_430 = tpu.vector_load %arg8[%get3A_429] {strides = array<i32>} : memref<16400xi32, #tpu.memory_space<vmem>>, vector<16xi32>,
        %shift_right_logical3A_431 = arith.constant 7 : i32
        %shift_right_logical3A_432 = vector.broadcast %shift_right_logical3A_431 : i32 to vector<16xi32>
        %shift_right_logical3A_433 = arith.shrui %get3A_426, %shift_right_logical3A_432 : vector<16xi32>
        %mul3A_434 = arith.constant 16 : i32
        %mul3A_435 = arith.muli %while3A_421, %mul3A_434 : i32
        %add3A_436 = vector.broadcast %mul3A_435 : i32 to vector<16xi32>
        %add3A_437 = arith.addi %iota3A, %add3A_436 : vector<16xi32>
        %lt3A_438 = vector.broadcast %get3A_214 : i32 to vector<16xi32>
        %lt3A_439 = arith.cmpi slt, %add3A_437, %lt3A_438 : vector<16xi32>
        %ge3A = vector.broadcast %add3A_302 : i32 to vector<16xi32>
        %ge3A_440 = arith.cmpi sge, %shift_right_logical3A_433, %ge3A : vector<16xi32>
        %add3A_441 = arith.constant 4 : i32
        %add3A_442 = arith.addi %add3A_302, %add3A_441 : i32
        %lt3A_443 = vector.broadcast %add3A_442 : i32 to vector<16xi32>
        %lt3A_444 = arith.cmpi slt, %shift_right_logical3A_433, %lt3A_443 : vector<16xi32>
        %and3A = arith.andi %ge3A_440, %lt3A_444 : vector<16xi1>
        %and3A_445 = arith.andi %and3A, %lt3A_439 : vector<16xi1>
        %all_reduce_population_count3A = tpu.all_reduce %and3A_445 {dim = 0 : i64, kind = #tpu.reduction_kind<sum>} : vector<16xi1> -> vector<16xi32>
        %slice3A = vector.extract_strided_slice %all_reduce_population_count3A {offsets = [0], sizes = [1], strides = [1]} : vector<16xi32> to vector<1xi32>
        %squeeze3A = vector.extract %slice3A[0] : i32 from vector<1xi32>
        %swap3A_446 = arith.constant 0 : index
        %swap3A_447 = tpu.vector_load %arg9[%swap3A_446] masked %and3A_445 {strides = array<i32>} : memref<32xi32, #tpu.memory_space<vmem>>, vector<16xi32>, vector<16xi1>
        tpu.vector_store %arg9[%swap3A_446], %get3A_426 masked %and3A_445 {strides = array<i32>} : memref<32xi32, #tpu.memory_space<vmem>>, vector<16xi32>, vector<16xi1>
        %swap3A_448 = arith.constant 0 : index
        %swap3A_449 = tpu.vector_load %arg10[%swap3A_448] masked %and3A_445 {strides = array<i32>} : memref<32xi32, #tpu.memory_space<vmem>>, vector<16xi32>, vector<16xi1>
        tpu.vector_store %arg10[%swap3A_448], %get3A_430 masked %and3A_445 {strides = array<i32>} : memref<32xi32, #tpu.memory_space<vmem>>, vector<16xi32>, vector<16xi1>
        %while3A_450 = arith.constant 0 : i32
        %while3A_451 = arith.constant 0 : i32
        %while3A_452 = arith.subi %squeeze3A, %while3A_450 : i32
        %while3A_453 = arith.addi %while3A_450, %while3A_452 : i32
        %while3A_454 = arith.constant 1 : i32
        %while3A_455 = arith.divsi %while3A_452, %while3A_454 : i32
        %while3A_456 = arith.muli %while3A_455, %while3A_454 : i32
        %while3A_457 = arith.addi %while3A_450, %while3A_456 : i32
        %while3A_458 = arith.constant 1 : i32
        %while3A_459 = scf.for %while3A_463 = %while3A_450 to %while3A_457 step %while3A_458 iter_args(%while3A_464 = %while3A_451) -> (i32)  : i32 {
          %get3A_465 = arith.index_cast %while3A_463 : i32 to index
          %get3A_466 = tpu.vector_load %arg9[%get3A_465] {strides = array<i32>} : memref<32xi32, #tpu.memory_space<vmem>>, vector<16xi32>,
          %slice3A_467 = vector.extract_strided_slice %get3A_466 {offsets = [0], sizes = [1], strides = [1]} : vector<16xi32> to vector<1xi32>
          %squeeze3A_468 = vector.extract %slice3A_467[0] : i32 from vector<1xi32>
          %get3A_469 = arith.index_cast %while3A_463 : i32 to index
          %get3A_470 = tpu.vector_load %arg10[%get3A_469] {strides = array<i32>} : memref<32xi32, #tpu.memory_space<vmem>>, vector<16xi32>,
          %slice3A_471 = vector.extract_strided_slice %get3A_470 {offsets = [0], sizes = [1], strides = [1]} : vector<16xi32> to vector<1xi32>
          %squeeze3A_472 = vector.extract %slice3A_471[0] : i32 from vector<1xi32>
          %shift_right_logical3A_473 = arith.constant 7 : i32
          %shift_right_logical3A_474 = arith.shrui %squeeze3A_468, %shift_right_logical3A_473 : i32
          %eq3A_475 = arith.constant 7812 : i32
          %eq3A_476 = arith.cmpi eq, %shift_right_logical3A_474, %eq3A_475 : i32
          %not3A = arith.constant true
          %not3A_477 = arith.xori %eq3A_476, %not3A : i1
          %convert_element_type3A_478 = arith.extui %not3A_477 : i1 to i32
          %cond3A_479 = arith.constant 0 : i32
          %cond3A_480 = arith.cmpi ne, %convert_element_type3A_478, %cond3A_479 : i32
          scf.if %cond3A_480 {
            %sub3A_485 = arith.subi %shift_right_logical3A_474, %add3A_302 : i32
            %broadcast_in_dim3A = vector.broadcast %sub3A_485 : i32 to vector<16xi32>
            %and3A_486 = arith.constant 127 : i32
            %and3A_487 = arith.andi %squeeze3A_468, %and3A_486 : i32
            %broadcast_in_dim3A_488 = vector.broadcast %and3A_487 : i32 to vector<16xi32>
            %get3A_489 = arith.constant 1 : i32
            %get3A_490 = arith.index_cast %get3A_489 : i32 to index
            %get3A_491 = memref.load %arg15[%get3A_490] : memref<8xi32, #tpu.memory_space<smem>>
            %add3A_492 = arith.constant 0 : i32
            %add3A_493 = vector.broadcast %add3A_492 : i32 to vector<16xi32>
            %add3A_494 = arith.addi %iota3A, %add3A_493 : vector<16xi32>
            %gather3A = arith.constant 0 : i32
            %gather3A_495 = arith.constant 0 : i32
            %gather3A_496 = arith.constant 0 : i32
            %gather3A_497 = arith.constant 0 : i32
            %gather3A_498 = tpu.memref_slice %arg11[%gather3A, %gather3A_495, %gather3A_496, %gather3A_497] : memref<2x4x64x128xf32, #tpu.memory_space<vmem>> -> memref<1x4x64x128xf32, #tpu.memory_space<vmem>>
            %gather3A_499 = tpu.memref_squeeze %gather3A_498 : memref<1x4x64x128xf32, #tpu.memory_space<vmem>> -> memref<4x64x128xf32, #tpu.memory_space<vmem>>
            %gather3A_500 = tpu.vector_load_idx %gather3A_499[%broadcast_in_dim3A, %add3A_494, %broadcast_in_dim3A_488] : memref<4x64x128xf32, #tpu.memory_space<vmem>>[vector<16xi32>, vector<16xi32>, vector<16xi32>], vector<16xf32>,
            %swap3A_501 = arith.index_cast %get3A_491 : i32 to index
            %swap3A_502 = arith.constant 0 : index
            %swap3A_503 = tpu.vector_load %arg13[%swap3A_501, %swap3A_502] {strides = array<i32>} : memref<64x128xf32, #tpu.memory_space<vmem>>, vector<16xf32>,
            tpu.vector_store %arg13[%swap3A_501, %swap3A_502], %gather3A_500 {strides = array<i32>} : memref<64x128xf32, #tpu.memory_space<vmem>>, vector<16xf32>,
            %add3A_504 = arith.constant 16 : i32
            %add3A_505 = vector.broadcast %add3A_504 : i32 to vector<16xi32>
            %add3A_506 = arith.addi %iota3A, %add3A_505 : vector<16xi32>
            %gather3A_507 = arith.constant 0 : i32
            %gather3A_508 = arith.constant 0 : i32
            %gather3A_509 = arith.constant 0 : i32
            %gather3A_510 = arith.constant 0 : i32
            %gather3A_511 = tpu.memref_slice %arg11[%gather3A_507, %gather3A_508, %gather3A_509, %gather3A_510] : memref<2x4x64x128xf32, #tpu.memory_space<vmem>> -> memref<1x4x64x128xf32, #tpu.memory_space<vmem>>
            %gather3A_512 = tpu.memref_squeeze %gather3A_511 : memref<1x4x64x128xf32, #tpu.memory_space<vmem>> -> memref<4x64x128xf32, #tpu.memory_space<vmem>>
            %gather3A_513 = tpu.vector_load_idx %gather3A_512[%broadcast_in_dim3A, %add3A_506, %broadcast_in_dim3A_488] : memref<4x64x128xf32, #tpu.memory_space<vmem>>[vector<16xi32>, vector<16xi32>, vector<16xi32>], vector<16xf32>,
            %swap3A_514 = arith.index_cast %get3A_491 : i32 to index
            %swap3A_515 = arith.constant 16 : index
            %swap3A_516 = tpu.vector_load %arg13[%swap3A_514, %swap3A_515] {strides = array<i32>} : memref<64x128xf32, #tpu.memory_space<vmem>>, vector<16xf32>,
            tpu.vector_store %arg13[%swap3A_514, %swap3A_515], %gather3A_513 {strides = array<i32>} : memref<64x128xf32, #tpu.memory_space<vmem>>, vector<16xf32>,
            %add3A_517 = arith.constant 32 : i32
            %add3A_518 = vector.broadcast %add3A_517 : i32 to vector<16xi32>
            %add3A_519 = arith.addi %iota3A, %add3A_518 : vector<16xi32>
            %gather3A_520 = arith.constant 0 : i32
            %gather3A_521 = arith.constant 0 : i32
            %gather3A_522 = arith.constant 0 : i32
            %gather3A_523 = arith.constant 0 : i32
            %gather3A_524 = tpu.memref_slice %arg11[%gather3A_520, %gather3A_521, %gather3A_522, %gather3A_523] : memref<2x4x64x128xf32, #tpu.memory_space<vmem>> -> memref<1x4x64x128xf32, #tpu.memory_space<vmem>>
            %gather3A_525 = tpu.memref_squeeze %gather3A_524 : memref<1x4x64x128xf32, #tpu.memory_space<vmem>> -> memref<4x64x128xf32, #tpu.memory_space<vmem>>
            %gather3A_526 = tpu.vector_load_idx %gather3A_525[%broadcast_in_dim3A, %add3A_519, %broadcast_in_dim3A_488] : memref<4x64x128xf32, #tpu.memory_space<vmem>>[vector<16xi32>, vector<16xi32>, vector<16xi32>], vector<16xf32>,
            %swap3A_527 = arith.index_cast %get3A_491 : i32 to index
            %swap3A_528 = arith.constant 32 : index
            %swap3A_529 = tpu.vector_load %arg13[%swap3A_527, %swap3A_528] {strides = array<i32>} : memref<64x128xf32, #tpu.memory_space<vmem>>, vector<16xf32>,
            tpu.vector_store %arg13[%swap3A_527, %swap3A_528], %gather3A_526 {strides = array<i32>} : memref<64x128xf32, #tpu.memory_space<vmem>>, vector<16xf32>,
            %add3A_530 = arith.constant 48 : i32
            %add3A_531 = vector.broadcast %add3A_530 : i32 to vector<16xi32>
            %add3A_532 = arith.addi %iota3A, %add3A_531 : vector<16xi32>
            %gather3A_533 = arith.constant 0 : i32
            %gather3A_534 = arith.constant 0 : i32
            %gather3A_535 = arith.constant 0 : i32
            %gather3A_536 = arith.constant 0 : i32
            %gather3A_537 = tpu.memref_slice %arg11[%gather3A_533, %gather3A_534, %gather3A_535, %gather3A_536] : memref<2x4x64x128xf32, #tpu.memory_space<vmem>> -> memref<1x4x64x128xf32, #tpu.memory_space<vmem>>
            %gather3A_538 = tpu.memref_squeeze %gather3A_537 : memref<1x4x64x128xf32, #tpu.memory_space<vmem>> -> memref<4x64x128xf32, #tpu.memory_space<vmem>>
            %gather3A_539 = tpu.vector_load_idx %gather3A_538[%broadcast_in_dim3A, %add3A_532, %broadcast_in_dim3A_488] : memref<4x64x128xf32, #tpu.memory_space<vmem>>[vector<16xi32>, vector<16xi32>, vector<16xi32>], vector<16xf32>,
            %swap3A_540 = arith.index_cast %get3A_491 : i32 to index
            %swap3A_541 = arith.constant 48 : index
            %swap3A_542 = tpu.vector_load %arg13[%swap3A_540, %swap3A_541] {strides = array<i32>} : memref<64x128xf32, #tpu.memory_space<vmem>>, vector<16xf32>,
            tpu.vector_store %arg13[%swap3A_540, %swap3A_541], %gather3A_539 {strides = array<i32>} : memref<64x128xf32, #tpu.memory_space<vmem>>, vector<16xf32>,
            %broadcast_in_dim3A_543 = vector.broadcast %get3A_491 : i32 to vector<16xi32>
            %broadcast_in_dim3A_544 = vector.broadcast %squeeze3A_472 : i32 to vector<16xi32>
            tpu.vector_store_idx %arg14[%broadcast_in_dim3A_543], %broadcast_in_dim3A_544 masked %eq3A_7 : memref<80xi32, #tpu.memory_space<vmem>>[vector<16xi32>], vector<16xi32>, vector<16xi1>
            %add3A_545 = arith.constant 1 : i32
            %add3A_546 = arith.addi %get3A_491, %add3A_545 : i32
            %swap3A_547 = arith.constant 1 : i32
            %swap3A_548 = arith.index_cast %swap3A_547 : i32 to index
            %swap3A_549 = memref.load %arg15[%swap3A_548] : memref<8xi32, #tpu.memory_space<smem>>
            memref.store %add3A_546, %arg15[%swap3A_548] : memref<8xi32, #tpu.memory_space<smem>>
            %add3A_550 = arith.constant 1 : i32
            %add3A_551 = arith.addi %get3A_491, %add3A_550 : i32
            %eq3A_552 = arith.constant 64 : i32
            %eq3A_553 = arith.cmpi eq, %add3A_551, %eq3A_552 : i32
            %convert_element_type3A_554 = arith.extui %eq3A_553 : i1 to i32
            %cond3A_555 = arith.constant 0 : i32
            %cond3A_556 = arith.cmpi ne, %convert_element_type3A_554, %cond3A_555 : i32
            scf.if %cond3A_556 {
              %dma_start3A_557 = arith.constant 0 : i32
              %dma_start3A_558 = tpu.memref_slice %arg14[%dma_start3A_557] : memref<80xi32, #tpu.memory_space<vmem>> -> memref<64xi32, #tpu.memory_space<vmem>>
              %dma_start3A_559 = arith.constant 0 : i32
              %dma_start3A_560 = arith.constant 0 : i32
              %dma_start3A_561 = tpu.memref_slice %arg5[%dma_start3A_559, %dma_start3A_560] : memref<16384x128xf32, #tpu.memory_space<hbm>> -> memref<16384x128xf32, #tpu.memory_space<hbm>>
              tpu.enqueue_indirect_dma source(%arg13 : memref<64x128xf32, #tpu.memory_space<vmem>>) target(%dma_start3A_561 : memref<16384x128xf32, #tpu.memory_space<hbm>>) offsets(%dma_start3A_558 : memref<64xi32, #tpu.memory_space<vmem>>) semaphore(%arg18 : memref<!tpu.dma_semaphore, #tpu.memory_space<semaphore_mem>>)
              %dma_wait3A_562 = arith.constant 0 : i32
              %dma_wait3A_563 = tpu.memref_slice %arg14[%dma_wait3A_562] : memref<80xi32, #tpu.memory_space<vmem>> -> memref<64xi32, #tpu.memory_space<vmem>>
              %dma_wait3A_564 = arith.constant 0 : i32
              %dma_wait3A_565 = arith.constant 0 : i32
              %dma_wait3A_566 = tpu.memref_slice %arg5[%dma_wait3A_564, %dma_wait3A_565] : memref<16384x128xf32, #tpu.memory_space<hbm>> -> memref<16384x128xf32, #tpu.memory_space<hbm>>
              tpu.wait_indirect_dma semaphore(%arg18 : memref<!tpu.dma_semaphore, #tpu.memory_space<semaphore_mem>>) src(%arg13 : memref<64x128xf32, #tpu.memory_space<vmem>>) dst(%dma_wait3A_566 : memref<16384x128xf32, #tpu.memory_space<hbm>>)
              %swap3A_567 = arith.constant 0 : i32
              %swap3A_568 = arith.constant 1 : i32
              %swap3A_569 = arith.index_cast %swap3A_568 : i32 to index
              %swap3A_570 = memref.load %arg15[%swap3A_569] : memref<8xi32, #tpu.memory_space<smem>>
              memref.store %swap3A_567, %arg15[%swap3A_569] : memref<8xi32, #tpu.memory_space<smem>>
            } else {
            }
          } else {
          }
          %convert_element_type3A_481 = arith.extui %eq3A_476 : i1 to i32
          %cond3A_482 = arith.constant 0 : i32
          %cond3A_483 = arith.cmpi ne, %convert_element_type3A_481, %cond3A_482 : i32
          scf.if %cond3A_483 {
            %and3A_485 = arith.constant 127 : i32
            %and3A_486 = arith.andi %squeeze3A_468, %and3A_485 : i32
            %broadcast_in_dim3A = vector.broadcast %and3A_486 : i32 to vector<16xi32>
            %get3A_487 = arith.constant 1 : i32
            %get3A_488 = arith.index_cast %get3A_487 : i32 to index
            %get3A_489 = memref.load %arg15[%get3A_488] : memref<8xi32, #tpu.memory_space<smem>>
            %add3A_490 = arith.constant 0 : i32
            %add3A_491 = vector.broadcast %add3A_490 : i32 to vector<16xi32>
            %add3A_492 = arith.addi %iota3A, %add3A_491 : vector<16xi32>
            %gather3A = tpu.vector_load_idx %arg12[%add3A_492, %broadcast_in_dim3A] : memref<64x128xf32, #tpu.memory_space<vmem>>[vector<16xi32>, vector<16xi32>], vector<16xf32>,
            %swap3A_493 = arith.index_cast %get3A_489 : i32 to index
            %swap3A_494 = arith.constant 0 : index
            %swap3A_495 = tpu.vector_load %arg13[%swap3A_493, %swap3A_494] {strides = array<i32>} : memref<64x128xf32, #tpu.memory_space<vmem>>, vector<16xf32>,
            tpu.vector_store %arg13[%swap3A_493, %swap3A_494], %gather3A {strides = array<i32>} : memref<64x128xf32, #tpu.memory_space<vmem>>, vector<16xf32>,
            %add3A_496 = arith.constant 16 : i32
            %add3A_497 = vector.broadcast %add3A_496 : i32 to vector<16xi32>
            %add3A_498 = arith.addi %iota3A, %add3A_497 : vector<16xi32>
            %gather3A_499 = tpu.vector_load_idx %arg12[%add3A_498, %broadcast_in_dim3A] : memref<64x128xf32, #tpu.memory_space<vmem>>[vector<16xi32>, vector<16xi32>], vector<16xf32>,
            %swap3A_500 = arith.index_cast %get3A_489 : i32 to index
            %swap3A_501 = arith.constant 16 : index
            %swap3A_502 = tpu.vector_load %arg13[%swap3A_500, %swap3A_501] {strides = array<i32>} : memref<64x128xf32, #tpu.memory_space<vmem>>, vector<16xf32>,
            tpu.vector_store %arg13[%swap3A_500, %swap3A_501], %gather3A_499 {strides = array<i32>} : memref<64x128xf32, #tpu.memory_space<vmem>>, vector<16xf32>,
            %add3A_503 = arith.constant 32 : i32
            %add3A_504 = vector.broadcast %add3A_503 : i32 to vector<16xi32>
            %add3A_505 = arith.addi %iota3A, %add3A_504 : vector<16xi32>
            %gather3A_506 = tpu.vector_load_idx %arg12[%add3A_505, %broadcast_in_dim3A] : memref<64x128xf32, #tpu.memory_space<vmem>>[vector<16xi32>, vector<16xi32>], vector<16xf32>,
            %swap3A_507 = arith.index_cast %get3A_489 : i32 to index
            %swap3A_508 = arith.constant 32 : index
            %swap3A_509 = tpu.vector_load %arg13[%swap3A_507, %swap3A_508] {strides = array<i32>} : memref<64x128xf32, #tpu.memory_space<vmem>>, vector<16xf32>,
            tpu.vector_store %arg13[%swap3A_507, %swap3A_508], %gather3A_506 {strides = array<i32>} : memref<64x128xf32, #tpu.memory_space<vmem>>, vector<16xf32>,
            %add3A_510 = arith.constant 48 : i32
            %add3A_511 = vector.broadcast %add3A_510 : i32 to vector<16xi32>
            %add3A_512 = arith.addi %iota3A, %add3A_511 : vector<16xi32>
            %gather3A_513 = tpu.vector_load_idx %arg12[%add3A_512, %broadcast_in_dim3A] : memref<64x128xf32, #tpu.memory_space<vmem>>[vector<16xi32>, vector<16xi32>], vector<16xf32>,
            %swap3A_514 = arith.index_cast %get3A_489 : i32 to index
            %swap3A_515 = arith.constant 48 : index
            %swap3A_516 = tpu.vector_load %arg13[%swap3A_514, %swap3A_515] {strides = array<i32>} : memref<64x128xf32, #tpu.memory_space<vmem>>, vector<16xf32>,
            tpu.vector_store %arg13[%swap3A_514, %swap3A_515], %gather3A_513 {strides = array<i32>} : memref<64x128xf32, #tpu.memory_space<vmem>>, vector<16xf32>,
            %broadcast_in_dim3A_517 = vector.broadcast %get3A_489 : i32 to vector<16xi32>
            %broadcast_in_dim3A_518 = vector.broadcast %squeeze3A_472 : i32 to vector<16xi32>
            tpu.vector_store_idx %arg14[%broadcast_in_dim3A_517], %broadcast_in_dim3A_518 masked %eq3A_7 : memref<80xi32, #tpu.memory_space<vmem>>[vector<16xi32>], vector<16xi32>, vector<16xi1>
            %add3A_519 = arith.constant 1 : i32
            %add3A_520 = arith.addi %get3A_489, %add3A_519 : i32
            %swap3A_521 = arith.constant 1 : i32
            %swap3A_522 = arith.index_cast %swap3A_521 : i32 to index
            %swap3A_523 = memref.load %arg15[%swap3A_522] : memref<8xi32, #tpu.memory_space<smem>>
            memref.store %add3A_520, %arg15[%swap3A_522] : memref<8xi32, #tpu.memory_space<smem>>
            %add3A_524 = arith.constant 1 : i32
            %add3A_525 = arith.addi %get3A_489, %add3A_524 : i32
            %eq3A_526 = arith.constant 64 : i32
            %eq3A_527 = arith.cmpi eq, %add3A_525, %eq3A_526 : i32
            %convert_element_type3A_528 = arith.extui %eq3A_527 : i1 to i32
            %cond3A_529 = arith.constant 0 : i32
            %cond3A_530 = arith.cmpi ne, %convert_element_type3A_528, %cond3A_529 : i32
            scf.if %cond3A_530 {
              %dma_start3A_531 = arith.constant 0 : i32
              %dma_start3A_532 = tpu.memref_slice %arg14[%dma_start3A_531] : memref<80xi32, #tpu.memory_space<vmem>> -> memref<64xi32, #tpu.memory_space<vmem>>
              %dma_start3A_533 = arith.constant 0 : i32
              %dma_start3A_534 = arith.constant 0 : i32
              %dma_start3A_535 = tpu.memref_slice %arg5[%dma_start3A_533, %dma_start3A_534] : memref<16384x128xf32, #tpu.memory_space<hbm>> -> memref<16384x128xf32, #tpu.memory_space<hbm>>
              tpu.enqueue_indirect_dma source(%arg13 : memref<64x128xf32, #tpu.memory_space<vmem>>) target(%dma_start3A_535 : memref<16384x128xf32, #tpu.memory_space<hbm>>) offsets(%dma_start3A_532 : memref<64xi32, #tpu.memory_space<vmem>>) semaphore(%arg18 : memref<!tpu.dma_semaphore, #tpu.memory_space<semaphore_mem>>)
              %dma_wait3A_536 = arith.constant 0 : i32
              %dma_wait3A_537 = tpu.memref_slice %arg14[%dma_wait3A_536] : memref<80xi32, #tpu.memory_space<vmem>> -> memref<64xi32, #tpu.memory_space<vmem>>
              %dma_wait3A_538 = arith.constant 0 : i32
              %dma_wait3A_539 = arith.constant 0 : i32
              %dma_wait3A_540 = tpu.memref_slice %arg5[%dma_wait3A_538, %dma_wait3A_539] : memref<16384x128xf32, #tpu.memory_space<hbm>> -> memref<16384x128xf32, #tpu.memory_space<hbm>>
              tpu.wait_indirect_dma semaphore(%arg18 : memref<!tpu.dma_semaphore, #tpu.memory_space<semaphore_mem>>) src(%arg13 : memref<64x128xf32, #tpu.memory_space<vmem>>) dst(%dma_wait3A_540 : memref<16384x128xf32, #tpu.memory_space<hbm>>)
              %swap3A_541 = arith.constant 0 : i32
              %swap3A_542 = arith.constant 1 : i32
              %swap3A_543 = arith.index_cast %swap3A_542 : i32 to index
              %swap3A_544 = memref.load %arg15[%swap3A_543] : memref<8xi32, #tpu.memory_space<smem>>
              memref.store %swap3A_541, %arg15[%swap3A_543] : memref<8xi32, #tpu.memory_space<smem>>
            } else {
            }
          } else {
          }
          %while3A_484 = arith.constant 0 : i32
          scf.yield %while3A_484 : i32
        }
        %while3A_460 = arith.constant 1 : i32
        %while3A_461 = scf.for %while3A_463 = %while3A_457 to %while3A_453 step %while3A_460 iter_args(%while3A_464 = %while3A_459) -> (i32)  : i32 {
          %get3A_465 = arith.index_cast %while3A_463 : i32 to index
          %get3A_466 = tpu.vector_load %arg9[%get3A_465] {strides = array<i32>} : memref<32xi32, #tpu.memory_space<vmem>>, vector<16xi32>,
          %slice3A_467 = vector.extract_strided_slice %get3A_466 {offsets = [0], sizes = [1], strides = [1]} : vector<16xi32> to vector<1xi32>
          %squeeze3A_468 = vector.extract %slice3A_467[0] : i32 from vector<1xi32>
          %get3A_469 = arith.index_cast %while3A_463 : i32 to index
          %get3A_470 = tpu.vector_load %arg10[%get3A_469] {strides = array<i32>} : memref<32xi32, #tpu.memory_space<vmem>>, vector<16xi32>,
          %slice3A_471 = vector.extract_strided_slice %get3A_470 {offsets = [0], sizes = [1], strides = [1]} : vector<16xi32> to vector<1xi32>
          %squeeze3A_472 = vector.extract %slice3A_471[0] : i32 from vector<1xi32>
          %shift_right_logical3A_473 = arith.constant 7 : i32
          %shift_right_logical3A_474 = arith.shrui %squeeze3A_468, %shift_right_logical3A_473 : i32
          %eq3A_475 = arith.constant 7812 : i32
          %eq3A_476 = arith.cmpi eq, %shift_right_logical3A_474, %eq3A_475 : i32
          %not3A = arith.constant true
          %not3A_477 = arith.xori %eq3A_476, %not3A : i1
          %convert_element_type3A_478 = arith.extui %not3A_477 : i1 to i32
          %cond3A_479 = arith.constant 0 : i32
          %cond3A_480 = arith.cmpi ne, %convert_element_type3A_478, %cond3A_479 : i32
          scf.if %cond3A_480 {
            %sub3A_485 = arith.subi %shift_right_logical3A_474, %add3A_302 : i32
            %broadcast_in_dim3A = vector.broadcast %sub3A_485 : i32 to vector<16xi32>
            %and3A_486 = arith.constant 127 : i32
            %and3A_487 = arith.andi %squeeze3A_468, %and3A_486 : i32
            %broadcast_in_dim3A_488 = vector.broadcast %and3A_487 : i32 to vector<16xi32>
            %get3A_489 = arith.constant 1 : i32
            %get3A_490 = arith.index_cast %get3A_489 : i32 to index
            %get3A_491 = memref.load %arg15[%get3A_490] : memref<8xi32, #tpu.memory_space<smem>>
            %add3A_492 = arith.constant 0 : i32
            %add3A_493 = vector.broadcast %add3A_492 : i32 to vector<16xi32>
            %add3A_494 = arith.addi %iota3A, %add3A_493 : vector<16xi32>
            %gather3A = arith.constant 0 : i32
            %gather3A_495 = arith.constant 0 : i32
            %gather3A_496 = arith.constant 0 : i32
            %gather3A_497 = arith.constant 0 : i32
            %gather3A_498 = tpu.memref_slice %arg11[%gather3A, %gather3A_495, %gather3A_496, %gather3A_497] : memref<2x4x64x128xf32, #tpu.memory_space<vmem>> -> memref<1x4x64x128xf32, #tpu.memory_space<vmem>>
            %gather3A_499 = tpu.memref_squeeze %gather3A_498 : memref<1x4x64x128xf32, #tpu.memory_space<vmem>> -> memref<4x64x128xf32, #tpu.memory_space<vmem>>
            %gather3A_500 = tpu.vector_load_idx %gather3A_499[%broadcast_in_dim3A, %add3A_494, %broadcast_in_dim3A_488] : memref<4x64x128xf32, #tpu.memory_space<vmem>>[vector<16xi32>, vector<16xi32>, vector<16xi32>], vector<16xf32>,
            %swap3A_501 = arith.index_cast %get3A_491 : i32 to index
            %swap3A_502 = arith.constant 0 : index
            %swap3A_503 = tpu.vector_load %arg13[%swap3A_501, %swap3A_502] {strides = array<i32>} : memref<64x128xf32, #tpu.memory_space<vmem>>, vector<16xf32>,
            tpu.vector_store %arg13[%swap3A_501, %swap3A_502], %gather3A_500 {strides = array<i32>} : memref<64x128xf32, #tpu.memory_space<vmem>>, vector<16xf32>,
            %add3A_504 = arith.constant 16 : i32
            %add3A_505 = vector.broadcast %add3A_504 : i32 to vector<16xi32>
            %add3A_506 = arith.addi %iota3A, %add3A_505 : vector<16xi32>
            %gather3A_507 = arith.constant 0 : i32
            %gather3A_508 = arith.constant 0 : i32
            %gather3A_509 = arith.constant 0 : i32
            %gather3A_510 = arith.constant 0 : i32
            %gather3A_511 = tpu.memref_slice %arg11[%gather3A_507, %gather3A_508, %gather3A_509, %gather3A_510] : memref<2x4x64x128xf32, #tpu.memory_space<vmem>> -> memref<1x4x64x128xf32, #tpu.memory_space<vmem>>
            %gather3A_512 = tpu.memref_squeeze %gather3A_511 : memref<1x4x64x128xf32, #tpu.memory_space<vmem>> -> memref<4x64x128xf32, #tpu.memory_space<vmem>>
            %gather3A_513 = tpu.vector_load_idx %gather3A_512[%broadcast_in_dim3A, %add3A_506, %broadcast_in_dim3A_488] : memref<4x64x128xf32, #tpu.memory_space<vmem>>[vector<16xi32>, vector<16xi32>, vector<16xi32>], vector<16xf32>,
            %swap3A_514 = arith.index_cast %get3A_491 : i32 to index
            %swap3A_515 = arith.constant 16 : index
            %swap3A_516 = tpu.vector_load %arg13[%swap3A_514, %swap3A_515] {strides = array<i32>} : memref<64x128xf32, #tpu.memory_space<vmem>>, vector<16xf32>,
            tpu.vector_store %arg13[%swap3A_514, %swap3A_515], %gather3A_513 {strides = array<i32>} : memref<64x128xf32, #tpu.memory_space<vmem>>, vector<16xf32>,
            %add3A_517 = arith.constant 32 : i32
            %add3A_518 = vector.broadcast %add3A_517 : i32 to vector<16xi32>
            %add3A_519 = arith.addi %iota3A, %add3A_518 : vector<16xi32>
            %gather3A_520 = arith.constant 0 : i32
            %gather3A_521 = arith.constant 0 : i32
            %gather3A_522 = arith.constant 0 : i32
            %gather3A_523 = arith.constant 0 : i32
            %gather3A_524 = tpu.memref_slice %arg11[%gather3A_520, %gather3A_521, %gather3A_522, %gather3A_523] : memref<2x4x64x128xf32, #tpu.memory_space<vmem>> -> memref<1x4x64x128xf32, #tpu.memory_space<vmem>>
            %gather3A_525 = tpu.memref_squeeze %gather3A_524 : memref<1x4x64x128xf32, #tpu.memory_space<vmem>> -> memref<4x64x128xf32, #tpu.memory_space<vmem>>
            %gather3A_526 = tpu.vector_load_idx %gather3A_525[%broadcast_in_dim3A, %add3A_519, %broadcast_in_dim3A_488] : memref<4x64x128xf32, #tpu.memory_space<vmem>>[vector<16xi32>, vector<16xi32>, vector<16xi32>], vector<16xf32>,
            %swap3A_527 = arith.index_cast %get3A_491 : i32 to index
            %swap3A_528 = arith.constant 32 : index
            %swap3A_529 = tpu.vector_load %arg13[%swap3A_527, %swap3A_528] {strides = array<i32>} : memref<64x128xf32, #tpu.memory_space<vmem>>, vector<16xf32>,
            tpu.vector_store %arg13[%swap3A_527, %swap3A_528], %gather3A_526 {strides = array<i32>} : memref<64x128xf32, #tpu.memory_space<vmem>>, vector<16xf32>,
            %add3A_530 = arith.constant 48 : i32
            %add3A_531 = vector.broadcast %add3A_530 : i32 to vector<16xi32>
            %add3A_532 = arith.addi %iota3A, %add3A_531 : vector<16xi32>
            %gather3A_533 = arith.constant 0 : i32
            %gather3A_534 = arith.constant 0 : i32
            %gather3A_535 = arith.constant 0 : i32
            %gather3A_536 = arith.constant 0 : i32
            %gather3A_537 = tpu.memref_slice %arg11[%gather3A_533, %gather3A_534, %gather3A_535, %gather3A_536] : memref<2x4x64x128xf32, #tpu.memory_space<vmem>> -> memref<1x4x64x128xf32, #tpu.memory_space<vmem>>
            %gather3A_538 = tpu.memref_squeeze %gather3A_537 : memref<1x4x64x128xf32, #tpu.memory_space<vmem>> -> memref<4x64x128xf32, #tpu.memory_space<vmem>>
            %gather3A_539 = tpu.vector_load_idx %gather3A_538[%broadcast_in_dim3A, %add3A_532, %broadcast_in_dim3A_488] : memref<4x64x128xf32, #tpu.memory_space<vmem>>[vector<16xi32>, vector<16xi32>, vector<16xi32>], vector<16xf32>,
            %swap3A_540 = arith.index_cast %get3A_491 : i32 to index
            %swap3A_541 = arith.constant 48 : index
            %swap3A_542 = tpu.vector_load %arg13[%swap3A_540, %swap3A_541] {strides = array<i32>} : memref<64x128xf32, #tpu.memory_space<vmem>>, vector<16xf32>,
            tpu.vector_store %arg13[%swap3A_540, %swap3A_541], %gather3A_539 {strides = array<i32>} : memref<64x128xf32, #tpu.memory_space<vmem>>, vector<16xf32>,
            %broadcast_in_dim3A_543 = vector.broadcast %get3A_491 : i32 to vector<16xi32>
            %broadcast_in_dim3A_544 = vector.broadcast %squeeze3A_472 : i32 to vector<16xi32>
            tpu.vector_store_idx %arg14[%broadcast_in_dim3A_543], %broadcast_in_dim3A_544 masked %eq3A_7 : memref<80xi32, #tpu.memory_space<vmem>>[vector<16xi32>], vector<16xi32>, vector<16xi1>
            %add3A_545 = arith.constant 1 : i32
            %add3A_546 = arith.addi %get3A_491, %add3A_545 : i32
            %swap3A_547 = arith.constant 1 : i32
            %swap3A_548 = arith.index_cast %swap3A_547 : i32 to index
            %swap3A_549 = memref.load %arg15[%swap3A_548] : memref<8xi32, #tpu.memory_space<smem>>
            memref.store %add3A_546, %arg15[%swap3A_548] : memref<8xi32, #tpu.memory_space<smem>>
            %add3A_550 = arith.constant 1 : i32
            %add3A_551 = arith.addi %get3A_491, %add3A_550 : i32
            %eq3A_552 = arith.constant 64 : i32
            %eq3A_553 = arith.cmpi eq, %add3A_551, %eq3A_552 : i32
            %convert_element_type3A_554 = arith.extui %eq3A_553 : i1 to i32
            %cond3A_555 = arith.constant 0 : i32
            %cond3A_556 = arith.cmpi ne, %convert_element_type3A_554, %cond3A_555 : i32
            scf.if %cond3A_556 {
              %dma_start3A_557 = arith.constant 0 : i32
              %dma_start3A_558 = tpu.memref_slice %arg14[%dma_start3A_557] : memref<80xi32, #tpu.memory_space<vmem>> -> memref<64xi32, #tpu.memory_space<vmem>>
              %dma_start3A_559 = arith.constant 0 : i32
              %dma_start3A_560 = arith.constant 0 : i32
              %dma_start3A_561 = tpu.memref_slice %arg5[%dma_start3A_559, %dma_start3A_560] : memref<16384x128xf32, #tpu.memory_space<hbm>> -> memref<16384x128xf32, #tpu.memory_space<hbm>>
              tpu.enqueue_indirect_dma source(%arg13 : memref<64x128xf32, #tpu.memory_space<vmem>>) target(%dma_start3A_561 : memref<16384x128xf32, #tpu.memory_space<hbm>>) offsets(%dma_start3A_558 : memref<64xi32, #tpu.memory_space<vmem>>) semaphore(%arg18 : memref<!tpu.dma_semaphore, #tpu.memory_space<semaphore_mem>>)
              %dma_wait3A_562 = arith.constant 0 : i32
              %dma_wait3A_563 = tpu.memref_slice %arg14[%dma_wait3A_562] : memref<80xi32, #tpu.memory_space<vmem>> -> memref<64xi32, #tpu.memory_space<vmem>>
              %dma_wait3A_564 = arith.constant 0 : i32
              %dma_wait3A_565 = arith.constant 0 : i32
              %dma_wait3A_566 = tpu.memref_slice %arg5[%dma_wait3A_564, %dma_wait3A_565] : memref<16384x128xf32, #tpu.memory_space<hbm>> -> memref<16384x128xf32, #tpu.memory_space<hbm>>
              tpu.wait_indirect_dma semaphore(%arg18 : memref<!tpu.dma_semaphore, #tpu.memory_space<semaphore_mem>>) src(%arg13 : memref<64x128xf32, #tpu.memory_space<vmem>>) dst(%dma_wait3A_566 : memref<16384x128xf32, #tpu.memory_space<hbm>>)
              %swap3A_567 = arith.constant 0 : i32
              %swap3A_568 = arith.constant 1 : i32
              %swap3A_569 = arith.index_cast %swap3A_568 : i32 to index
              %swap3A_570 = memref.load %arg15[%swap3A_569] : memref<8xi32, #tpu.memory_space<smem>>
              memref.store %swap3A_567, %arg15[%swap3A_569] : memref<8xi32, #tpu.memory_space<smem>>
            } else {
            }
          } else {
          }
          %convert_element_type3A_481 = arith.extui %eq3A_476 : i1 to i32
          %cond3A_482 = arith.constant 0 : i32
          %cond3A_483 = arith.cmpi ne, %convert_element_type3A_481, %cond3A_482 : i32
          scf.if %cond3A_483 {
            %and3A_485 = arith.constant 127 : i32
            %and3A_486 = arith.andi %squeeze3A_468, %and3A_485 : i32
            %broadcast_in_dim3A = vector.broadcast %and3A_486 : i32 to vector<16xi32>
            %get3A_487 = arith.constant 1 : i32
            %get3A_488 = arith.index_cast %get3A_487 : i32 to index
            %get3A_489 = memref.load %arg15[%get3A_488] : memref<8xi32, #tpu.memory_space<smem>>
            %add3A_490 = arith.constant 0 : i32
            %add3A_491 = vector.broadcast %add3A_490 : i32 to vector<16xi32>
            %add3A_492 = arith.addi %iota3A, %add3A_491 : vector<16xi32>
            %gather3A = tpu.vector_load_idx %arg12[%add3A_492, %broadcast_in_dim3A] : memref<64x128xf32, #tpu.memory_space<vmem>>[vector<16xi32>, vector<16xi32>], vector<16xf32>,
            %swap3A_493 = arith.index_cast %get3A_489 : i32 to index
            %swap3A_494 = arith.constant 0 : index
            %swap3A_495 = tpu.vector_load %arg13[%swap3A_493, %swap3A_494] {strides = array<i32>} : memref<64x128xf32, #tpu.memory_space<vmem>>, vector<16xf32>,
            tpu.vector_store %arg13[%swap3A_493, %swap3A_494], %gather3A {strides = array<i32>} : memref<64x128xf32, #tpu.memory_space<vmem>>, vector<16xf32>,
            %add3A_496 = arith.constant 16 : i32
            %add3A_497 = vector.broadcast %add3A_496 : i32 to vector<16xi32>
            %add3A_498 = arith.addi %iota3A, %add3A_497 : vector<16xi32>
            %gather3A_499 = tpu.vector_load_idx %arg12[%add3A_498, %broadcast_in_dim3A] : memref<64x128xf32, #tpu.memory_space<vmem>>[vector<16xi32>, vector<16xi32>], vector<16xf32>,
            %swap3A_500 = arith.index_cast %get3A_489 : i32 to index
            %swap3A_501 = arith.constant 16 : index
            %swap3A_502 = tpu.vector_load %arg13[%swap3A_500, %swap3A_501] {strides = array<i32>} : memref<64x128xf32, #tpu.memory_space<vmem>>, vector<16xf32>,
            tpu.vector_store %arg13[%swap3A_500, %swap3A_501], %gather3A_499 {strides = array<i32>} : memref<64x128xf32, #tpu.memory_space<vmem>>, vector<16xf32>,
            %add3A_503 = arith.constant 32 : i32
            %add3A_504 = vector.broadcast %add3A_503 : i32 to vector<16xi32>
            %add3A_505 = arith.addi %iota3A, %add3A_504 : vector<16xi32>
            %gather3A_506 = tpu.vector_load_idx %arg12[%add3A_505, %broadcast_in_dim3A] : memref<64x128xf32, #tpu.memory_space<vmem>>[vector<16xi32>, vector<16xi32>], vector<16xf32>,
            %swap3A_507 = arith.index_cast %get3A_489 : i32 to index
            %swap3A_508 = arith.constant 32 : index
            %swap3A_509 = tpu.vector_load %arg13[%swap3A_507, %swap3A_508] {strides = array<i32>} : memref<64x128xf32, #tpu.memory_space<vmem>>, vector<16xf32>,
            tpu.vector_store %arg13[%swap3A_507, %swap3A_508], %gather3A_506 {strides = array<i32>} : memref<64x128xf32, #tpu.memory_space<vmem>>, vector<16xf32>,
            %add3A_510 = arith.constant 48 : i32
            %add3A_511 = vector.broadcast %add3A_510 : i32 to vector<16xi32>
            %add3A_512 = arith.addi %iota3A, %add3A_511 : vector<16xi32>
            %gather3A_513 = tpu.vector_load_idx %arg12[%add3A_512, %broadcast_in_dim3A] : memref<64x128xf32, #tpu.memory_space<vmem>>[vector<16xi32>, vector<16xi32>], vector<16xf32>,
            %swap3A_514 = arith.index_cast %get3A_489 : i32 to index
            %swap3A_515 = arith.constant 48 : index
            %swap3A_516 = tpu.vector_load %arg13[%swap3A_514, %swap3A_515] {strides = array<i32>} : memref<64x128xf32, #tpu.memory_space<vmem>>, vector<16xf32>,
            tpu.vector_store %arg13[%swap3A_514, %swap3A_515], %gather3A_513 {strides = array<i32>} : memref<64x128xf32, #tpu.memory_space<vmem>>, vector<16xf32>,
            %broadcast_in_dim3A_517 = vector.broadcast %get3A_489 : i32 to vector<16xi32>
            %broadcast_in_dim3A_518 = vector.broadcast %squeeze3A_472 : i32 to vector<16xi32>
            tpu.vector_store_idx %arg14[%broadcast_in_dim3A_517], %broadcast_in_dim3A_518 masked %eq3A_7 : memref<80xi32, #tpu.memory_space<vmem>>[vector<16xi32>], vector<16xi32>, vector<16xi1>
            %add3A_519 = arith.constant 1 : i32
            %add3A_520 = arith.addi %get3A_489, %add3A_519 : i32
            %swap3A_521 = arith.constant 1 : i32
            %swap3A_522 = arith.index_cast %swap3A_521 : i32 to index
            %swap3A_523 = memref.load %arg15[%swap3A_522] : memref<8xi32, #tpu.memory_space<smem>>
            memref.store %add3A_520, %arg15[%swap3A_522] : memref<8xi32, #tpu.memory_space<smem>>
            %add3A_524 = arith.constant 1 : i32
            %add3A_525 = arith.addi %get3A_489, %add3A_524 : i32
            %eq3A_526 = arith.constant 64 : i32
            %eq3A_527 = arith.cmpi eq, %add3A_525, %eq3A_526 : i32
            %convert_element_type3A_528 = arith.extui %eq3A_527 : i1 to i32
            %cond3A_529 = arith.constant 0 : i32
            %cond3A_530 = arith.cmpi ne, %convert_element_type3A_528, %cond3A_529 : i32
            scf.if %cond3A_530 {
              %dma_start3A_531 = arith.constant 0 : i32
              %dma_start3A_532 = tpu.memref_slice %arg14[%dma_start3A_531] : memref<80xi32, #tpu.memory_space<vmem>> -> memref<64xi32, #tpu.memory_space<vmem>>
              %dma_start3A_533 = arith.constant 0 : i32
              %dma_start3A_534 = arith.constant 0 : i32
              %dma_start3A_535 = tpu.memref_slice %arg5[%dma_start3A_533, %dma_start3A_534] : memref<16384x128xf32, #tpu.memory_space<hbm>> -> memref<16384x128xf32, #tpu.memory_space<hbm>>
              tpu.enqueue_indirect_dma source(%arg13 : memref<64x128xf32, #tpu.memory_space<vmem>>) target(%dma_start3A_535 : memref<16384x128xf32, #tpu.memory_space<hbm>>) offsets(%dma_start3A_532 : memref<64xi32, #tpu.memory_space<vmem>>) semaphore(%arg18 : memref<!tpu.dma_semaphore, #tpu.memory_space<semaphore_mem>>)
              %dma_wait3A_536 = arith.constant 0 : i32
              %dma_wait3A_537 = tpu.memref_slice %arg14[%dma_wait3A_536] : memref<80xi32, #tpu.memory_space<vmem>> -> memref<64xi32, #tpu.memory_space<vmem>>
              %dma_wait3A_538 = arith.constant 0 : i32
              %dma_wait3A_539 = arith.constant 0 : i32
              %dma_wait3A_540 = tpu.memref_slice %arg5[%dma_wait3A_538, %dma_wait3A_539] : memref<16384x128xf32, #tpu.memory_space<hbm>> -> memref<16384x128xf32, #tpu.memory_space<hbm>>
              tpu.wait_indirect_dma semaphore(%arg18 : memref<!tpu.dma_semaphore, #tpu.memory_space<semaphore_mem>>) src(%arg13 : memref<64x128xf32, #tpu.memory_space<vmem>>) dst(%dma_wait3A_540 : memref<16384x128xf32, #tpu.memory_space<hbm>>)
              %swap3A_541 = arith.constant 0 : i32
              %swap3A_542 = arith.constant 1 : i32
              %swap3A_543 = arith.index_cast %swap3A_542 : i32 to index
              %swap3A_544 = memref.load %arg15[%swap3A_543] : memref<8xi32, #tpu.memory_space<smem>>
              memref.store %swap3A_541, %arg15[%swap3A_543] : memref<8xi32, #tpu.memory_space<smem>>
            } else {
            }
          } else {
          }
          %while3A_484 = arith.constant 0 : i32
          scf.yield %while3A_484 : i32
        }
        %while3A_462 = arith.constant 0 : i32
        scf.yield %while3A_462 : i32
      }
      %while3A_316 = arith.constant 1 : i32
      %while3A_317 = scf.for %while3A_421 = %while3A_313 to %while3A_309 step %while3A_316 iter_args(%while3A_422 = %while3A_315) -> (i32)  : i32 {
        %mul3A_423 = arith.constant 16 : i32
        %mul3A_424 = arith.muli %while3A_421, %mul3A_423 : i32
        %get3A_425 = arith.index_cast %mul3A_424 : i32 to index
        %get3A_426 = tpu.vector_load %arg7[%get3A_425] {strides = array<i32>} : memref<16400xi32, #tpu.memory_space<vmem>>, vector<16xi32>,
        %mul3A_427 = arith.constant 16 : i32
        %mul3A_428 = arith.muli %while3A_421, %mul3A_427 : i32
        %get3A_429 = arith.index_cast %mul3A_428 : i32 to index
        %get3A_430 = tpu.vector_load %arg8[%get3A_429] {strides = array<i32>} : memref<16400xi32, #tpu.memory_space<vmem>>, vector<16xi32>,
        %shift_right_logical3A_431 = arith.constant 7 : i32
        %shift_right_logical3A_432 = vector.broadcast %shift_right_logical3A_431 : i32 to vector<16xi32>
        %shift_right_logical3A_433 = arith.shrui %get3A_426, %shift_right_logical3A_432 : vector<16xi32>
        %mul3A_434 = arith.constant 16 : i32
        %mul3A_435 = arith.muli %while3A_421, %mul3A_434 : i32
        %add3A_436 = vector.broadcast %mul3A_435 : i32 to vector<16xi32>
        %add3A_437 = arith.addi %iota3A, %add3A_436 : vector<16xi32>
        %lt3A_438 = vector.broadcast %get3A_214 : i32 to vector<16xi32>
        %lt3A_439 = arith.cmpi slt, %add3A_437, %lt3A_438 : vector<16xi32>
        %ge3A = vector.broadcast %add3A_302 : i32 to vector<16xi32>
        %ge3A_440 = arith.cmpi sge, %shift_right_logical3A_433, %ge3A : vector<16xi32>
        %add3A_441 = arith.constant 4 : i32
        %add3A_442 = arith.addi %add3A_302, %add3A_441 : i32
        %lt3A_443 = vector.broadcast %add3A_442 : i32 to vector<16xi32>
        %lt3A_444 = arith.cmpi slt, %shift_right_logical3A_433, %lt3A_443 : vector<16xi32>
        %and3A = arith.andi %ge3A_440, %lt3A_444 : vector<16xi1>
        %and3A_445 = arith.andi %and3A, %lt3A_439 : vector<16xi1>
        %all_reduce_population_count3A = tpu.all_reduce %and3A_445 {dim = 0 : i64, kind = #tpu.reduction_kind<sum>} : vector<16xi1> -> vector<16xi32>
        %slice3A = vector.extract_strided_slice %all_reduce_population_count3A {offsets = [0], sizes = [1], strides = [1]} : vector<16xi32> to vector<1xi32>
        %squeeze3A = vector.extract %slice3A[0] : i32 from vector<1xi32>
        %swap3A_446 = arith.constant 0 : index
        %swap3A_447 = tpu.vector_load %arg9[%swap3A_446] masked %and3A_445 {strides = array<i32>} : memref<32xi32, #tpu.memory_space<vmem>>, vector<16xi32>, vector<16xi1>
        tpu.vector_store %arg9[%swap3A_446], %get3A_426 masked %and3A_445 {strides = array<i32>} : memref<32xi32, #tpu.memory_space<vmem>>, vector<16xi32>, vector<16xi1>
        %swap3A_448 = arith.constant 0 : index
        %swap3A_449 = tpu.vector_load %arg10[%swap3A_448] masked %and3A_445 {strides = array<i32>} : memref<32xi32, #tpu.memory_space<vmem>>, vector<16xi32>, vector<16xi1>
        tpu.vector_store %arg10[%swap3A_448], %get3A_430 masked %and3A_445 {strides = array<i32>} : memref<32xi32, #tpu.memory_space<vmem>>, vector<16xi32>, vector<16xi1>
        %while3A_450 = arith.constant 0 : i32
        %while3A_451 = arith.constant 0 : i32
        %while3A_452 = arith.subi %squeeze3A, %while3A_450 : i32
        %while3A_453 = arith.addi %while3A_450, %while3A_452 : i32
        %while3A_454 = arith.constant 1 : i32
        %while3A_455 = arith.divsi %while3A_452, %while3A_454 : i32
        %while3A_456 = arith.muli %while3A_455, %while3A_454 : i32
        %while3A_457 = arith.addi %while3A_450, %while3A_456 : i32
        %while3A_458 = arith.constant 1 : i32
        %while3A_459 = scf.for %while3A_463 = %while3A_450 to %while3A_457 step %while3A_458 iter_args(%while3A_464 = %while3A_451) -> (i32)  : i32 {
          %get3A_465 = arith.index_cast %while3A_463 : i32 to index
          %get3A_466 = tpu.vector_load %arg9[%get3A_465] {strides = array<i32>} : memref<32xi32, #tpu.memory_space<vmem>>, vector<16xi32>,
          %slice3A_467 = vector.extract_strided_slice %get3A_466 {offsets = [0], sizes = [1], strides = [1]} : vector<16xi32> to vector<1xi32>
          %squeeze3A_468 = vector.extract %slice3A_467[0] : i32 from vector<1xi32>
          %get3A_469 = arith.index_cast %while3A_463 : i32 to index
          %get3A_470 = tpu.vector_load %arg10[%get3A_469] {strides = array<i32>} : memref<32xi32, #tpu.memory_space<vmem>>, vector<16xi32>,
          %slice3A_471 = vector.extract_strided_slice %get3A_470 {offsets = [0], sizes = [1], strides = [1]} : vector<16xi32> to vector<1xi32>
          %squeeze3A_472 = vector.extract %slice3A_471[0] : i32 from vector<1xi32>
          %shift_right_logical3A_473 = arith.constant 7 : i32
          %shift_right_logical3A_474 = arith.shrui %squeeze3A_468, %shift_right_logical3A_473 : i32
          %eq3A_475 = arith.constant 7812 : i32
          %eq3A_476 = arith.cmpi eq, %shift_right_logical3A_474, %eq3A_475 : i32
          %not3A = arith.constant true
          %not3A_477 = arith.xori %eq3A_476, %not3A : i1
          %convert_element_type3A_478 = arith.extui %not3A_477 : i1 to i32
          %cond3A_479 = arith.constant 0 : i32
          %cond3A_480 = arith.cmpi ne, %convert_element_type3A_478, %cond3A_479 : i32
          scf.if %cond3A_480 {
            %sub3A_485 = arith.subi %shift_right_logical3A_474, %add3A_302 : i32
            %broadcast_in_dim3A = vector.broadcast %sub3A_485 : i32 to vector<16xi32>
            %and3A_486 = arith.constant 127 : i32
            %and3A_487 = arith.andi %squeeze3A_468, %and3A_486 : i32
            %broadcast_in_dim3A_488 = vector.broadcast %and3A_487 : i32 to vector<16xi32>
            %get3A_489 = arith.constant 1 : i32
            %get3A_490 = arith.index_cast %get3A_489 : i32 to index
            %get3A_491 = memref.load %arg15[%get3A_490] : memref<8xi32, #tpu.memory_space<smem>>
            %add3A_492 = arith.constant 0 : i32
            %add3A_493 = vector.broadcast %add3A_492 : i32 to vector<16xi32>
            %add3A_494 = arith.addi %iota3A, %add3A_493 : vector<16xi32>
            %gather3A = arith.constant 0 : i32
            %gather3A_495 = arith.constant 0 : i32
            %gather3A_496 = arith.constant 0 : i32
            %gather3A_497 = arith.constant 0 : i32
            %gather3A_498 = tpu.memref_slice %arg11[%gather3A, %gather3A_495, %gather3A_496, %gather3A_497] : memref<2x4x64x128xf32, #tpu.memory_space<vmem>> -> memref<1x4x64x128xf32, #tpu.memory_space<vmem>>
            %gather3A_499 = tpu.memref_squeeze %gather3A_498 : memref<1x4x64x128xf32, #tpu.memory_space<vmem>> -> memref<4x64x128xf32, #tpu.memory_space<vmem>>
            %gather3A_500 = tpu.vector_load_idx %gather3A_499[%broadcast_in_dim3A, %add3A_494, %broadcast_in_dim3A_488] : memref<4x64x128xf32, #tpu.memory_space<vmem>>[vector<16xi32>, vector<16xi32>, vector<16xi32>], vector<16xf32>,
            %swap3A_501 = arith.index_cast %get3A_491 : i32 to index
            %swap3A_502 = arith.constant 0 : index
            %swap3A_503 = tpu.vector_load %arg13[%swap3A_501, %swap3A_502] {strides = array<i32>} : memref<64x128xf32, #tpu.memory_space<vmem>>, vector<16xf32>,
            tpu.vector_store %arg13[%swap3A_501, %swap3A_502], %gather3A_500 {strides = array<i32>} : memref<64x128xf32, #tpu.memory_space<vmem>>, vector<16xf32>,
            %add3A_504 = arith.constant 16 : i32
            %add3A_505 = vector.broadcast %add3A_504 : i32 to vector<16xi32>
            %add3A_506 = arith.addi %iota3A, %add3A_505 : vector<16xi32>
            %gather3A_507 = arith.constant 0 : i32
            %gather3A_508 = arith.constant 0 : i32
            %gather3A_509 = arith.constant 0 : i32
            %gather3A_510 = arith.constant 0 : i32
            %gather3A_511 = tpu.memref_slice %arg11[%gather3A_507, %gather3A_508, %gather3A_509, %gather3A_510] : memref<2x4x64x128xf32, #tpu.memory_space<vmem>> -> memref<1x4x64x128xf32, #tpu.memory_space<vmem>>
            %gather3A_512 = tpu.memref_squeeze %gather3A_511 : memref<1x4x64x128xf32, #tpu.memory_space<vmem>> -> memref<4x64x128xf32, #tpu.memory_space<vmem>>
            %gather3A_513 = tpu.vector_load_idx %gather3A_512[%broadcast_in_dim3A, %add3A_506, %broadcast_in_dim3A_488] : memref<4x64x128xf32, #tpu.memory_space<vmem>>[vector<16xi32>, vector<16xi32>, vector<16xi32>], vector<16xf32>,
            %swap3A_514 = arith.index_cast %get3A_491 : i32 to index
            %swap3A_515 = arith.constant 16 : index
            %swap3A_516 = tpu.vector_load %arg13[%swap3A_514, %swap3A_515] {strides = array<i32>} : memref<64x128xf32, #tpu.memory_space<vmem>>, vector<16xf32>,
            tpu.vector_store %arg13[%swap3A_514, %swap3A_515], %gather3A_513 {strides = array<i32>} : memref<64x128xf32, #tpu.memory_space<vmem>>, vector<16xf32>,
            %add3A_517 = arith.constant 32 : i32
            %add3A_518 = vector.broadcast %add3A_517 : i32 to vector<16xi32>
            %add3A_519 = arith.addi %iota3A, %add3A_518 : vector<16xi32>
            %gather3A_520 = arith.constant 0 : i32
            %gather3A_521 = arith.constant 0 : i32
            %gather3A_522 = arith.constant 0 : i32
            %gather3A_523 = arith.constant 0 : i32
            %gather3A_524 = tpu.memref_slice %arg11[%gather3A_520, %gather3A_521, %gather3A_522, %gather3A_523] : memref<2x4x64x128xf32, #tpu.memory_space<vmem>> -> memref<1x4x64x128xf32, #tpu.memory_space<vmem>>
            %gather3A_525 = tpu.memref_squeeze %gather3A_524 : memref<1x4x64x128xf32, #tpu.memory_space<vmem>> -> memref<4x64x128xf32, #tpu.memory_space<vmem>>
            %gather3A_526 = tpu.vector_load_idx %gather3A_525[%broadcast_in_dim3A, %add3A_519, %broadcast_in_dim3A_488] : memref<4x64x128xf32, #tpu.memory_space<vmem>>[vector<16xi32>, vector<16xi32>, vector<16xi32>], vector<16xf32>,
            %swap3A_527 = arith.index_cast %get3A_491 : i32 to index
            %swap3A_528 = arith.constant 32 : index
            %swap3A_529 = tpu.vector_load %arg13[%swap3A_527, %swap3A_528] {strides = array<i32>} : memref<64x128xf32, #tpu.memory_space<vmem>>, vector<16xf32>,
            tpu.vector_store %arg13[%swap3A_527, %swap3A_528], %gather3A_526 {strides = array<i32>} : memref<64x128xf32, #tpu.memory_space<vmem>>, vector<16xf32>,
            %add3A_530 = arith.constant 48 : i32
            %add3A_531 = vector.broadcast %add3A_530 : i32 to vector<16xi32>
            %add3A_532 = arith.addi %iota3A, %add3A_531 : vector<16xi32>
            %gather3A_533 = arith.constant 0 : i32
            %gather3A_534 = arith.constant 0 : i32
            %gather3A_535 = arith.constant 0 : i32
            %gather3A_536 = arith.constant 0 : i32
            %gather3A_537 = tpu.memref_slice %arg11[%gather3A_533, %gather3A_534, %gather3A_535, %gather3A_536] : memref<2x4x64x128xf32, #tpu.memory_space<vmem>> -> memref<1x4x64x128xf32, #tpu.memory_space<vmem>>
            %gather3A_538 = tpu.memref_squeeze %gather3A_537 : memref<1x4x64x128xf32, #tpu.memory_space<vmem>> -> memref<4x64x128xf32, #tpu.memory_space<vmem>>
            %gather3A_539 = tpu.vector_load_idx %gather3A_538[%broadcast_in_dim3A, %add3A_532, %broadcast_in_dim3A_488] : memref<4x64x128xf32, #tpu.memory_space<vmem>>[vector<16xi32>, vector<16xi32>, vector<16xi32>], vector<16xf32>,
            %swap3A_540 = arith.index_cast %get3A_491 : i32 to index
            %swap3A_541 = arith.constant 48 : index
            %swap3A_542 = tpu.vector_load %arg13[%swap3A_540, %swap3A_541] {strides = array<i32>} : memref<64x128xf32, #tpu.memory_space<vmem>>, vector<16xf32>,
            tpu.vector_store %arg13[%swap3A_540, %swap3A_541], %gather3A_539 {strides = array<i32>} : memref<64x128xf32, #tpu.memory_space<vmem>>, vector<16xf32>,
            %broadcast_in_dim3A_543 = vector.broadcast %get3A_491 : i32 to vector<16xi32>
            %broadcast_in_dim3A_544 = vector.broadcast %squeeze3A_472 : i32 to vector<16xi32>
            tpu.vector_store_idx %arg14[%broadcast_in_dim3A_543], %broadcast_in_dim3A_544 masked %eq3A_7 : memref<80xi32, #tpu.memory_space<vmem>>[vector<16xi32>], vector<16xi32>, vector<16xi1>
            %add3A_545 = arith.constant 1 : i32
            %add3A_546 = arith.addi %get3A_491, %add3A_545 : i32
            %swap3A_547 = arith.constant 1 : i32
            %swap3A_548 = arith.index_cast %swap3A_547 : i32 to index
            %swap3A_549 = memref.load %arg15[%swap3A_548] : memref<8xi32, #tpu.memory_space<smem>>
            memref.store %add3A_546, %arg15[%swap3A_548] : memref<8xi32, #tpu.memory_space<smem>>
            %add3A_550 = arith.constant 1 : i32
            %add3A_551 = arith.addi %get3A_491, %add3A_550 : i32
            %eq3A_552 = arith.constant 64 : i32
            %eq3A_553 = arith.cmpi eq, %add3A_551, %eq3A_552 : i32
            %convert_element_type3A_554 = arith.extui %eq3A_553 : i1 to i32
            %cond3A_555 = arith.constant 0 : i32
            %cond3A_556 = arith.cmpi ne, %convert_element_type3A_554, %cond3A_555 : i32
            scf.if %cond3A_556 {
              %dma_start3A_557 = arith.constant 0 : i32
              %dma_start3A_558 = tpu.memref_slice %arg14[%dma_start3A_557] : memref<80xi32, #tpu.memory_space<vmem>> -> memref<64xi32, #tpu.memory_space<vmem>>
              %dma_start3A_559 = arith.constant 0 : i32
              %dma_start3A_560 = arith.constant 0 : i32
              %dma_start3A_561 = tpu.memref_slice %arg5[%dma_start3A_559, %dma_start3A_560] : memref<16384x128xf32, #tpu.memory_space<hbm>> -> memref<16384x128xf32, #tpu.memory_space<hbm>>
              tpu.enqueue_indirect_dma source(%arg13 : memref<64x128xf32, #tpu.memory_space<vmem>>) target(%dma_start3A_561 : memref<16384x128xf32, #tpu.memory_space<hbm>>) offsets(%dma_start3A_558 : memref<64xi32, #tpu.memory_space<vmem>>) semaphore(%arg18 : memref<!tpu.dma_semaphore, #tpu.memory_space<semaphore_mem>>)
              %dma_wait3A_562 = arith.constant 0 : i32
              %dma_wait3A_563 = tpu.memref_slice %arg14[%dma_wait3A_562] : memref<80xi32, #tpu.memory_space<vmem>> -> memref<64xi32, #tpu.memory_space<vmem>>
              %dma_wait3A_564 = arith.constant 0 : i32
              %dma_wait3A_565 = arith.constant 0 : i32
              %dma_wait3A_566 = tpu.memref_slice %arg5[%dma_wait3A_564, %dma_wait3A_565] : memref<16384x128xf32, #tpu.memory_space<hbm>> -> memref<16384x128xf32, #tpu.memory_space<hbm>>
              tpu.wait_indirect_dma semaphore(%arg18 : memref<!tpu.dma_semaphore, #tpu.memory_space<semaphore_mem>>) src(%arg13 : memref<64x128xf32, #tpu.memory_space<vmem>>) dst(%dma_wait3A_566 : memref<16384x128xf32, #tpu.memory_space<hbm>>)
              %swap3A_567 = arith.constant 0 : i32
              %swap3A_568 = arith.constant 1 : i32
              %swap3A_569 = arith.index_cast %swap3A_568 : i32 to index
              %swap3A_570 = memref.load %arg15[%swap3A_569] : memref<8xi32, #tpu.memory_space<smem>>
              memref.store %swap3A_567, %arg15[%swap3A_569] : memref<8xi32, #tpu.memory_space<smem>>
            } else {
            }
          } else {
          }
          %convert_element_type3A_481 = arith.extui %eq3A_476 : i1 to i32
          %cond3A_482 = arith.constant 0 : i32
          %cond3A_483 = arith.cmpi ne, %convert_element_type3A_481, %cond3A_482 : i32
          scf.if %cond3A_483 {
            %and3A_485 = arith.constant 127 : i32
            %and3A_486 = arith.andi %squeeze3A_468, %and3A_485 : i32
            %broadcast_in_dim3A = vector.broadcast %and3A_486 : i32 to vector<16xi32>
            %get3A_487 = arith.constant 1 : i32
            %get3A_488 = arith.index_cast %get3A_487 : i32 to index
            %get3A_489 = memref.load %arg15[%get3A_488] : memref<8xi32, #tpu.memory_space<smem>>
            %add3A_490 = arith.constant 0 : i32
            %add3A_491 = vector.broadcast %add3A_490 : i32 to vector<16xi32>
            %add3A_492 = arith.addi %iota3A, %add3A_491 : vector<16xi32>
            %gather3A = tpu.vector_load_idx %arg12[%add3A_492, %broadcast_in_dim3A] : memref<64x128xf32, #tpu.memory_space<vmem>>[vector<16xi32>, vector<16xi32>], vector<16xf32>,
            %swap3A_493 = arith.index_cast %get3A_489 : i32 to index
            %swap3A_494 = arith.constant 0 : index
            %swap3A_495 = tpu.vector_load %arg13[%swap3A_493, %swap3A_494] {strides = array<i32>} : memref<64x128xf32, #tpu.memory_space<vmem>>, vector<16xf32>,
            tpu.vector_store %arg13[%swap3A_493, %swap3A_494], %gather3A {strides = array<i32>} : memref<64x128xf32, #tpu.memory_space<vmem>>, vector<16xf32>,
            %add3A_496 = arith.constant 16 : i32
            %add3A_497 = vector.broadcast %add3A_496 : i32 to vector<16xi32>
            %add3A_498 = arith.addi %iota3A, %add3A_497 : vector<16xi32>
            %gather3A_499 = tpu.vector_load_idx %arg12[%add3A_498, %broadcast_in_dim3A] : memref<64x128xf32, #tpu.memory_space<vmem>>[vector<16xi32>, vector<16xi32>], vector<16xf32>,
            %swap3A_500 = arith.index_cast %get3A_489 : i32 to index
            %swap3A_501 = arith.constant 16 : index
            %swap3A_502 = tpu.vector_load %arg13[%swap3A_500, %swap3A_501] {strides = array<i32>} : memref<64x128xf32, #tpu.memory_space<vmem>>, vector<16xf32>,
            tpu.vector_store %arg13[%swap3A_500, %swap3A_501], %gather3A_499 {strides = array<i32>} : memref<64x128xf32, #tpu.memory_space<vmem>>, vector<16xf32>,
            %add3A_503 = arith.constant 32 : i32
            %add3A_504 = vector.broadcast %add3A_503 : i32 to vector<16xi32>
            %add3A_505 = arith.addi %iota3A, %add3A_504 : vector<16xi32>
            %gather3A_506 = tpu.vector_load_idx %arg12[%add3A_505, %broadcast_in_dim3A] : memref<64x128xf32, #tpu.memory_space<vmem>>[vector<16xi32>, vector<16xi32>], vector<16xf32>,
            %swap3A_507 = arith.index_cast %get3A_489 : i32 to index
            %swap3A_508 = arith.constant 32 : index
            %swap3A_509 = tpu.vector_load %arg13[%swap3A_507, %swap3A_508] {strides = array<i32>} : memref<64x128xf32, #tpu.memory_space<vmem>>, vector<16xf32>,
            tpu.vector_store %arg13[%swap3A_507, %swap3A_508], %gather3A_506 {strides = array<i32>} : memref<64x128xf32, #tpu.memory_space<vmem>>, vector<16xf32>,
            %add3A_510 = arith.constant 48 : i32
            %add3A_511 = vector.broadcast %add3A_510 : i32 to vector<16xi32>
            %add3A_512 = arith.addi %iota3A, %add3A_511 : vector<16xi32>
            %gather3A_513 = tpu.vector_load_idx %arg12[%add3A_512, %broadcast_in_dim3A] : memref<64x128xf32, #tpu.memory_space<vmem>>[vector<16xi32>, vector<16xi32>], vector<16xf32>,
            %swap3A_514 = arith.index_cast %get3A_489 : i32 to index
            %swap3A_515 = arith.constant 48 : index
            %swap3A_516 = tpu.vector_load %arg13[%swap3A_514, %swap3A_515] {strides = array<i32>} : memref<64x128xf32, #tpu.memory_space<vmem>>, vector<16xf32>,
            tpu.vector_store %arg13[%swap3A_514, %swap3A_515], %gather3A_513 {strides = array<i32>} : memref<64x128xf32, #tpu.memory_space<vmem>>, vector<16xf32>,
            %broadcast_in_dim3A_517 = vector.broadcast %get3A_489 : i32 to vector<16xi32>
            %broadcast_in_dim3A_518 = vector.broadcast %squeeze3A_472 : i32 to vector<16xi32>
            tpu.vector_store_idx %arg14[%broadcast_in_dim3A_517], %broadcast_in_dim3A_518 masked %eq3A_7 : memref<80xi32, #tpu.memory_space<vmem>>[vector<16xi32>], vector<16xi32>, vector<16xi1>
            %add3A_519 = arith.constant 1 : i32
            %add3A_520 = arith.addi %get3A_489, %add3A_519 : i32
            %swap3A_521 = arith.constant 1 : i32
            %swap3A_522 = arith.index_cast %swap3A_521 : i32 to index
            %swap3A_523 = memref.load %arg15[%swap3A_522] : memref<8xi32, #tpu.memory_space<smem>>
            memref.store %add3A_520, %arg15[%swap3A_522] : memref<8xi32, #tpu.memory_space<smem>>
            %add3A_524 = arith.constant 1 : i32
            %add3A_525 = arith.addi %get3A_489, %add3A_524 : i32
            %eq3A_526 = arith.constant 64 : i32
            %eq3A_527 = arith.cmpi eq, %add3A_525, %eq3A_526 : i32
            %convert_element_type3A_528 = arith.extui %eq3A_527 : i1 to i32
            %cond3A_529 = arith.constant 0 : i32
            %cond3A_530 = arith.cmpi ne, %convert_element_type3A_528, %cond3A_529 : i32
            scf.if %cond3A_530 {
              %dma_start3A_531 = arith.constant 0 : i32
              %dma_start3A_532 = tpu.memref_slice %arg14[%dma_start3A_531] : memref<80xi32, #tpu.memory_space<vmem>> -> memref<64xi32, #tpu.memory_space<vmem>>
              %dma_start3A_533 = arith.constant 0 : i32
              %dma_start3A_534 = arith.constant 0 : i32
              %dma_start3A_535 = tpu.memref_slice %arg5[%dma_start3A_533, %dma_start3A_534] : memref<16384x128xf32, #tpu.memory_space<hbm>> -> memref<16384x128xf32, #tpu.memory_space<hbm>>
              tpu.enqueue_indirect_dma source(%arg13 : memref<64x128xf32, #tpu.memory_space<vmem>>) target(%dma_start3A_535 : memref<16384x128xf32, #tpu.memory_space<hbm>>) offsets(%dma_start3A_532 : memref<64xi32, #tpu.memory_space<vmem>>) semaphore(%arg18 : memref<!tpu.dma_semaphore, #tpu.memory_space<semaphore_mem>>)
              %dma_wait3A_536 = arith.constant 0 : i32
              %dma_wait3A_537 = tpu.memref_slice %arg14[%dma_wait3A_536] : memref<80xi32, #tpu.memory_space<vmem>> -> memref<64xi32, #tpu.memory_space<vmem>>
              %dma_wait3A_538 = arith.constant 0 : i32
              %dma_wait3A_539 = arith.constant 0 : i32
              %dma_wait3A_540 = tpu.memref_slice %arg5[%dma_wait3A_538, %dma_wait3A_539] : memref<16384x128xf32, #tpu.memory_space<hbm>> -> memref<16384x128xf32, #tpu.memory_space<hbm>>
              tpu.wait_indirect_dma semaphore(%arg18 : memref<!tpu.dma_semaphore, #tpu.memory_space<semaphore_mem>>) src(%arg13 : memref<64x128xf32, #tpu.memory_space<vmem>>) dst(%dma_wait3A_540 : memref<16384x128xf32, #tpu.memory_space<hbm>>)
              %swap3A_541 = arith.constant 0 : i32
              %swap3A_542 = arith.constant 1 : i32
              %swap3A_543 = arith.index_cast %swap3A_542 : i32 to index
              %swap3A_544 = memref.load %arg15[%swap3A_543] : memref<8xi32, #tpu.memory_space<smem>>
              memref.store %swap3A_541, %arg15[%swap3A_543] : memref<8xi32, #tpu.memory_space<smem>>
            } else {
            }
          } else {
          }
          %while3A_484 = arith.constant 0 : i32
          scf.yield %while3A_484 : i32
        }
        %while3A_460 = arith.constant 1 : i32
        %while3A_461 = scf.for %while3A_463 = %while3A_457 to %while3A_453 step %while3A_460 iter_args(%while3A_464 = %while3A_459) -> (i32)  : i32 {
          %get3A_465 = arith.index_cast %while3A_463 : i32 to index
          %get3A_466 = tpu.vector_load %arg9[%get3A_465] {strides = array<i32>} : memref<32xi32, #tpu.memory_space<vmem>>, vector<16xi32>,
          %slice3A_467 = vector.extract_strided_slice %get3A_466 {offsets = [0], sizes = [1], strides = [1]} : vector<16xi32> to vector<1xi32>
          %squeeze3A_468 = vector.extract %slice3A_467[0] : i32 from vector<1xi32>
          %get3A_469 = arith.index_cast %while3A_463 : i32 to index
          %get3A_470 = tpu.vector_load %arg10[%get3A_469] {strides = array<i32>} : memref<32xi32, #tpu.memory_space<vmem>>, vector<16xi32>,
          %slice3A_471 = vector.extract_strided_slice %get3A_470 {offsets = [0], sizes = [1], strides = [1]} : vector<16xi32> to vector<1xi32>
          %squeeze3A_472 = vector.extract %slice3A_471[0] : i32 from vector<1xi32>
          %shift_right_logical3A_473 = arith.constant 7 : i32
          %shift_right_logical3A_474 = arith.shrui %squeeze3A_468, %shift_right_logical3A_473 : i32
          %eq3A_475 = arith.constant 7812 : i32
          %eq3A_476 = arith.cmpi eq, %shift_right_logical3A_474, %eq3A_475 : i32
          %not3A = arith.constant true
          %not3A_477 = arith.xori %eq3A_476, %not3A : i1
          %convert_element_type3A_478 = arith.extui %not3A_477 : i1 to i32
          %cond3A_479 = arith.constant 0 : i32
          %cond3A_480 = arith.cmpi ne, %convert_element_type3A_478, %cond3A_479 : i32
          scf.if %cond3A_480 {
            %sub3A_485 = arith.subi %shift_right_logical3A_474, %add3A_302 : i32
            %broadcast_in_dim3A = vector.broadcast %sub3A_485 : i32 to vector<16xi32>
            %and3A_486 = arith.constant 127 : i32
            %and3A_487 = arith.andi %squeeze3A_468, %and3A_486 : i32
            %broadcast_in_dim3A_488 = vector.broadcast %and3A_487 : i32 to vector<16xi32>
            %get3A_489 = arith.constant 1 : i32
            %get3A_490 = arith.index_cast %get3A_489 : i32 to index
            %get3A_491 = memref.load %arg15[%get3A_490] : memref<8xi32, #tpu.memory_space<smem>>
            %add3A_492 = arith.constant 0 : i32
            %add3A_493 = vector.broadcast %add3A_492 : i32 to vector<16xi32>
            %add3A_494 = arith.addi %iota3A, %add3A_493 : vector<16xi32>
            %gather3A = arith.constant 0 : i32
            %gather3A_495 = arith.constant 0 : i32
            %gather3A_496 = arith.constant 0 : i32
            %gather3A_497 = arith.constant 0 : i32
            %gather3A_498 = tpu.memref_slice %arg11[%gather3A, %gather3A_495, %gather3A_496, %gather3A_497] : memref<2x4x64x128xf32, #tpu.memory_space<vmem>> -> memref<1x4x64x128xf32, #tpu.memory_space<vmem>>
            %gather3A_499 = tpu.memref_squeeze %gather3A_498 : memref<1x4x64x128xf32, #tpu.memory_space<vmem>> -> memref<4x64x128xf32, #tpu.memory_space<vmem>>
            %gather3A_500 = tpu.vector_load_idx %gather3A_499[%broadcast_in_dim3A, %add3A_494, %broadcast_in_dim3A_488] : memref<4x64x128xf32, #tpu.memory_space<vmem>>[vector<16xi32>, vector<16xi32>, vector<16xi32>], vector<16xf32>,
            %swap3A_501 = arith.index_cast %get3A_491 : i32 to index
            %swap3A_502 = arith.constant 0 : index
            %swap3A_503 = tpu.vector_load %arg13[%swap3A_501, %swap3A_502] {strides = array<i32>} : memref<64x128xf32, #tpu.memory_space<vmem>>, vector<16xf32>,
            tpu.vector_store %arg13[%swap3A_501, %swap3A_502], %gather3A_500 {strides = array<i32>} : memref<64x128xf32, #tpu.memory_space<vmem>>, vector<16xf32>,
            %add3A_504 = arith.constant 16 : i32
            %add3A_505 = vector.broadcast %add3A_504 : i32 to vector<16xi32>
            %add3A_506 = arith.addi %iota3A, %add3A_505 : vector<16xi32>
            %gather3A_507 = arith.constant 0 : i32
            %gather3A_508 = arith.constant 0 : i32
            %gather3A_509 = arith.constant 0 : i32
            %gather3A_510 = arith.constant 0 : i32
            %gather3A_511 = tpu.memref_slice %arg11[%gather3A_507, %gather3A_508, %gather3A_509, %gather3A_510] : memref<2x4x64x128xf32, #tpu.memory_space<vmem>> -> memref<1x4x64x128xf32, #tpu.memory_space<vmem>>
            %gather3A_512 = tpu.memref_squeeze %gather3A_511 : memref<1x4x64x128xf32, #tpu.memory_space<vmem>> -> memref<4x64x128xf32, #tpu.memory_space<vmem>>
            %gather3A_513 = tpu.vector_load_idx %gather3A_512[%broadcast_in_dim3A, %add3A_506, %broadcast_in_dim3A_488] : memref<4x64x128xf32, #tpu.memory_space<vmem>>[vector<16xi32>, vector<16xi32>, vector<16xi32>], vector<16xf32>,
            %swap3A_514 = arith.index_cast %get3A_491 : i32 to index
            %swap3A_515 = arith.constant 16 : index
            %swap3A_516 = tpu.vector_load %arg13[%swap3A_514, %swap3A_515] {strides = array<i32>} : memref<64x128xf32, #tpu.memory_space<vmem>>, vector<16xf32>,
            tpu.vector_store %arg13[%swap3A_514, %swap3A_515], %gather3A_513 {strides = array<i32>} : memref<64x128xf32, #tpu.memory_space<vmem>>, vector<16xf32>,
            %add3A_517 = arith.constant 32 : i32
            %add3A_518 = vector.broadcast %add3A_517 : i32 to vector<16xi32>
            %add3A_519 = arith.addi %iota3A, %add3A_518 : vector<16xi32>
            %gather3A_520 = arith.constant 0 : i32
            %gather3A_521 = arith.constant 0 : i32
            %gather3A_522 = arith.constant 0 : i32
            %gather3A_523 = arith.constant 0 : i32
            %gather3A_524 = tpu.memref_slice %arg11[%gather3A_520, %gather3A_521, %gather3A_522, %gather3A_523] : memref<2x4x64x128xf32, #tpu.memory_space<vmem>> -> memref<1x4x64x128xf32, #tpu.memory_space<vmem>>
            %gather3A_525 = tpu.memref_squeeze %gather3A_524 : memref<1x4x64x128xf32, #tpu.memory_space<vmem>> -> memref<4x64x128xf32, #tpu.memory_space<vmem>>
            %gather3A_526 = tpu.vector_load_idx %gather3A_525[%broadcast_in_dim3A, %add3A_519, %broadcast_in_dim3A_488] : memref<4x64x128xf32, #tpu.memory_space<vmem>>[vector<16xi32>, vector<16xi32>, vector<16xi32>], vector<16xf32>,
            %swap3A_527 = arith.index_cast %get3A_491 : i32 to index
            %swap3A_528 = arith.constant 32 : index
            %swap3A_529 = tpu.vector_load %arg13[%swap3A_527, %swap3A_528] {strides = array<i32>} : memref<64x128xf32, #tpu.memory_space<vmem>>, vector<16xf32>,
            tpu.vector_store %arg13[%swap3A_527, %swap3A_528], %gather3A_526 {strides = array<i32>} : memref<64x128xf32, #tpu.memory_space<vmem>>, vector<16xf32>,
            %add3A_530 = arith.constant 48 : i32
            %add3A_531 = vector.broadcast %add3A_530 : i32 to vector<16xi32>
            %add3A_532 = arith.addi %iota3A, %add3A_531 : vector<16xi32>
            %gather3A_533 = arith.constant 0 : i32
            %gather3A_534 = arith.constant 0 : i32
            %gather3A_535 = arith.constant 0 : i32
            %gather3A_536 = arith.constant 0 : i32
            %gather3A_537 = tpu.memref_slice %arg11[%gather3A_533, %gather3A_534, %gather3A_535, %gather3A_536] : memref<2x4x64x128xf32, #tpu.memory_space<vmem>> -> memref<1x4x64x128xf32, #tpu.memory_space<vmem>>
            %gather3A_538 = tpu.memref_squeeze %gather3A_537 : memref<1x4x64x128xf32, #tpu.memory_space<vmem>> -> memref<4x64x128xf32, #tpu.memory_space<vmem>>
            %gather3A_539 = tpu.vector_load_idx %gather3A_538[%broadcast_in_dim3A, %add3A_532, %broadcast_in_dim3A_488] : memref<4x64x128xf32, #tpu.memory_space<vmem>>[vector<16xi32>, vector<16xi32>, vector<16xi32>], vector<16xf32>,
            %swap3A_540 = arith.index_cast %get3A_491 : i32 to index
            %swap3A_541 = arith.constant 48 : index
            %swap3A_542 = tpu.vector_load %arg13[%swap3A_540, %swap3A_541] {strides = array<i32>} : memref<64x128xf32, #tpu.memory_space<vmem>>, vector<16xf32>,
            tpu.vector_store %arg13[%swap3A_540, %swap3A_541], %gather3A_539 {strides = array<i32>} : memref<64x128xf32, #tpu.memory_space<vmem>>, vector<16xf32>,
            %broadcast_in_dim3A_543 = vector.broadcast %get3A_491 : i32 to vector<16xi32>
            %broadcast_in_dim3A_544 = vector.broadcast %squeeze3A_472 : i32 to vector<16xi32>
            tpu.vector_store_idx %arg14[%broadcast_in_dim3A_543], %broadcast_in_dim3A_544 masked %eq3A_7 : memref<80xi32, #tpu.memory_space<vmem>>[vector<16xi32>], vector<16xi32>, vector<16xi1>
            %add3A_545 = arith.constant 1 : i32
            %add3A_546 = arith.addi %get3A_491, %add3A_545 : i32
            %swap3A_547 = arith.constant 1 : i32
            %swap3A_548 = arith.index_cast %swap3A_547 : i32 to index
            %swap3A_549 = memref.load %arg15[%swap3A_548] : memref<8xi32, #tpu.memory_space<smem>>
            memref.store %add3A_546, %arg15[%swap3A_548] : memref<8xi32, #tpu.memory_space<smem>>
            %add3A_550 = arith.constant 1 : i32
            %add3A_551 = arith.addi %get3A_491, %add3A_550 : i32
            %eq3A_552 = arith.constant 64 : i32
            %eq3A_553 = arith.cmpi eq, %add3A_551, %eq3A_552 : i32
            %convert_element_type3A_554 = arith.extui %eq3A_553 : i1 to i32
            %cond3A_555 = arith.constant 0 : i32
            %cond3A_556 = arith.cmpi ne, %convert_element_type3A_554, %cond3A_555 : i32
            scf.if %cond3A_556 {
              %dma_start3A_557 = arith.constant 0 : i32
              %dma_start3A_558 = tpu.memref_slice %arg14[%dma_start3A_557] : memref<80xi32, #tpu.memory_space<vmem>> -> memref<64xi32, #tpu.memory_space<vmem>>
              %dma_start3A_559 = arith.constant 0 : i32
              %dma_start3A_560 = arith.constant 0 : i32
              %dma_start3A_561 = tpu.memref_slice %arg5[%dma_start3A_559, %dma_start3A_560] : memref<16384x128xf32, #tpu.memory_space<hbm>> -> memref<16384x128xf32, #tpu.memory_space<hbm>>
              tpu.enqueue_indirect_dma source(%arg13 : memref<64x128xf32, #tpu.memory_space<vmem>>) target(%dma_start3A_561 : memref<16384x128xf32, #tpu.memory_space<hbm>>) offsets(%dma_start3A_558 : memref<64xi32, #tpu.memory_space<vmem>>) semaphore(%arg18 : memref<!tpu.dma_semaphore, #tpu.memory_space<semaphore_mem>>)
              %dma_wait3A_562 = arith.constant 0 : i32
              %dma_wait3A_563 = tpu.memref_slice %arg14[%dma_wait3A_562] : memref<80xi32, #tpu.memory_space<vmem>> -> memref<64xi32, #tpu.memory_space<vmem>>
              %dma_wait3A_564 = arith.constant 0 : i32
              %dma_wait3A_565 = arith.constant 0 : i32
              %dma_wait3A_566 = tpu.memref_slice %arg5[%dma_wait3A_564, %dma_wait3A_565] : memref<16384x128xf32, #tpu.memory_space<hbm>> -> memref<16384x128xf32, #tpu.memory_space<hbm>>
              tpu.wait_indirect_dma semaphore(%arg18 : memref<!tpu.dma_semaphore, #tpu.memory_space<semaphore_mem>>) src(%arg13 : memref<64x128xf32, #tpu.memory_space<vmem>>) dst(%dma_wait3A_566 : memref<16384x128xf32, #tpu.memory_space<hbm>>)
              %swap3A_567 = arith.constant 0 : i32
              %swap3A_568 = arith.constant 1 : i32
              %swap3A_569 = arith.index_cast %swap3A_568 : i32 to index
              %swap3A_570 = memref.load %arg15[%swap3A_569] : memref<8xi32, #tpu.memory_space<smem>>
              memref.store %swap3A_567, %arg15[%swap3A_569] : memref<8xi32, #tpu.memory_space<smem>>
            } else {
            }
          } else {
          }
          %convert_element_type3A_481 = arith.extui %eq3A_476 : i1 to i32
          %cond3A_482 = arith.constant 0 : i32
          %cond3A_483 = arith.cmpi ne, %convert_element_type3A_481, %cond3A_482 : i32
          scf.if %cond3A_483 {
            %and3A_485 = arith.constant 127 : i32
            %and3A_486 = arith.andi %squeeze3A_468, %and3A_485 : i32
            %broadcast_in_dim3A = vector.broadcast %and3A_486 : i32 to vector<16xi32>
            %get3A_487 = arith.constant 1 : i32
            %get3A_488 = arith.index_cast %get3A_487 : i32 to index
            %get3A_489 = memref.load %arg15[%get3A_488] : memref<8xi32, #tpu.memory_space<smem>>
            %add3A_490 = arith.constant 0 : i32
            %add3A_491 = vector.broadcast %add3A_490 : i32 to vector<16xi32>
            %add3A_492 = arith.addi %iota3A, %add3A_491 : vector<16xi32>
            %gather3A = tpu.vector_load_idx %arg12[%add3A_492, %broadcast_in_dim3A] : memref<64x128xf32, #tpu.memory_space<vmem>>[vector<16xi32>, vector<16xi32>], vector<16xf32>,
            %swap3A_493 = arith.index_cast %get3A_489 : i32 to index
            %swap3A_494 = arith.constant 0 : index
            %swap3A_495 = tpu.vector_load %arg13[%swap3A_493, %swap3A_494] {strides = array<i32>} : memref<64x128xf32, #tpu.memory_space<vmem>>, vector<16xf32>,
            tpu.vector_store %arg13[%swap3A_493, %swap3A_494], %gather3A {strides = array<i32>} : memref<64x128xf32, #tpu.memory_space<vmem>>, vector<16xf32>,
            %add3A_496 = arith.constant 16 : i32
            %add3A_497 = vector.broadcast %add3A_496 : i32 to vector<16xi32>
            %add3A_498 = arith.addi %iota3A, %add3A_497 : vector<16xi32>
            %gather3A_499 = tpu.vector_load_idx %arg12[%add3A_498, %broadcast_in_dim3A] : memref<64x128xf32, #tpu.memory_space<vmem>>[vector<16xi32>, vector<16xi32>], vector<16xf32>,
            %swap3A_500 = arith.index_cast %get3A_489 : i32 to index
            %swap3A_501 = arith.constant 16 : index
            %swap3A_502 = tpu.vector_load %arg13[%swap3A_500, %swap3A_501] {strides = array<i32>} : memref<64x128xf32, #tpu.memory_space<vmem>>, vector<16xf32>,
            tpu.vector_store %arg13[%swap3A_500, %swap3A_501], %gather3A_499 {strides = array<i32>} : memref<64x128xf32, #tpu.memory_space<vmem>>, vector<16xf32>,
            %add3A_503 = arith.constant 32 : i32
            %add3A_504 = vector.broadcast %add3A_503 : i32 to vector<16xi32>
            %add3A_505 = arith.addi %iota3A, %add3A_504 : vector<16xi32>
            %gather3A_506 = tpu.vector_load_idx %arg12[%add3A_505, %broadcast_in_dim3A] : memref<64x128xf32, #tpu.memory_space<vmem>>[vector<16xi32>, vector<16xi32>], vector<16xf32>,
            %swap3A_507 = arith.index_cast %get3A_489 : i32 to index
            %swap3A_508 = arith.constant 32 : index
            %swap3A_509 = tpu.vector_load %arg13[%swap3A_507, %swap3A_508] {strides = array<i32>} : memref<64x128xf32, #tpu.memory_space<vmem>>, vector<16xf32>,
            tpu.vector_store %arg13[%swap3A_507, %swap3A_508], %gather3A_506 {strides = array<i32>} : memref<64x128xf32, #tpu.memory_space<vmem>>, vector<16xf32>,
            %add3A_510 = arith.constant 48 : i32
            %add3A_511 = vector.broadcast %add3A_510 : i32 to vector<16xi32>
            %add3A_512 = arith.addi %iota3A, %add3A_511 : vector<16xi32>
            %gather3A_513 = tpu.vector_load_idx %arg12[%add3A_512, %broadcast_in_dim3A] : memref<64x128xf32, #tpu.memory_space<vmem>>[vector<16xi32>, vector<16xi32>], vector<16xf32>,
            %swap3A_514 = arith.index_cast %get3A_489 : i32 to index
            %swap3A_515 = arith.constant 48 : index
            %swap3A_516 = tpu.vector_load %arg13[%swap3A_514, %swap3A_515] {strides = array<i32>} : memref<64x128xf32, #tpu.memory_space<vmem>>, vector<16xf32>,
            tpu.vector_store %arg13[%swap3A_514, %swap3A_515], %gather3A_513 {strides = array<i32>} : memref<64x128xf32, #tpu.memory_space<vmem>>, vector<16xf32>,
            %broadcast_in_dim3A_517 = vector.broadcast %get3A_489 : i32 to vector<16xi32>
            %broadcast_in_dim3A_518 = vector.broadcast %squeeze3A_472 : i32 to vector<16xi32>
            tpu.vector_store_idx %arg14[%broadcast_in_dim3A_517], %broadcast_in_dim3A_518 masked %eq3A_7 : memref<80xi32, #tpu.memory_space<vmem>>[vector<16xi32>], vector<16xi32>, vector<16xi1>
            %add3A_519 = arith.constant 1 : i32
            %add3A_520 = arith.addi %get3A_489, %add3A_519 : i32
            %swap3A_521 = arith.constant 1 : i32
            %swap3A_522 = arith.index_cast %swap3A_521 : i32 to index
            %swap3A_523 = memref.load %arg15[%swap3A_522] : memref<8xi32, #tpu.memory_space<smem>>
            memref.store %add3A_520, %arg15[%swap3A_522] : memref<8xi32, #tpu.memory_space<smem>>
            %add3A_524 = arith.constant 1 : i32
            %add3A_525 = arith.addi %get3A_489, %add3A_524 : i32
            %eq3A_526 = arith.constant 64 : i32
            %eq3A_527 = arith.cmpi eq, %add3A_525, %eq3A_526 : i32
            %convert_element_type3A_528 = arith.extui %eq3A_527 : i1 to i32
            %cond3A_529 = arith.constant 0 : i32
            %cond3A_530 = arith.cmpi ne, %convert_element_type3A_528, %cond3A_529 : i32
            scf.if %cond3A_530 {
              %dma_start3A_531 = arith.constant 0 : i32
              %dma_start3A_532 = tpu.memref_slice %arg14[%dma_start3A_531] : memref<80xi32, #tpu.memory_space<vmem>> -> memref<64xi32, #tpu.memory_space<vmem>>
              %dma_start3A_533 = arith.constant 0 : i32
              %dma_start3A_534 = arith.constant 0 : i32
              %dma_start3A_535 = tpu.memref_slice %arg5[%dma_start3A_533, %dma_start3A_534] : memref<16384x128xf32, #tpu.memory_space<hbm>> -> memref<16384x128xf32, #tpu.memory_space<hbm>>
              tpu.enqueue_indirect_dma source(%arg13 : memref<64x128xf32, #tpu.memory_space<vmem>>) target(%dma_start3A_535 : memref<16384x128xf32, #tpu.memory_space<hbm>>) offsets(%dma_start3A_532 : memref<64xi32, #tpu.memory_space<vmem>>) semaphore(%arg18 : memref<!tpu.dma_semaphore, #tpu.memory_space<semaphore_mem>>)
              %dma_wait3A_536 = arith.constant 0 : i32
              %dma_wait3A_537 = tpu.memref_slice %arg14[%dma_wait3A_536] : memref<80xi32, #tpu.memory_space<vmem>> -> memref<64xi32, #tpu.memory_space<vmem>>
              %dma_wait3A_538 = arith.constant 0 : i32
              %dma_wait3A_539 = arith.constant 0 : i32
              %dma_wait3A_540 = tpu.memref_slice %arg5[%dma_wait3A_538, %dma_wait3A_539] : memref<16384x128xf32, #tpu.memory_space<hbm>> -> memref<16384x128xf32, #tpu.memory_space<hbm>>
              tpu.wait_indirect_dma semaphore(%arg18 : memref<!tpu.dma_semaphore, #tpu.memory_space<semaphore_mem>>) src(%arg13 : memref<64x128xf32, #tpu.memory_space<vmem>>) dst(%dma_wait3A_540 : memref<16384x128xf32, #tpu.memory_space<hbm>>)
              %swap3A_541 = arith.constant 0 : i32
              %swap3A_542 = arith.constant 1 : i32
              %swap3A_543 = arith.index_cast %swap3A_542 : i32 to index
              %swap3A_544 = memref.load %arg15[%swap3A_543] : memref<8xi32, #tpu.memory_space<smem>>
              memref.store %swap3A_541, %arg15[%swap3A_543] : memref<8xi32, #tpu.memory_space<smem>>
            } else {
            }
          } else {
          }
          %while3A_484 = arith.constant 0 : i32
          scf.yield %while3A_484 : i32
        }
        %while3A_462 = arith.constant 0 : i32
        scf.yield %while3A_462 : i32
      }
      %add3A_318 = arith.constant 2 : i32
      %add3A_319 = arith.addi %add3A_236, %add3A_318 : i32
      %lt3A = arith.constant 62 : i32
      %lt3A_320 = arith.cmpi slt, %add3A_319, %lt3A : i32
      %convert_element_type3A_321 = arith.extui %lt3A_320 : i1 to i32
      %cond3A_322 = arith.constant 0 : i32
      %cond3A_323 = arith.cmpi ne, %convert_element_type3A_321, %cond3A_322 : i32
      scf.if %cond3A_323 {
        %add3A_421 = arith.constant 2 : i32
        %add3A_422 = arith.addi %add3A_236, %add3A_421 : i32
        %mul3A_423 = arith.constant 4 : i32
        %mul3A_424 = arith.muli %add3A_422, %mul3A_423 : i32
        %add3A_425 = arith.addi %mul3A_2, %mul3A_424 : i32
        %add3A_426 = arith.constant 0 : i32
        %add3A_427 = arith.addi %add3A_425, %add3A_426 : i32
        %min3A_428 = arith.constant 7811 : i32
        %min3A_429 = arith.minsi %add3A_427, %min3A_428 : i32
        %mul3A_430 = arith.constant 128 : i32
        %mul3A_431 = arith.muli %min3A_429, %mul3A_430 : i32
        %dma_start3A_432 = arith.constant 0 : i32
        %dma_start3A_433 = arith.constant 0 : i32
        %dma_start3A_434 = arith.constant 0 : i32
        %dma_start3A_435 = arith.constant 0 : i32
        %dma_start3A_436 = tpu.memref_slice %arg11[%dma_start3A_432, %dma_start3A_433, %dma_start3A_434, %dma_start3A_435] : memref<2x4x64x128xf32, #tpu.memory_space<vmem>> -> memref<1x1x64x128xf32, #tpu.memory_space<vmem>>
        %dma_start3A_437 = tpu.memref_squeeze %dma_start3A_436 : memref<1x1x64x128xf32, #tpu.memory_space<vmem>> -> memref<64x128xf32, #tpu.memory_space<vmem>>
        %dma_start3A_438 = arith.constant 0 : i32
        %dma_start3A_439 = tpu.memref_slice %arg3[%dma_start3A_438, %mul3A_431] : memref<64x1000000xf32, #tpu.memory_space<hbm>> -> memref<64x128xf32, #tpu.memory_space<hbm>>
        %dma_start3A_440 = arith.constant 0 : i32
        %dma_start3A_441 = arith.constant 0 : i32
        %dma_start3A_442 = tpu.memref_slice %arg11[%dma_start3A_432, %dma_start3A_433, %dma_start3A_440, %dma_start3A_441] : memref<2x4x64x128xf32, #tpu.memory_space<vmem>> -> memref<1x1x64x128xf32, #tpu.memory_space<vmem>>
        %dma_start3A_443 = tpu.memref_squeeze %dma_start3A_442 : memref<1x1x64x128xf32, #tpu.memory_space<vmem>> -> memref<64x128xf32, #tpu.memory_space<vmem>>
        %dma_start3A_444 = arith.constant 0 : i32
        %dma_start3A_445 = tpu.memref_slice %arg3[%dma_start3A_444, %mul3A_431] : memref<64x1000000xf32, #tpu.memory_space<hbm>> -> memref<64x128xf32, #tpu.memory_space<hbm>>
        tpu.enqueue_dma source(%dma_start3A_445 : memref<64x128xf32, #tpu.memory_space<hbm>>) target(%dma_start3A_443 : memref<64x128xf32, #tpu.memory_space<vmem>>) target_semaphore(%arg16 : memref<!tpu.dma_semaphore, #tpu.memory_space<semaphore_mem>>)
        %mul3A_446 = arith.constant 4 : i32
        %mul3A_447 = arith.muli %add3A_422, %mul3A_446 : i32
        %add3A_448 = arith.addi %mul3A_2, %mul3A_447 : i32
        %add3A_449 = arith.constant 1 : i32
        %add3A_450 = arith.addi %add3A_448, %add3A_449 : i32
        %min3A_451 = arith.constant 7811 : i32
        %min3A_452 = arith.minsi %add3A_450, %min3A_451 : i32
        %mul3A_453 = arith.constant 128 : i32
        %mul3A_454 = arith.muli %min3A_452, %mul3A_453 : i32
        %dma_start3A_455 = arith.constant 0 : i32
        %dma_start3A_456 = arith.constant 1 : i32
        %dma_start3A_457 = arith.constant 0 : i32
        %dma_start3A_458 = arith.constant 0 : i32
        %dma_start3A_459 = tpu.memref_slice %arg11[%dma_start3A_455, %dma_start3A_456, %dma_start3A_457, %dma_start3A_458] : memref<2x4x64x128xf32, #tpu.memory_space<vmem>> -> memref<1x1x64x128xf32, #tpu.memory_space<vmem>>
        %dma_start3A_460 = tpu.memref_squeeze %dma_start3A_459 : memref<1x1x64x128xf32, #tpu.memory_space<vmem>> -> memref<64x128xf32, #tpu.memory_space<vmem>>
        %dma_start3A_461 = arith.constant 0 : i32
        %dma_start3A_462 = tpu.memref_slice %arg3[%dma_start3A_461, %mul3A_454] : memref<64x1000000xf32, #tpu.memory_space<hbm>> -> memref<64x128xf32, #tpu.memory_space<hbm>>
        %dma_start3A_463 = arith.constant 0 : i32
        %dma_start3A_464 = arith.constant 0 : i32
        %dma_start3A_465 = tpu.memref_slice %arg11[%dma_start3A_455, %dma_start3A_456, %dma_start3A_463, %dma_start3A_464] : memref<2x4x64x128xf32, #tpu.memory_space<vmem>> -> memref<1x1x64x128xf32, #tpu.memory_space<vmem>>
        %dma_start3A_466 = tpu.memref_squeeze %dma_start3A_465 : memref<1x1x64x128xf32, #tpu.memory_space<vmem>> -> memref<64x128xf32, #tpu.memory_space<vmem>>
        %dma_start3A_467 = arith.constant 0 : i32
        %dma_start3A_468 = tpu.memref_slice %arg3[%dma_start3A_467, %mul3A_454] : memref<64x1000000xf32, #tpu.memory_space<hbm>> -> memref<64x128xf32, #tpu.memory_space<hbm>>
        tpu.enqueue_dma source(%dma_start3A_468 : memref<64x128xf32, #tpu.memory_space<hbm>>) target(%dma_start3A_466 : memref<64x128xf32, #tpu.memory_space<vmem>>) target_semaphore(%arg16 : memref<!tpu.dma_semaphore, #tpu.memory_space<semaphore_mem>>)
        %mul3A_469 = arith.constant 4 : i32
        %mul3A_470 = arith.muli %add3A_422, %mul3A_469 : i32
        %add3A_471 = arith.addi %mul3A_2, %mul3A_470 : i32
        %add3A_472 = arith.constant 2 : i32
        %add3A_473 = arith.addi %add3A_471, %add3A_472 : i32
        %min3A_474 = arith.constant 7811 : i32
        %min3A_475 = arith.minsi %add3A_473, %min3A_474 : i32
        %mul3A_476 = arith.constant 128 : i32
        %mul3A_477 = arith.muli %min3A_475, %mul3A_476 : i32
        %dma_start3A_478 = arith.constant 0 : i32
        %dma_start3A_479 = arith.constant 2 : i32
        %dma_start3A_480 = arith.constant 0 : i32
        %dma_start3A_481 = arith.constant 0 : i32
        %dma_start3A_482 = tpu.memref_slice %arg11[%dma_start3A_478, %dma_start3A_479, %dma_start3A_480, %dma_start3A_481] : memref<2x4x64x128xf32, #tpu.memory_space<vmem>> -> memref<1x1x64x128xf32, #tpu.memory_space<vmem>>
        %dma_start3A_483 = tpu.memref_squeeze %dma_start3A_482 : memref<1x1x64x128xf32, #tpu.memory_space<vmem>> -> memref<64x128xf32, #tpu.memory_space<vmem>>
        %dma_start3A_484 = arith.constant 0 : i32
        %dma_start3A_485 = tpu.memref_slice %arg3[%dma_start3A_484, %mul3A_477] : memref<64x1000000xf32, #tpu.memory_space<hbm>> -> memref<64x128xf32, #tpu.memory_space<hbm>>
        %dma_start3A_486 = arith.constant 0 : i32
        %dma_start3A_487 = arith.constant 0 : i32
        %dma_start3A_488 = tpu.memref_slice %arg11[%dma_start3A_478, %dma_start3A_479, %dma_start3A_486, %dma_start3A_487] : memref<2x4x64x128xf32, #tpu.memory_space<vmem>> -> memref<1x1x64x128xf32, #tpu.memory_space<vmem>>
        %dma_start3A_489 = tpu.memref_squeeze %dma_start3A_488 : memref<1x1x64x128xf32, #tpu.memory_space<vmem>> -> memref<64x128xf32, #tpu.memory_space<vmem>>
        %dma_start3A_490 = arith.constant 0 : i32
        %dma_start3A_491 = tpu.memref_slice %arg3[%dma_start3A_490, %mul3A_477] : memref<64x1000000xf32, #tpu.memory_space<hbm>> -> memref<64x128xf32, #tpu.memory_space<hbm>>
        tpu.enqueue_dma source(%dma_start3A_491 : memref<64x128xf32, #tpu.memory_space<hbm>>) target(%dma_start3A_489 : memref<64x128xf32, #tpu.memory_space<vmem>>) target_semaphore(%arg16 : memref<!tpu.dma_semaphore, #tpu.memory_space<semaphore_mem>>)
        %mul3A_492 = arith.constant 4 : i32
        %mul3A_493 = arith.muli %add3A_422, %mul3A_492 : i32
        %add3A_494 = arith.addi %mul3A_2, %mul3A_493 : i32
        %add3A_495 = arith.constant 3 : i32
        %add3A_496 = arith.addi %add3A_494, %add3A_495 : i32
        %min3A_497 = arith.constant 7811 : i32
        %min3A_498 = arith.minsi %add3A_496, %min3A_497 : i32
        %mul3A_499 = arith.constant 128 : i32
        %mul3A_500 = arith.muli %min3A_498, %mul3A_499 : i32
        %dma_start3A_501 = arith.constant 0 : i32
        %dma_start3A_502 = arith.constant 3 : i32
        %dma_start3A_503 = arith.constant 0 : i32
        %dma_start3A_504 = arith.constant 0 : i32
        %dma_start3A_505 = tpu.memref_slice %arg11[%dma_start3A_501, %dma_start3A_502, %dma_start3A_503, %dma_start3A_504] : memref<2x4x64x128xf32, #tpu.memory_space<vmem>> -> memref<1x1x64x128xf32, #tpu.memory_space<vmem>>
        %dma_start3A_506 = tpu.memref_squeeze %dma_start3A_505 : memref<1x1x64x128xf32, #tpu.memory_space<vmem>> -> memref<64x128xf32, #tpu.memory_space<vmem>>
        %dma_start3A_507 = arith.constant 0 : i32
        %dma_start3A_508 = tpu.memref_slice %arg3[%dma_start3A_507, %mul3A_500] : memref<64x1000000xf32, #tpu.memory_space<hbm>> -> memref<64x128xf32, #tpu.memory_space<hbm>>
        %dma_start3A_509 = arith.constant 0 : i32
        %dma_start3A_510 = arith.constant 0 : i32
        %dma_start3A_511 = tpu.memref_slice %arg11[%dma_start3A_501, %dma_start3A_502, %dma_start3A_509, %dma_start3A_510] : memref<2x4x64x128xf32, #tpu.memory_space<vmem>> -> memref<1x1x64x128xf32, #tpu.memory_space<vmem>>
        %dma_start3A_512 = tpu.memref_squeeze %dma_start3A_511 : memref<1x1x64x128xf32, #tpu.memory_space<vmem>> -> memref<64x128xf32, #tpu.memory_space<vmem>>
        %dma_start3A_513 = arith.constant 0 : i32
        %dma_start3A_514 = tpu.memref_slice %arg3[%dma_start3A_513, %mul3A_500] : memref<64x1000000xf32, #tpu.memory_space<hbm>> -> memref<64x128xf32, #tpu.memory_space<hbm>>
        tpu.enqueue_dma source(%dma_start3A_514 : memref<64x128xf32, #tpu.memory_space<hbm>>) target(%dma_start3A_512 : memref<64x128xf32, #tpu.memory_space<vmem>>) target_semaphore(%arg16 : memref<!tpu.dma_semaphore, #tpu.memory_space<semaphore_mem>>)
      } else {
      }
      %mul3A_324 = arith.constant 2 : i32
      %mul3A_325 = arith.muli %scan3A_231, %mul3A_324 : i32
      %add3A_326 = arith.constant 1 : i32
      %add3A_327 = arith.addi %mul3A_325, %add3A_326 : i32
      %dma_wait3A_328 = arith.constant 1 : i32
      %dma_wait3A_329 = arith.constant 0 : i32
      %dma_wait3A_330 = arith.constant 0 : i32
      %dma_wait3A_331 = arith.constant 0 : i32
      %dma_wait3A_332 = tpu.memref_slice %arg11[%dma_wait3A_328, %dma_wait3A_329, %dma_wait3A_330, %dma_wait3A_331] : memref<2x4x64x128xf32, #tpu.memory_space<vmem>> -> memref<1x1x64x128xf32, #tpu.memory_space<vmem>>
      %dma_wait3A_333 = tpu.memref_squeeze %dma_wait3A_332 : memref<1x1x64x128xf32, #tpu.memory_space<vmem>> -> memref<64x128xf32, #tpu.memory_space<vmem>>
      %dma_wait3A_334 = arith.constant 0 : i32
      %dma_wait3A_335 = arith.constant 0 : i32
      %dma_wait3A_336 = tpu.memref_slice %arg3[%dma_wait3A_334, %dma_wait3A_335] : memref<64x1000000xf32, #tpu.memory_space<hbm>> -> memref<64x128xf32, #tpu.memory_space<hbm>>
      %dma_wait3A_337 = arith.constant 0 : i32
      %dma_wait3A_338 = arith.constant 0 : i32
      %dma_wait3A_339 = tpu.memref_slice %arg11[%dma_wait3A_328, %dma_wait3A_329, %dma_wait3A_337, %dma_wait3A_338] : memref<2x4x64x128xf32, #tpu.memory_space<vmem>> -> memref<1x1x64x128xf32, #tpu.memory_space<vmem>>
      %dma_wait3A_340 = tpu.memref_squeeze %dma_wait3A_339 : memref<1x1x64x128xf32, #tpu.memory_space<vmem>> -> memref<64x128xf32, #tpu.memory_space<vmem>>
      %dma_wait3A_341 = arith.constant 0 : i32
      %dma_wait3A_342 = arith.constant 0 : i32
      %dma_wait3A_343 = tpu.memref_slice %arg3[%dma_wait3A_341, %dma_wait3A_342] : memref<64x1000000xf32, #tpu.memory_space<hbm>> -> memref<64x128xf32, #tpu.memory_space<hbm>>
      tpu.wait_dma2 semaphore(%arg17 : memref<!tpu.dma_semaphore, #tpu.memory_space<semaphore_mem>>) src(%dma_wait3A_343 : memref<64x128xf32, #tpu.memory_space<hbm>>) dst(%dma_wait3A_340 : memref<64x128xf32, #tpu.memory_space<vmem>>)
      %dma_wait3A_344 = arith.constant 1 : i32
      %dma_wait3A_345 = arith.constant 1 : i32
      %dma_wait3A_346 = arith.constant 0 : i32
      %dma_wait3A_347 = arith.constant 0 : i32
      %dma_wait3A_348 = tpu.memref_slice %arg11[%dma_wait3A_344, %dma_wait3A_345, %dma_wait3A_346, %dma_wait3A_347] : memref<2x4x64x128xf32, #tpu.memory_space<vmem>> -> memref<1x1x64x128xf32, #tpu.memory_space<vmem>>
      %dma_wait3A_349 = tpu.memref_squeeze %dma_wait3A_348 : memref<1x1x64x128xf32, #tpu.memory_space<vmem>> -> memref<64x128xf32, #tpu.memory_space<vmem>>
      %dma_wait3A_350 = arith.constant 0 : i32
      %dma_wait3A_351 = arith.constant 0 : i32
      %dma_wait3A_352 = tpu.memref_slice %arg3[%dma_wait3A_350, %dma_wait3A_351] : memref<64x1000000xf32, #tpu.memory_space<hbm>> -> memref<64x128xf32, #tpu.memory_space<hbm>>
      %dma_wait3A_353 = arith.constant 0 : i32
      %dma_wait3A_354 = arith.constant 0 : i32
      %dma_wait3A_355 = tpu.memref_slice %arg11[%dma_wait3A_344, %dma_wait3A_345, %dma_wait3A_353, %dma_wait3A_354] : memref<2x4x64x128xf32, #tpu.memory_space<vmem>> -> memref<1x1x64x128xf32, #tpu.memory_space<vmem>>
      %dma_wait3A_356 = tpu.memref_squeeze %dma_wait3A_355 : memref<1x1x64x128xf32, #tpu.memory_space<vmem>> -> memref<64x128xf32, #tpu.memory_space<vmem>>
      %dma_wait3A_357 = arith.constant 0 : i32
      %dma_wait3A_358 = arith.constant 0 : i32
      %dma_wait3A_359 = tpu.memref_slice %arg3[%dma_wait3A_357, %dma_wait3A_358] : memref<64x1000000xf32, #tpu.memory_space<hbm>> -> memref<64x128xf32, #tpu.memory_space<hbm>>
      tpu.wait_dma2 semaphore(%arg17 : memref<!tpu.dma_semaphore, #tpu.memory_space<semaphore_mem>>) src(%dma_wait3A_359 : memref<64x128xf32, #tpu.memory_space<hbm>>) dst(%dma_wait3A_356 : memref<64x128xf32, #tpu.memory_space<vmem>>)
      %dma_wait3A_360 = arith.constant 1 : i32
      %dma_wait3A_361 = arith.constant 2 : i32
      %dma_wait3A_362 = arith.constant 0 : i32
      %dma_wait3A_363 = arith.constant 0 : i32
      %dma_wait3A_364 = tpu.memref_slice %arg11[%dma_wait3A_360, %dma_wait3A_361, %dma_wait3A_362, %dma_wait3A_363] : memref<2x4x64x128xf32, #tpu.memory_space<vmem>> -> memref<1x1x64x128xf32, #tpu.memory_space<vmem>>
      %dma_wait3A_365 = tpu.memref_squeeze %dma_wait3A_364 : memref<1x1x64x128xf32, #tpu.memory_space<vmem>> -> memref<64x128xf32, #tpu.memory_space<vmem>>
      %dma_wait3A_366 = arith.constant 0 : i32
      %dma_wait3A_367 = arith.constant 0 : i32
      %dma_wait3A_368 = tpu.memref_slice %arg3[%dma_wait3A_366, %dma_wait3A_367] : memref<64x1000000xf32, #tpu.memory_space<hbm>> -> memref<64x128xf32, #tpu.memory_space<hbm>>
      %dma_wait3A_369 = arith.constant 0 : i32
      %dma_wait3A_370 = arith.constant 0 : i32
      %dma_wait3A_371 = tpu.memref_slice %arg11[%dma_wait3A_360, %dma_wait3A_361, %dma_wait3A_369, %dma_wait3A_370] : memref<2x4x64x128xf32, #tpu.memory_space<vmem>> -> memref<1x1x64x128xf32, #tpu.memory_space<vmem>>
      %dma_wait3A_372 = tpu.memref_squeeze %dma_wait3A_371 : memref<1x1x64x128xf32, #tpu.memory_space<vmem>> -> memref<64x128xf32, #tpu.memory_space<vmem>>
      %dma_wait3A_373 = arith.constant 0 : i32
      %dma_wait3A_374 = arith.constant 0 : i32
      %dma_wait3A_375 = tpu.memref_slice %arg3[%dma_wait3A_373, %dma_wait3A_374] : memref<64x1000000xf32, #tpu.memory_space<hbm>> -> memref<64x128xf32, #tpu.memory_space<hbm>>
      tpu.wait_dma2 semaphore(%arg17 : memref<!tpu.dma_semaphore, #tpu.memory_space<semaphore_mem>>) src(%dma_wait3A_375 : memref<64x128xf32, #tpu.memory_space<hbm>>) dst(%dma_wait3A_372 : memref<64x128xf32, #tpu.memory_space<vmem>>)
      %dma_wait3A_376 = arith.constant 1 : i32
      %dma_wait3A_377 = arith.constant 3 : i32
      %dma_wait3A_378 = arith.constant 0 : i32
      %dma_wait3A_379 = arith.constant 0 : i32
      %dma_wait3A_380 = tpu.memref_slice %arg11[%dma_wait3A_376, %dma_wait3A_377, %dma_wait3A_378, %dma_wait3A_379] : memref<2x4x64x128xf32, #tpu.memory_space<vmem>> -> memref<1x1x64x128xf32, #tpu.memory_space<vmem>>
      %dma_wait3A_381 = tpu.memref_squeeze %dma_wait3A_380 : memref<1x1x64x128xf32, #tpu.memory_space<vmem>> -> memref<64x128xf32, #tpu.memory_space<vmem>>
      %dma_wait3A_382 = arith.constant 0 : i32
      %dma_wait3A_383 = arith.constant 0 : i32
      %dma_wait3A_384 = tpu.memref_slice %arg3[%dma_wait3A_382, %dma_wait3A_383] : memref<64x1000000xf32, #tpu.memory_space<hbm>> -> memref<64x128xf32, #tpu.memory_space<hbm>>
      %dma_wait3A_385 = arith.constant 0 : i32
      %dma_wait3A_386 = arith.constant 0 : i32
      %dma_wait3A_387 = tpu.memref_slice %arg11[%dma_wait3A_376, %dma_wait3A_377, %dma_wait3A_385, %dma_wait3A_386] : memref<2x4x64x128xf32, #tpu.memory_space<vmem>> -> memref<1x1x64x128xf32, #tpu.memory_space<vmem>>
      %dma_wait3A_388 = tpu.memref_squeeze %dma_wait3A_387 : memref<1x1x64x128xf32, #tpu.memory_space<vmem>> -> memref<64x128xf32, #tpu.memory_space<vmem>>
      %dma_wait3A_389 = arith.constant 0 : i32
      %dma_wait3A_390 = arith.constant 0 : i32
      %dma_wait3A_391 = tpu.memref_slice %arg3[%dma_wait3A_389, %dma_wait3A_390] : memref<64x1000000xf32, #tpu.memory_space<hbm>> -> memref<64x128xf32, #tpu.memory_space<hbm>>
      tpu.wait_dma2 semaphore(%arg17 : memref<!tpu.dma_semaphore, #tpu.memory_space<semaphore_mem>>) src(%dma_wait3A_391 : memref<64x128xf32, #tpu.memory_space<hbm>>) dst(%dma_wait3A_388 : memref<64x128xf32, #tpu.memory_space<vmem>>)
      %mul3A_392 = arith.constant 4 : i32
      %mul3A_393 = arith.muli %add3A_327, %mul3A_392 : i32
      %add3A_394 = arith.addi %mul3A_2, %mul3A_393 : i32
      %add3A_395 = arith.constant 16 : i32
      %add3A_396 = arith.addi %get3A_214, %add3A_395 : i32
      %sub3A_397 = arith.constant 1 : i32
      %sub3A_398 = arith.subi %add3A_396, %sub3A_397 : i32
      %shift_right_logical3A_399 = arith.constant 4 : i32
      %shift_right_logical3A_400 = arith.shrui %sub3A_398, %shift_right_logical3A_399 : i32
      %while3A_401 = arith.constant 0 : i32
      %while3A_402 = arith.constant 0 : i32
      %while3A_403 = arith.subi %shift_right_logical3A_400, %while3A_401 : i32
      %while3A_404 = arith.addi %while3A_401, %while3A_403 : i32
      %while3A_405 = arith.constant 1 : i32
      %while3A_406 = arith.divsi %while3A_403, %while3A_405 : i32
      %while3A_407 = arith.muli %while3A_406, %while3A_405 : i32
      %while3A_408 = arith.addi %while3A_401, %while3A_407 : i32
      %while3A_409 = arith.constant 1 : i32
      %while3A_410 = scf.for %while3A_421 = %while3A_401 to %while3A_408 step %while3A_409 iter_args(%while3A_422 = %while3A_402) -> (i32)  : i32 {
        %mul3A_423 = arith.constant 16 : i32
        %mul3A_424 = arith.muli %while3A_421, %mul3A_423 : i32
        %get3A_425 = arith.index_cast %mul3A_424 : i32 to index
        %get3A_426 = tpu.vector_load %arg7[%get3A_425] {strides = array<i32>} : memref<16400xi32, #tpu.memory_space<vmem>>, vector<16xi32>,
        %mul3A_427 = arith.constant 16 : i32
        %mul3A_428 = arith.muli %while3A_421, %mul3A_427 : i32
        %get3A_429 = arith.index_cast %mul3A_428 : i32 to index
        %get3A_430 = tpu.vector_load %arg8[%get3A_429] {strides = array<i32>} : memref<16400xi32, #tpu.memory_space<vmem>>, vector<16xi32>,
        %shift_right_logical3A_431 = arith.constant 7 : i32
        %shift_right_logical3A_432 = vector.broadcast %shift_right_logical3A_431 : i32 to vector<16xi32>
        %shift_right_logical3A_433 = arith.shrui %get3A_426, %shift_right_logical3A_432 : vector<16xi32>
        %mul3A_434 = arith.constant 16 : i32
        %mul3A_435 = arith.muli %while3A_421, %mul3A_434 : i32
        %add3A_436 = vector.broadcast %mul3A_435 : i32 to vector<16xi32>
        %add3A_437 = arith.addi %iota3A, %add3A_436 : vector<16xi32>
        %lt3A_438 = vector.broadcast %get3A_214 : i32 to vector<16xi32>
        %lt3A_439 = arith.cmpi slt, %add3A_437, %lt3A_438 : vector<16xi32>
        %ge3A = vector.broadcast %add3A_394 : i32 to vector<16xi32>
        %ge3A_440 = arith.cmpi sge, %shift_right_logical3A_433, %ge3A : vector<16xi32>
        %add3A_441 = arith.constant 4 : i32
        %add3A_442 = arith.addi %add3A_394, %add3A_441 : i32
        %lt3A_443 = vector.broadcast %add3A_442 : i32 to vector<16xi32>
        %lt3A_444 = arith.cmpi slt, %shift_right_logical3A_433, %lt3A_443 : vector<16xi32>
        %and3A = arith.andi %ge3A_440, %lt3A_444 : vector<16xi1>
        %and3A_445 = arith.andi %and3A, %lt3A_439 : vector<16xi1>
        %all_reduce_population_count3A = tpu.all_reduce %and3A_445 {dim = 0 : i64, kind = #tpu.reduction_kind<sum>} : vector<16xi1> -> vector<16xi32>
        %slice3A = vector.extract_strided_slice %all_reduce_population_count3A {offsets = [0], sizes = [1], strides = [1]} : vector<16xi32> to vector<1xi32>
        %squeeze3A = vector.extract %slice3A[0] : i32 from vector<1xi32>
        %swap3A_446 = arith.constant 0 : index
        %swap3A_447 = tpu.vector_load %arg9[%swap3A_446] masked %and3A_445 {strides = array<i32>} : memref<32xi32, #tpu.memory_space<vmem>>, vector<16xi32>, vector<16xi1>
        tpu.vector_store %arg9[%swap3A_446], %get3A_426 masked %and3A_445 {strides = array<i32>} : memref<32xi32, #tpu.memory_space<vmem>>, vector<16xi32>, vector<16xi1>
        %swap3A_448 = arith.constant 0 : index
        %swap3A_449 = tpu.vector_load %arg10[%swap3A_448] masked %and3A_445 {strides = array<i32>} : memref<32xi32, #tpu.memory_space<vmem>>, vector<16xi32>, vector<16xi1>
        tpu.vector_store %arg10[%swap3A_448], %get3A_430 masked %and3A_445 {strides = array<i32>} : memref<32xi32, #tpu.memory_space<vmem>>, vector<16xi32>, vector<16xi1>
        %while3A_450 = arith.constant 0 : i32
        %while3A_451 = arith.constant 0 : i32
        %while3A_452 = arith.subi %squeeze3A, %while3A_450 : i32
        %while3A_453 = arith.addi %while3A_450, %while3A_452 : i32
        %while3A_454 = arith.constant 1 : i32
        %while3A_455 = arith.divsi %while3A_452, %while3A_454 : i32
        %while3A_456 = arith.muli %while3A_455, %while3A_454 : i32
        %while3A_457 = arith.addi %while3A_450, %while3A_456 : i32
        %while3A_458 = arith.constant 1 : i32
        %while3A_459 = scf.for %while3A_463 = %while3A_450 to %while3A_457 step %while3A_458 iter_args(%while3A_464 = %while3A_451) -> (i32)  : i32 {
          %get3A_465 = arith.index_cast %while3A_463 : i32 to index
          %get3A_466 = tpu.vector_load %arg9[%get3A_465] {strides = array<i32>} : memref<32xi32, #tpu.memory_space<vmem>>, vector<16xi32>,
          %slice3A_467 = vector.extract_strided_slice %get3A_466 {offsets = [0], sizes = [1], strides = [1]} : vector<16xi32> to vector<1xi32>
          %squeeze3A_468 = vector.extract %slice3A_467[0] : i32 from vector<1xi32>
          %get3A_469 = arith.index_cast %while3A_463 : i32 to index
          %get3A_470 = tpu.vector_load %arg10[%get3A_469] {strides = array<i32>} : memref<32xi32, #tpu.memory_space<vmem>>, vector<16xi32>,
          %slice3A_471 = vector.extract_strided_slice %get3A_470 {offsets = [0], sizes = [1], strides = [1]} : vector<16xi32> to vector<1xi32>
          %squeeze3A_472 = vector.extract %slice3A_471[0] : i32 from vector<1xi32>
          %shift_right_logical3A_473 = arith.constant 7 : i32
          %shift_right_logical3A_474 = arith.shrui %squeeze3A_468, %shift_right_logical3A_473 : i32
          %eq3A_475 = arith.constant 7812 : i32
          %eq3A_476 = arith.cmpi eq, %shift_right_logical3A_474, %eq3A_475 : i32
          %not3A = arith.constant true
          %not3A_477 = arith.xori %eq3A_476, %not3A : i1
          %convert_element_type3A_478 = arith.extui %not3A_477 : i1 to i32
          %cond3A_479 = arith.constant 0 : i32
          %cond3A_480 = arith.cmpi ne, %convert_element_type3A_478, %cond3A_479 : i32
          scf.if %cond3A_480 {
            %sub3A_485 = arith.subi %shift_right_logical3A_474, %add3A_394 : i32
            %broadcast_in_dim3A = vector.broadcast %sub3A_485 : i32 to vector<16xi32>
            %and3A_486 = arith.constant 127 : i32
            %and3A_487 = arith.andi %squeeze3A_468, %and3A_486 : i32
            %broadcast_in_dim3A_488 = vector.broadcast %and3A_487 : i32 to vector<16xi32>
            %get3A_489 = arith.constant 1 : i32
            %get3A_490 = arith.index_cast %get3A_489 : i32 to index
            %get3A_491 = memref.load %arg15[%get3A_490] : memref<8xi32, #tpu.memory_space<smem>>
            %add3A_492 = arith.constant 0 : i32
            %add3A_493 = vector.broadcast %add3A_492 : i32 to vector<16xi32>
            %add3A_494 = arith.addi %iota3A, %add3A_493 : vector<16xi32>
            %gather3A = arith.constant 1 : i32
            %gather3A_495 = arith.constant 0 : i32
            %gather3A_496 = arith.constant 0 : i32
            %gather3A_497 = arith.constant 0 : i32
            %gather3A_498 = tpu.memref_slice %arg11[%gather3A, %gather3A_495, %gather3A_496, %gather3A_497] : memref<2x4x64x128xf32, #tpu.memory_space<vmem>> -> memref<1x4x64x128xf32, #tpu.memory_space<vmem>>
            %gather3A_499 = tpu.memref_squeeze %gather3A_498 : memref<1x4x64x128xf32, #tpu.memory_space<vmem>> -> memref<4x64x128xf32, #tpu.memory_space<vmem>>
            %gather3A_500 = tpu.vector_load_idx %gather3A_499[%broadcast_in_dim3A, %add3A_494, %broadcast_in_dim3A_488] : memref<4x64x128xf32, #tpu.memory_space<vmem>>[vector<16xi32>, vector<16xi32>, vector<16xi32>], vector<16xf32>,
            %swap3A_501 = arith.index_cast %get3A_491 : i32 to index
            %swap3A_502 = arith.constant 0 : index
            %swap3A_503 = tpu.vector_load %arg13[%swap3A_501, %swap3A_502] {strides = array<i32>} : memref<64x128xf32, #tpu.memory_space<vmem>>, vector<16xf32>,
            tpu.vector_store %arg13[%swap3A_501, %swap3A_502], %gather3A_500 {strides = array<i32>} : memref<64x128xf32, #tpu.memory_space<vmem>>, vector<16xf32>,
            %add3A_504 = arith.constant 16 : i32
            %add3A_505 = vector.broadcast %add3A_504 : i32 to vector<16xi32>
            %add3A_506 = arith.addi %iota3A, %add3A_505 : vector<16xi32>
            %gather3A_507 = arith.constant 1 : i32
            %gather3A_508 = arith.constant 0 : i32
            %gather3A_509 = arith.constant 0 : i32
            %gather3A_510 = arith.constant 0 : i32
            %gather3A_511 = tpu.memref_slice %arg11[%gather3A_507, %gather3A_508, %gather3A_509, %gather3A_510] : memref<2x4x64x128xf32, #tpu.memory_space<vmem>> -> memref<1x4x64x128xf32, #tpu.memory_space<vmem>>
            %gather3A_512 = tpu.memref_squeeze %gather3A_511 : memref<1x4x64x128xf32, #tpu.memory_space<vmem>> -> memref<4x64x128xf32, #tpu.memory_space<vmem>>
            %gather3A_513 = tpu.vector_load_idx %gather3A_512[%broadcast_in_dim3A, %add3A_506, %broadcast_in_dim3A_488] : memref<4x64x128xf32, #tpu.memory_space<vmem>>[vector<16xi32>, vector<16xi32>, vector<16xi32>], vector<16xf32>,
            %swap3A_514 = arith.index_cast %get3A_491 : i32 to index
            %swap3A_515 = arith.constant 16 : index
            %swap3A_516 = tpu.vector_load %arg13[%swap3A_514, %swap3A_515] {strides = array<i32>} : memref<64x128xf32, #tpu.memory_space<vmem>>, vector<16xf32>,
            tpu.vector_store %arg13[%swap3A_514, %swap3A_515], %gather3A_513 {strides = array<i32>} : memref<64x128xf32, #tpu.memory_space<vmem>>, vector<16xf32>,
            %add3A_517 = arith.constant 32 : i32
            %add3A_518 = vector.broadcast %add3A_517 : i32 to vector<16xi32>
            %add3A_519 = arith.addi %iota3A, %add3A_518 : vector<16xi32>
            %gather3A_520 = arith.constant 1 : i32
            %gather3A_521 = arith.constant 0 : i32
            %gather3A_522 = arith.constant 0 : i32
            %gather3A_523 = arith.constant 0 : i32
            %gather3A_524 = tpu.memref_slice %arg11[%gather3A_520, %gather3A_521, %gather3A_522, %gather3A_523] : memref<2x4x64x128xf32, #tpu.memory_space<vmem>> -> memref<1x4x64x128xf32, #tpu.memory_space<vmem>>
            %gather3A_525 = tpu.memref_squeeze %gather3A_524 : memref<1x4x64x128xf32, #tpu.memory_space<vmem>> -> memref<4x64x128xf32, #tpu.memory_space<vmem>>
            %gather3A_526 = tpu.vector_load_idx %gather3A_525[%broadcast_in_dim3A, %add3A_519, %broadcast_in_dim3A_488] : memref<4x64x128xf32, #tpu.memory_space<vmem>>[vector<16xi32>, vector<16xi32>, vector<16xi32>], vector<16xf32>,
            %swap3A_527 = arith.index_cast %get3A_491 : i32 to index
            %swap3A_528 = arith.constant 32 : index
            %swap3A_529 = tpu.vector_load %arg13[%swap3A_527, %swap3A_528] {strides = array<i32>} : memref<64x128xf32, #tpu.memory_space<vmem>>, vector<16xf32>,
            tpu.vector_store %arg13[%swap3A_527, %swap3A_528], %gather3A_526 {strides = array<i32>} : memref<64x128xf32, #tpu.memory_space<vmem>>, vector<16xf32>,
            %add3A_530 = arith.constant 48 : i32
            %add3A_531 = vector.broadcast %add3A_530 : i32 to vector<16xi32>
            %add3A_532 = arith.addi %iota3A, %add3A_531 : vector<16xi32>
            %gather3A_533 = arith.constant 1 : i32
            %gather3A_534 = arith.constant 0 : i32
            %gather3A_535 = arith.constant 0 : i32
            %gather3A_536 = arith.constant 0 : i32
            %gather3A_537 = tpu.memref_slice %arg11[%gather3A_533, %gather3A_534, %gather3A_535, %gather3A_536] : memref<2x4x64x128xf32, #tpu.memory_space<vmem>> -> memref<1x4x64x128xf32, #tpu.memory_space<vmem>>
            %gather3A_538 = tpu.memref_squeeze %gather3A_537 : memref<1x4x64x128xf32, #tpu.memory_space<vmem>> -> memref<4x64x128xf32, #tpu.memory_space<vmem>>
            %gather3A_539 = tpu.vector_load_idx %gather3A_538[%broadcast_in_dim3A, %add3A_532, %broadcast_in_dim3A_488] : memref<4x64x128xf32, #tpu.memory_space<vmem>>[vector<16xi32>, vector<16xi32>, vector<16xi32>], vector<16xf32>,
            %swap3A_540 = arith.index_cast %get3A_491 : i32 to index
            %swap3A_541 = arith.constant 48 : index
            %swap3A_542 = tpu.vector_load %arg13[%swap3A_540, %swap3A_541] {strides = array<i32>} : memref<64x128xf32, #tpu.memory_space<vmem>>, vector<16xf32>,
            tpu.vector_store %arg13[%swap3A_540, %swap3A_541], %gather3A_539 {strides = array<i32>} : memref<64x128xf32, #tpu.memory_space<vmem>>, vector<16xf32>,
            %broadcast_in_dim3A_543 = vector.broadcast %get3A_491 : i32 to vector<16xi32>
            %broadcast_in_dim3A_544 = vector.broadcast %squeeze3A_472 : i32 to vector<16xi32>
            tpu.vector_store_idx %arg14[%broadcast_in_dim3A_543], %broadcast_in_dim3A_544 masked %eq3A_7 : memref<80xi32, #tpu.memory_space<vmem>>[vector<16xi32>], vector<16xi32>, vector<16xi1>
            %add3A_545 = arith.constant 1 : i32
            %add3A_546 = arith.addi %get3A_491, %add3A_545 : i32
            %swap3A_547 = arith.constant 1 : i32
            %swap3A_548 = arith.index_cast %swap3A_547 : i32 to index
            %swap3A_549 = memref.load %arg15[%swap3A_548] : memref<8xi32, #tpu.memory_space<smem>>
            memref.store %add3A_546, %arg15[%swap3A_548] : memref<8xi32, #tpu.memory_space<smem>>
            %add3A_550 = arith.constant 1 : i32
            %add3A_551 = arith.addi %get3A_491, %add3A_550 : i32
            %eq3A_552 = arith.constant 64 : i32
            %eq3A_553 = arith.cmpi eq, %add3A_551, %eq3A_552 : i32
            %convert_element_type3A_554 = arith.extui %eq3A_553 : i1 to i32
            %cond3A_555 = arith.constant 0 : i32
            %cond3A_556 = arith.cmpi ne, %convert_element_type3A_554, %cond3A_555 : i32
            scf.if %cond3A_556 {
              %dma_start3A_557 = arith.constant 0 : i32
              %dma_start3A_558 = tpu.memref_slice %arg14[%dma_start3A_557] : memref<80xi32, #tpu.memory_space<vmem>> -> memref<64xi32, #tpu.memory_space<vmem>>
              %dma_start3A_559 = arith.constant 0 : i32
              %dma_start3A_560 = arith.constant 0 : i32
              %dma_start3A_561 = tpu.memref_slice %arg5[%dma_start3A_559, %dma_start3A_560] : memref<16384x128xf32, #tpu.memory_space<hbm>> -> memref<16384x128xf32, #tpu.memory_space<hbm>>
              tpu.enqueue_indirect_dma source(%arg13 : memref<64x128xf32, #tpu.memory_space<vmem>>) target(%dma_start3A_561 : memref<16384x128xf32, #tpu.memory_space<hbm>>) offsets(%dma_start3A_558 : memref<64xi32, #tpu.memory_space<vmem>>) semaphore(%arg18 : memref<!tpu.dma_semaphore, #tpu.memory_space<semaphore_mem>>)
              %dma_wait3A_562 = arith.constant 0 : i32
              %dma_wait3A_563 = tpu.memref_slice %arg14[%dma_wait3A_562] : memref<80xi32, #tpu.memory_space<vmem>> -> memref<64xi32, #tpu.memory_space<vmem>>
              %dma_wait3A_564 = arith.constant 0 : i32
              %dma_wait3A_565 = arith.constant 0 : i32
              %dma_wait3A_566 = tpu.memref_slice %arg5[%dma_wait3A_564, %dma_wait3A_565] : memref<16384x128xf32, #tpu.memory_space<hbm>> -> memref<16384x128xf32, #tpu.memory_space<hbm>>
              tpu.wait_indirect_dma semaphore(%arg18 : memref<!tpu.dma_semaphore, #tpu.memory_space<semaphore_mem>>) src(%arg13 : memref<64x128xf32, #tpu.memory_space<vmem>>) dst(%dma_wait3A_566 : memref<16384x128xf32, #tpu.memory_space<hbm>>)
              %swap3A_567 = arith.constant 0 : i32
              %swap3A_568 = arith.constant 1 : i32
              %swap3A_569 = arith.index_cast %swap3A_568 : i32 to index
              %swap3A_570 = memref.load %arg15[%swap3A_569] : memref<8xi32, #tpu.memory_space<smem>>
              memref.store %swap3A_567, %arg15[%swap3A_569] : memref<8xi32, #tpu.memory_space<smem>>
            } else {
            }
          } else {
          }
          %convert_element_type3A_481 = arith.extui %eq3A_476 : i1 to i32
          %cond3A_482 = arith.constant 0 : i32
          %cond3A_483 = arith.cmpi ne, %convert_element_type3A_481, %cond3A_482 : i32
          scf.if %cond3A_483 {
            %and3A_485 = arith.constant 127 : i32
            %and3A_486 = arith.andi %squeeze3A_468, %and3A_485 : i32
            %broadcast_in_dim3A = vector.broadcast %and3A_486 : i32 to vector<16xi32>
            %get3A_487 = arith.constant 1 : i32
            %get3A_488 = arith.index_cast %get3A_487 : i32 to index
            %get3A_489 = memref.load %arg15[%get3A_488] : memref<8xi32, #tpu.memory_space<smem>>
            %add3A_490 = arith.constant 0 : i32
            %add3A_491 = vector.broadcast %add3A_490 : i32 to vector<16xi32>
            %add3A_492 = arith.addi %iota3A, %add3A_491 : vector<16xi32>
            %gather3A = tpu.vector_load_idx %arg12[%add3A_492, %broadcast_in_dim3A] : memref<64x128xf32, #tpu.memory_space<vmem>>[vector<16xi32>, vector<16xi32>], vector<16xf32>,
            %swap3A_493 = arith.index_cast %get3A_489 : i32 to index
            %swap3A_494 = arith.constant 0 : index
            %swap3A_495 = tpu.vector_load %arg13[%swap3A_493, %swap3A_494] {strides = array<i32>} : memref<64x128xf32, #tpu.memory_space<vmem>>, vector<16xf32>,
            tpu.vector_store %arg13[%swap3A_493, %swap3A_494], %gather3A {strides = array<i32>} : memref<64x128xf32, #tpu.memory_space<vmem>>, vector<16xf32>,
            %add3A_496 = arith.constant 16 : i32
            %add3A_497 = vector.broadcast %add3A_496 : i32 to vector<16xi32>
            %add3A_498 = arith.addi %iota3A, %add3A_497 : vector<16xi32>
            %gather3A_499 = tpu.vector_load_idx %arg12[%add3A_498, %broadcast_in_dim3A] : memref<64x128xf32, #tpu.memory_space<vmem>>[vector<16xi32>, vector<16xi32>], vector<16xf32>,
            %swap3A_500 = arith.index_cast %get3A_489 : i32 to index
            %swap3A_501 = arith.constant 16 : index
            %swap3A_502 = tpu.vector_load %arg13[%swap3A_500, %swap3A_501] {strides = array<i32>} : memref<64x128xf32, #tpu.memory_space<vmem>>, vector<16xf32>,
            tpu.vector_store %arg13[%swap3A_500, %swap3A_501], %gather3A_499 {strides = array<i32>} : memref<64x128xf32, #tpu.memory_space<vmem>>, vector<16xf32>,
            %add3A_503 = arith.constant 32 : i32
            %add3A_504 = vector.broadcast %add3A_503 : i32 to vector<16xi32>
            %add3A_505 = arith.addi %iota3A, %add3A_504 : vector<16xi32>
            %gather3A_506 = tpu.vector_load_idx %arg12[%add3A_505, %broadcast_in_dim3A] : memref<64x128xf32, #tpu.memory_space<vmem>>[vector<16xi32>, vector<16xi32>], vector<16xf32>,
            %swap3A_507 = arith.index_cast %get3A_489 : i32 to index
            %swap3A_508 = arith.constant 32 : index
            %swap3A_509 = tpu.vector_load %arg13[%swap3A_507, %swap3A_508] {strides = array<i32>} : memref<64x128xf32, #tpu.memory_space<vmem>>, vector<16xf32>,
            tpu.vector_store %arg13[%swap3A_507, %swap3A_508], %gather3A_506 {strides = array<i32>} : memref<64x128xf32, #tpu.memory_space<vmem>>, vector<16xf32>,
            %add3A_510 = arith.constant 48 : i32
            %add3A_511 = vector.broadcast %add3A_510 : i32 to vector<16xi32>
            %add3A_512 = arith.addi %iota3A, %add3A_511 : vector<16xi32>
            %gather3A_513 = tpu.vector_load_idx %arg12[%add3A_512, %broadcast_in_dim3A] : memref<64x128xf32, #tpu.memory_space<vmem>>[vector<16xi32>, vector<16xi32>], vector<16xf32>,
            %swap3A_514 = arith.index_cast %get3A_489 : i32 to index
            %swap3A_515 = arith.constant 48 : index
            %swap3A_516 = tpu.vector_load %arg13[%swap3A_514, %swap3A_515] {strides = array<i32>} : memref<64x128xf32, #tpu.memory_space<vmem>>, vector<16xf32>,
            tpu.vector_store %arg13[%swap3A_514, %swap3A_515], %gather3A_513 {strides = array<i32>} : memref<64x128xf32, #tpu.memory_space<vmem>>, vector<16xf32>,
            %broadcast_in_dim3A_517 = vector.broadcast %get3A_489 : i32 to vector<16xi32>
            %broadcast_in_dim3A_518 = vector.broadcast %squeeze3A_472 : i32 to vector<16xi32>
            tpu.vector_store_idx %arg14[%broadcast_in_dim3A_517], %broadcast_in_dim3A_518 masked %eq3A_7 : memref<80xi32, #tpu.memory_space<vmem>>[vector<16xi32>], vector<16xi32>, vector<16xi1>
            %add3A_519 = arith.constant 1 : i32
            %add3A_520 = arith.addi %get3A_489, %add3A_519 : i32
            %swap3A_521 = arith.constant 1 : i32
            %swap3A_522 = arith.index_cast %swap3A_521 : i32 to index
            %swap3A_523 = memref.load %arg15[%swap3A_522] : memref<8xi32, #tpu.memory_space<smem>>
            memref.store %add3A_520, %arg15[%swap3A_522] : memref<8xi32, #tpu.memory_space<smem>>
            %add3A_524 = arith.constant 1 : i32
            %add3A_525 = arith.addi %get3A_489, %add3A_524 : i32
            %eq3A_526 = arith.constant 64 : i32
            %eq3A_527 = arith.cmpi eq, %add3A_525, %eq3A_526 : i32
            %convert_element_type3A_528 = arith.extui %eq3A_527 : i1 to i32
            %cond3A_529 = arith.constant 0 : i32
            %cond3A_530 = arith.cmpi ne, %convert_element_type3A_528, %cond3A_529 : i32
            scf.if %cond3A_530 {
              %dma_start3A_531 = arith.constant 0 : i32
              %dma_start3A_532 = tpu.memref_slice %arg14[%dma_start3A_531] : memref<80xi32, #tpu.memory_space<vmem>> -> memref<64xi32, #tpu.memory_space<vmem>>
              %dma_start3A_533 = arith.constant 0 : i32
              %dma_start3A_534 = arith.constant 0 : i32
              %dma_start3A_535 = tpu.memref_slice %arg5[%dma_start3A_533, %dma_start3A_534] : memref<16384x128xf32, #tpu.memory_space<hbm>> -> memref<16384x128xf32, #tpu.memory_space<hbm>>
              tpu.enqueue_indirect_dma source(%arg13 : memref<64x128xf32, #tpu.memory_space<vmem>>) target(%dma_start3A_535 : memref<16384x128xf32, #tpu.memory_space<hbm>>) offsets(%dma_start3A_532 : memref<64xi32, #tpu.memory_space<vmem>>) semaphore(%arg18 : memref<!tpu.dma_semaphore, #tpu.memory_space<semaphore_mem>>)
              %dma_wait3A_536 = arith.constant 0 : i32
              %dma_wait3A_537 = tpu.memref_slice %arg14[%dma_wait3A_536] : memref<80xi32, #tpu.memory_space<vmem>> -> memref<64xi32, #tpu.memory_space<vmem>>
              %dma_wait3A_538 = arith.constant 0 : i32
              %dma_wait3A_539 = arith.constant 0 : i32
              %dma_wait3A_540 = tpu.memref_slice %arg5[%dma_wait3A_538, %dma_wait3A_539] : memref<16384x128xf32, #tpu.memory_space<hbm>> -> memref<16384x128xf32, #tpu.memory_space<hbm>>
              tpu.wait_indirect_dma semaphore(%arg18 : memref<!tpu.dma_semaphore, #tpu.memory_space<semaphore_mem>>) src(%arg13 : memref<64x128xf32, #tpu.memory_space<vmem>>) dst(%dma_wait3A_540 : memref<16384x128xf32, #tpu.memory_space<hbm>>)
              %swap3A_541 = arith.constant 0 : i32
              %swap3A_542 = arith.constant 1 : i32
              %swap3A_543 = arith.index_cast %swap3A_542 : i32 to index
              %swap3A_544 = memref.load %arg15[%swap3A_543] : memref<8xi32, #tpu.memory_space<smem>>
              memref.store %swap3A_541, %arg15[%swap3A_543] : memref<8xi32, #tpu.memory_space<smem>>
            } else {
            }
          } else {
          }
          %while3A_484 = arith.constant 0 : i32
          scf.yield %while3A_484 : i32
        }
        %while3A_460 = arith.constant 1 : i32
        %while3A_461 = scf.for %while3A_463 = %while3A_457 to %while3A_453 step %while3A_460 iter_args(%while3A_464 = %while3A_459) -> (i32)  : i32 {
          %get3A_465 = arith.index_cast %while3A_463 : i32 to index
          %get3A_466 = tpu.vector_load %arg9[%get3A_465] {strides = array<i32>} : memref<32xi32, #tpu.memory_space<vmem>>, vector<16xi32>,
          %slice3A_467 = vector.extract_strided_slice %get3A_466 {offsets = [0], sizes = [1], strides = [1]} : vector<16xi32> to vector<1xi32>
          %squeeze3A_468 = vector.extract %slice3A_467[0] : i32 from vector<1xi32>
          %get3A_469 = arith.index_cast %while3A_463 : i32 to index
          %get3A_470 = tpu.vector_load %arg10[%get3A_469] {strides = array<i32>} : memref<32xi32, #tpu.memory_space<vmem>>, vector<16xi32>,
          %slice3A_471 = vector.extract_strided_slice %get3A_470 {offsets = [0], sizes = [1], strides = [1]} : vector<16xi32> to vector<1xi32>
          %squeeze3A_472 = vector.extract %slice3A_471[0] : i32 from vector<1xi32>
          %shift_right_logical3A_473 = arith.constant 7 : i32
          %shift_right_logical3A_474 = arith.shrui %squeeze3A_468, %shift_right_logical3A_473 : i32
          %eq3A_475 = arith.constant 7812 : i32
          %eq3A_476 = arith.cmpi eq, %shift_right_logical3A_474, %eq3A_475 : i32
          %not3A = arith.constant true
          %not3A_477 = arith.xori %eq3A_476, %not3A : i1
          %convert_element_type3A_478 = arith.extui %not3A_477 : i1 to i32
          %cond3A_479 = arith.constant 0 : i32
          %cond3A_480 = arith.cmpi ne, %convert_element_type3A_478, %cond3A_479 : i32
          scf.if %cond3A_480 {
            %sub3A_485 = arith.subi %shift_right_logical3A_474, %add3A_394 : i32
            %broadcast_in_dim3A = vector.broadcast %sub3A_485 : i32 to vector<16xi32>
            %and3A_486 = arith.constant 127 : i32
            %and3A_487 = arith.andi %squeeze3A_468, %and3A_486 : i32
            %broadcast_in_dim3A_488 = vector.broadcast %and3A_487 : i32 to vector<16xi32>
            %get3A_489 = arith.constant 1 : i32
            %get3A_490 = arith.index_cast %get3A_489 : i32 to index
            %get3A_491 = memref.load %arg15[%get3A_490] : memref<8xi32, #tpu.memory_space<smem>>
            %add3A_492 = arith.constant 0 : i32
            %add3A_493 = vector.broadcast %add3A_492 : i32 to vector<16xi32>
            %add3A_494 = arith.addi %iota3A, %add3A_493 : vector<16xi32>
            %gather3A = arith.constant 1 : i32
            %gather3A_495 = arith.constant 0 : i32
            %gather3A_496 = arith.constant 0 : i32
            %gather3A_497 = arith.constant 0 : i32
            %gather3A_498 = tpu.memref_slice %arg11[%gather3A, %gather3A_495, %gather3A_496, %gather3A_497] : memref<2x4x64x128xf32, #tpu.memory_space<vmem>> -> memref<1x4x64x128xf32, #tpu.memory_space<vmem>>
            %gather3A_499 = tpu.memref_squeeze %gather3A_498 : memref<1x4x64x128xf32, #tpu.memory_space<vmem>> -> memref<4x64x128xf32, #tpu.memory_space<vmem>>
            %gather3A_500 = tpu.vector_load_idx %gather3A_499[%broadcast_in_dim3A, %add3A_494, %broadcast_in_dim3A_488] : memref<4x64x128xf32, #tpu.memory_space<vmem>>[vector<16xi32>, vector<16xi32>, vector<16xi32>], vector<16xf32>,
            %swap3A_501 = arith.index_cast %get3A_491 : i32 to index
            %swap3A_502 = arith.constant 0 : index
            %swap3A_503 = tpu.vector_load %arg13[%swap3A_501, %swap3A_502] {strides = array<i32>} : memref<64x128xf32, #tpu.memory_space<vmem>>, vector<16xf32>,
            tpu.vector_store %arg13[%swap3A_501, %swap3A_502], %gather3A_500 {strides = array<i32>} : memref<64x128xf32, #tpu.memory_space<vmem>>, vector<16xf32>,
            %add3A_504 = arith.constant 16 : i32
            %add3A_505 = vector.broadcast %add3A_504 : i32 to vector<16xi32>
            %add3A_506 = arith.addi %iota3A, %add3A_505 : vector<16xi32>
            %gather3A_507 = arith.constant 1 : i32
            %gather3A_508 = arith.constant 0 : i32
            %gather3A_509 = arith.constant 0 : i32
            %gather3A_510 = arith.constant 0 : i32
            %gather3A_511 = tpu.memref_slice %arg11[%gather3A_507, %gather3A_508, %gather3A_509, %gather3A_510] : memref<2x4x64x128xf32, #tpu.memory_space<vmem>> -> memref<1x4x64x128xf32, #tpu.memory_space<vmem>>
            %gather3A_512 = tpu.memref_squeeze %gather3A_511 : memref<1x4x64x128xf32, #tpu.memory_space<vmem>> -> memref<4x64x128xf32, #tpu.memory_space<vmem>>
            %gather3A_513 = tpu.vector_load_idx %gather3A_512[%broadcast_in_dim3A, %add3A_506, %broadcast_in_dim3A_488] : memref<4x64x128xf32, #tpu.memory_space<vmem>>[vector<16xi32>, vector<16xi32>, vector<16xi32>], vector<16xf32>,
            %swap3A_514 = arith.index_cast %get3A_491 : i32 to index
            %swap3A_515 = arith.constant 16 : index
            %swap3A_516 = tpu.vector_load %arg13[%swap3A_514, %swap3A_515] {strides = array<i32>} : memref<64x128xf32, #tpu.memory_space<vmem>>, vector<16xf32>,
            tpu.vector_store %arg13[%swap3A_514, %swap3A_515], %gather3A_513 {strides = array<i32>} : memref<64x128xf32, #tpu.memory_space<vmem>>, vector<16xf32>,
            %add3A_517 = arith.constant 32 : i32
            %add3A_518 = vector.broadcast %add3A_517 : i32 to vector<16xi32>
            %add3A_519 = arith.addi %iota3A, %add3A_518 : vector<16xi32>
            %gather3A_520 = arith.constant 1 : i32
            %gather3A_521 = arith.constant 0 : i32
            %gather3A_522 = arith.constant 0 : i32
            %gather3A_523 = arith.constant 0 : i32
            %gather3A_524 = tpu.memref_slice %arg11[%gather3A_520, %gather3A_521, %gather3A_522, %gather3A_523] : memref<2x4x64x128xf32, #tpu.memory_space<vmem>> -> memref<1x4x64x128xf32, #tpu.memory_space<vmem>>
            %gather3A_525 = tpu.memref_squeeze %gather3A_524 : memref<1x4x64x128xf32, #tpu.memory_space<vmem>> -> memref<4x64x128xf32, #tpu.memory_space<vmem>>
            %gather3A_526 = tpu.vector_load_idx %gather3A_525[%broadcast_in_dim3A, %add3A_519, %broadcast_in_dim3A_488] : memref<4x64x128xf32, #tpu.memory_space<vmem>>[vector<16xi32>, vector<16xi32>, vector<16xi32>], vector<16xf32>,
            %swap3A_527 = arith.index_cast %get3A_491 : i32 to index
            %swap3A_528 = arith.constant 32 : index
            %swap3A_529 = tpu.vector_load %arg13[%swap3A_527, %swap3A_528] {strides = array<i32>} : memref<64x128xf32, #tpu.memory_space<vmem>>, vector<16xf32>,
            tpu.vector_store %arg13[%swap3A_527, %swap3A_528], %gather3A_526 {strides = array<i32>} : memref<64x128xf32, #tpu.memory_space<vmem>>, vector<16xf32>,
            %add3A_530 = arith.constant 48 : i32
            %add3A_531 = vector.broadcast %add3A_530 : i32 to vector<16xi32>
            %add3A_532 = arith.addi %iota3A, %add3A_531 : vector<16xi32>
            %gather3A_533 = arith.constant 1 : i32
            %gather3A_534 = arith.constant 0 : i32
            %gather3A_535 = arith.constant 0 : i32
            %gather3A_536 = arith.constant 0 : i32
            %gather3A_537 = tpu.memref_slice %arg11[%gather3A_533, %gather3A_534, %gather3A_535, %gather3A_536] : memref<2x4x64x128xf32, #tpu.memory_space<vmem>> -> memref<1x4x64x128xf32, #tpu.memory_space<vmem>>
            %gather3A_538 = tpu.memref_squeeze %gather3A_537 : memref<1x4x64x128xf32, #tpu.memory_space<vmem>> -> memref<4x64x128xf32, #tpu.memory_space<vmem>>
            %gather3A_539 = tpu.vector_load_idx %gather3A_538[%broadcast_in_dim3A, %add3A_532, %broadcast_in_dim3A_488] : memref<4x64x128xf32, #tpu.memory_space<vmem>>[vector<16xi32>, vector<16xi32>, vector<16xi32>], vector<16xf32>,
            %swap3A_540 = arith.index_cast %get3A_491 : i32 to index
            %swap3A_541 = arith.constant 48 : index
            %swap3A_542 = tpu.vector_load %arg13[%swap3A_540, %swap3A_541] {strides = array<i32>} : memref<64x128xf32, #tpu.memory_space<vmem>>, vector<16xf32>,
            tpu.vector_store %arg13[%swap3A_540, %swap3A_541], %gather3A_539 {strides = array<i32>} : memref<64x128xf32, #tpu.memory_space<vmem>>, vector<16xf32>,
            %broadcast_in_dim3A_543 = vector.broadcast %get3A_491 : i32 to vector<16xi32>
            %broadcast_in_dim3A_544 = vector.broadcast %squeeze3A_472 : i32 to vector<16xi32>
            tpu.vector_store_idx %arg14[%broadcast_in_dim3A_543], %broadcast_in_dim3A_544 masked %eq3A_7 : memref<80xi32, #tpu.memory_space<vmem>>[vector<16xi32>], vector<16xi32>, vector<16xi1>
            %add3A_545 = arith.constant 1 : i32
            %add3A_546 = arith.addi %get3A_491, %add3A_545 : i32
            %swap3A_547 = arith.constant 1 : i32
            %swap3A_548 = arith.index_cast %swap3A_547 : i32 to index
            %swap3A_549 = memref.load %arg15[%swap3A_548] : memref<8xi32, #tpu.memory_space<smem>>
            memref.store %add3A_546, %arg15[%swap3A_548] : memref<8xi32, #tpu.memory_space<smem>>
            %add3A_550 = arith.constant 1 : i32
            %add3A_551 = arith.addi %get3A_491, %add3A_550 : i32
            %eq3A_552 = arith.constant 64 : i32
            %eq3A_553 = arith.cmpi eq, %add3A_551, %eq3A_552 : i32
            %convert_element_type3A_554 = arith.extui %eq3A_553 : i1 to i32
            %cond3A_555 = arith.constant 0 : i32
            %cond3A_556 = arith.cmpi ne, %convert_element_type3A_554, %cond3A_555 : i32
            scf.if %cond3A_556 {
              %dma_start3A_557 = arith.constant 0 : i32
              %dma_start3A_558 = tpu.memref_slice %arg14[%dma_start3A_557] : memref<80xi32, #tpu.memory_space<vmem>> -> memref<64xi32, #tpu.memory_space<vmem>>
              %dma_start3A_559 = arith.constant 0 : i32
              %dma_start3A_560 = arith.constant 0 : i32
              %dma_start3A_561 = tpu.memref_slice %arg5[%dma_start3A_559, %dma_start3A_560] : memref<16384x128xf32, #tpu.memory_space<hbm>> -> memref<16384x128xf32, #tpu.memory_space<hbm>>
              tpu.enqueue_indirect_dma source(%arg13 : memref<64x128xf32, #tpu.memory_space<vmem>>) target(%dma_start3A_561 : memref<16384x128xf32, #tpu.memory_space<hbm>>) offsets(%dma_start3A_558 : memref<64xi32, #tpu.memory_space<vmem>>) semaphore(%arg18 : memref<!tpu.dma_semaphore, #tpu.memory_space<semaphore_mem>>)
              %dma_wait3A_562 = arith.constant 0 : i32
              %dma_wait3A_563 = tpu.memref_slice %arg14[%dma_wait3A_562] : memref<80xi32, #tpu.memory_space<vmem>> -> memref<64xi32, #tpu.memory_space<vmem>>
              %dma_wait3A_564 = arith.constant 0 : i32
              %dma_wait3A_565 = arith.constant 0 : i32
              %dma_wait3A_566 = tpu.memref_slice %arg5[%dma_wait3A_564, %dma_wait3A_565] : memref<16384x128xf32, #tpu.memory_space<hbm>> -> memref<16384x128xf32, #tpu.memory_space<hbm>>
              tpu.wait_indirect_dma semaphore(%arg18 : memref<!tpu.dma_semaphore, #tpu.memory_space<semaphore_mem>>) src(%arg13 : memref<64x128xf32, #tpu.memory_space<vmem>>) dst(%dma_wait3A_566 : memref<16384x128xf32, #tpu.memory_space<hbm>>)
              %swap3A_567 = arith.constant 0 : i32
              %swap3A_568 = arith.constant 1 : i32
              %swap3A_569 = arith.index_cast %swap3A_568 : i32 to index
              %swap3A_570 = memref.load %arg15[%swap3A_569] : memref<8xi32, #tpu.memory_space<smem>>
              memref.store %swap3A_567, %arg15[%swap3A_569] : memref<8xi32, #tpu.memory_space<smem>>
            } else {
            }
          } else {
          }
          %convert_element_type3A_481 = arith.extui %eq3A_476 : i1 to i32
          %cond3A_482 = arith.constant 0 : i32
          %cond3A_483 = arith.cmpi ne, %convert_element_type3A_481, %cond3A_482 : i32
          scf.if %cond3A_483 {
            %and3A_485 = arith.constant 127 : i32
            %and3A_486 = arith.andi %squeeze3A_468, %and3A_485 : i32
            %broadcast_in_dim3A = vector.broadcast %and3A_486 : i32 to vector<16xi32>
            %get3A_487 = arith.constant 1 : i32
            %get3A_488 = arith.index_cast %get3A_487 : i32 to index
            %get3A_489 = memref.load %arg15[%get3A_488] : memref<8xi32, #tpu.memory_space<smem>>
            %add3A_490 = arith.constant 0 : i32
            %add3A_491 = vector.broadcast %add3A_490 : i32 to vector<16xi32>
            %add3A_492 = arith.addi %iota3A, %add3A_491 : vector<16xi32>
            %gather3A = tpu.vector_load_idx %arg12[%add3A_492, %broadcast_in_dim3A] : memref<64x128xf32, #tpu.memory_space<vmem>>[vector<16xi32>, vector<16xi32>], vector<16xf32>,
            %swap3A_493 = arith.index_cast %get3A_489 : i32 to index
            %swap3A_494 = arith.constant 0 : index
            %swap3A_495 = tpu.vector_load %arg13[%swap3A_493, %swap3A_494] {strides = array<i32>} : memref<64x128xf32, #tpu.memory_space<vmem>>, vector<16xf32>,
            tpu.vector_store %arg13[%swap3A_493, %swap3A_494], %gather3A {strides = array<i32>} : memref<64x128xf32, #tpu.memory_space<vmem>>, vector<16xf32>,
            %add3A_496 = arith.constant 16 : i32
            %add3A_497 = vector.broadcast %add3A_496 : i32 to vector<16xi32>
            %add3A_498 = arith.addi %iota3A, %add3A_497 : vector<16xi32>
            %gather3A_499 = tpu.vector_load_idx %arg12[%add3A_498, %broadcast_in_dim3A] : memref<64x128xf32, #tpu.memory_space<vmem>>[vector<16xi32>, vector<16xi32>], vector<16xf32>,
            %swap3A_500 = arith.index_cast %get3A_489 : i32 to index
            %swap3A_501 = arith.constant 16 : index
            %swap3A_502 = tpu.vector_load %arg13[%swap3A_500, %swap3A_501] {strides = array<i32>} : memref<64x128xf32, #tpu.memory_space<vmem>>, vector<16xf32>,
            tpu.vector_store %arg13[%swap3A_500, %swap3A_501], %gather3A_499 {strides = array<i32>} : memref<64x128xf32, #tpu.memory_space<vmem>>, vector<16xf32>,
            %add3A_503 = arith.constant 32 : i32
            %add3A_504 = vector.broadcast %add3A_503 : i32 to vector<16xi32>
            %add3A_505 = arith.addi %iota3A, %add3A_504 : vector<16xi32>
            %gather3A_506 = tpu.vector_load_idx %arg12[%add3A_505, %broadcast_in_dim3A] : memref<64x128xf32, #tpu.memory_space<vmem>>[vector<16xi32>, vector<16xi32>], vector<16xf32>,
            %swap3A_507 = arith.index_cast %get3A_489 : i32 to index
            %swap3A_508 = arith.constant 32 : index
            %swap3A_509 = tpu.vector_load %arg13[%swap3A_507, %swap3A_508] {strides = array<i32>} : memref<64x128xf32, #tpu.memory_space<vmem>>, vector<16xf32>,
            tpu.vector_store %arg13[%swap3A_507, %swap3A_508], %gather3A_506 {strides = array<i32>} : memref<64x128xf32, #tpu.memory_space<vmem>>, vector<16xf32>,
            %add3A_510 = arith.constant 48 : i32
            %add3A_511 = vector.broadcast %add3A_510 : i32 to vector<16xi32>
            %add3A_512 = arith.addi %iota3A, %add3A_511 : vector<16xi32>
            %gather3A_513 = tpu.vector_load_idx %arg12[%add3A_512, %broadcast_in_dim3A] : memref<64x128xf32, #tpu.memory_space<vmem>>[vector<16xi32>, vector<16xi32>], vector<16xf32>,
            %swap3A_514 = arith.index_cast %get3A_489 : i32 to index
            %swap3A_515 = arith.constant 48 : index
            %swap3A_516 = tpu.vector_load %arg13[%swap3A_514, %swap3A_515] {strides = array<i32>} : memref<64x128xf32, #tpu.memory_space<vmem>>, vector<16xf32>,
            tpu.vector_store %arg13[%swap3A_514, %swap3A_515], %gather3A_513 {strides = array<i32>} : memref<64x128xf32, #tpu.memory_space<vmem>>, vector<16xf32>,
            %broadcast_in_dim3A_517 = vector.broadcast %get3A_489 : i32 to vector<16xi32>
            %broadcast_in_dim3A_518 = vector.broadcast %squeeze3A_472 : i32 to vector<16xi32>
            tpu.vector_store_idx %arg14[%broadcast_in_dim3A_517], %broadcast_in_dim3A_518 masked %eq3A_7 : memref<80xi32, #tpu.memory_space<vmem>>[vector<16xi32>], vector<16xi32>, vector<16xi1>
            %add3A_519 = arith.constant 1 : i32
            %add3A_520 = arith.addi %get3A_489, %add3A_519 : i32
            %swap3A_521 = arith.constant 1 : i32
            %swap3A_522 = arith.index_cast %swap3A_521 : i32 to index
            %swap3A_523 = memref.load %arg15[%swap3A_522] : memref<8xi32, #tpu.memory_space<smem>>
            memref.store %add3A_520, %arg15[%swap3A_522] : memref<8xi32, #tpu.memory_space<smem>>
            %add3A_524 = arith.constant 1 : i32
            %add3A_525 = arith.addi %get3A_489, %add3A_524 : i32
            %eq3A_526 = arith.constant 64 : i32
            %eq3A_527 = arith.cmpi eq, %add3A_525, %eq3A_526 : i32
            %convert_element_type3A_528 = arith.extui %eq3A_527 : i1 to i32
            %cond3A_529 = arith.constant 0 : i32
            %cond3A_530 = arith.cmpi ne, %convert_element_type3A_528, %cond3A_529 : i32
            scf.if %cond3A_530 {
              %dma_start3A_531 = arith.constant 0 : i32
              %dma_start3A_532 = tpu.memref_slice %arg14[%dma_start3A_531] : memref<80xi32, #tpu.memory_space<vmem>> -> memref<64xi32, #tpu.memory_space<vmem>>
              %dma_start3A_533 = arith.constant 0 : i32
              %dma_start3A_534 = arith.constant 0 : i32
              %dma_start3A_535 = tpu.memref_slice %arg5[%dma_start3A_533, %dma_start3A_534] : memref<16384x128xf32, #tpu.memory_space<hbm>> -> memref<16384x128xf32, #tpu.memory_space<hbm>>
              tpu.enqueue_indirect_dma source(%arg13 : memref<64x128xf32, #tpu.memory_space<vmem>>) target(%dma_start3A_535 : memref<16384x128xf32, #tpu.memory_space<hbm>>) offsets(%dma_start3A_532 : memref<64xi32, #tpu.memory_space<vmem>>) semaphore(%arg18 : memref<!tpu.dma_semaphore, #tpu.memory_space<semaphore_mem>>)
              %dma_wait3A_536 = arith.constant 0 : i32
              %dma_wait3A_537 = tpu.memref_slice %arg14[%dma_wait3A_536] : memref<80xi32, #tpu.memory_space<vmem>> -> memref<64xi32, #tpu.memory_space<vmem>>
              %dma_wait3A_538 = arith.constant 0 : i32
              %dma_wait3A_539 = arith.constant 0 : i32
              %dma_wait3A_540 = tpu.memref_slice %arg5[%dma_wait3A_538, %dma_wait3A_539] : memref<16384x128xf32, #tpu.memory_space<hbm>> -> memref<16384x128xf32, #tpu.memory_space<hbm>>
              tpu.wait_indirect_dma semaphore(%arg18 : memref<!tpu.dma_semaphore, #tpu.memory_space<semaphore_mem>>) src(%arg13 : memref<64x128xf32, #tpu.memory_space<vmem>>) dst(%dma_wait3A_540 : memref<16384x128xf32, #tpu.memory_space<hbm>>)
              %swap3A_541 = arith.constant 0 : i32
              %swap3A_542 = arith.constant 1 : i32
              %swap3A_543 = arith.index_cast %swap3A_542 : i32 to index
              %swap3A_544 = memref.load %arg15[%swap3A_543] : memref<8xi32, #tpu.memory_space<smem>>
              memref.store %swap3A_541, %arg15[%swap3A_543] : memref<8xi32, #tpu.memory_space<smem>>
            } else {
            }
          } else {
          }
          %while3A_484 = arith.constant 0 : i32
          scf.yield %while3A_484 : i32
        }
        %while3A_462 = arith.constant 0 : i32
        scf.yield %while3A_462 : i32
      }
      %while3A_411 = arith.constant 1 : i32
      %while3A_412 = scf.for %while3A_421 = %while3A_408 to %while3A_404 step %while3A_411 iter_args(%while3A_422 = %while3A_410) -> (i32)  : i32 {
        %mul3A_423 = arith.constant 16 : i32
        %mul3A_424 = arith.muli %while3A_421, %mul3A_423 : i32
        %get3A_425 = arith.index_cast %mul3A_424 : i32 to index
        %get3A_426 = tpu.vector_load %arg7[%get3A_425] {strides = array<i32>} : memref<16400xi32, #tpu.memory_space<vmem>>, vector<16xi32>,
        %mul3A_427 = arith.constant 16 : i32
        %mul3A_428 = arith.muli %while3A_421, %mul3A_427 : i32
        %get3A_429 = arith.index_cast %mul3A_428 : i32 to index
        %get3A_430 = tpu.vector_load %arg8[%get3A_429] {strides = array<i32>} : memref<16400xi32, #tpu.memory_space<vmem>>, vector<16xi32>,
        %shift_right_logical3A_431 = arith.constant 7 : i32
        %shift_right_logical3A_432 = vector.broadcast %shift_right_logical3A_431 : i32 to vector<16xi32>
        %shift_right_logical3A_433 = arith.shrui %get3A_426, %shift_right_logical3A_432 : vector<16xi32>
        %mul3A_434 = arith.constant 16 : i32
        %mul3A_435 = arith.muli %while3A_421, %mul3A_434 : i32
        %add3A_436 = vector.broadcast %mul3A_435 : i32 to vector<16xi32>
        %add3A_437 = arith.addi %iota3A, %add3A_436 : vector<16xi32>
        %lt3A_438 = vector.broadcast %get3A_214 : i32 to vector<16xi32>
        %lt3A_439 = arith.cmpi slt, %add3A_437, %lt3A_438 : vector<16xi32>
        %ge3A = vector.broadcast %add3A_394 : i32 to vector<16xi32>
        %ge3A_440 = arith.cmpi sge, %shift_right_logical3A_433, %ge3A : vector<16xi32>
        %add3A_441 = arith.constant 4 : i32
        %add3A_442 = arith.addi %add3A_394, %add3A_441 : i32
        %lt3A_443 = vector.broadcast %add3A_442 : i32 to vector<16xi32>
        %lt3A_444 = arith.cmpi slt, %shift_right_logical3A_433, %lt3A_443 : vector<16xi32>
        %and3A = arith.andi %ge3A_440, %lt3A_444 : vector<16xi1>
        %and3A_445 = arith.andi %and3A, %lt3A_439 : vector<16xi1>
        %all_reduce_population_count3A = tpu.all_reduce %and3A_445 {dim = 0 : i64, kind = #tpu.reduction_kind<sum>} : vector<16xi1> -> vector<16xi32>
        %slice3A = vector.extract_strided_slice %all_reduce_population_count3A {offsets = [0], sizes = [1], strides = [1]} : vector<16xi32> to vector<1xi32>
        %squeeze3A = vector.extract %slice3A[0] : i32 from vector<1xi32>
        %swap3A_446 = arith.constant 0 : index
        %swap3A_447 = tpu.vector_load %arg9[%swap3A_446] masked %and3A_445 {strides = array<i32>} : memref<32xi32, #tpu.memory_space<vmem>>, vector<16xi32>, vector<16xi1>
        tpu.vector_store %arg9[%swap3A_446], %get3A_426 masked %and3A_445 {strides = array<i32>} : memref<32xi32, #tpu.memory_space<vmem>>, vector<16xi32>, vector<16xi1>
        %swap3A_448 = arith.constant 0 : index
        %swap3A_449 = tpu.vector_load %arg10[%swap3A_448] masked %and3A_445 {strides = array<i32>} : memref<32xi32, #tpu.memory_space<vmem>>, vector<16xi32>, vector<16xi1>
        tpu.vector_store %arg10[%swap3A_448], %get3A_430 masked %and3A_445 {strides = array<i32>} : memref<32xi32, #tpu.memory_space<vmem>>, vector<16xi32>, vector<16xi1>
        %while3A_450 = arith.constant 0 : i32
        %while3A_451 = arith.constant 0 : i32
        %while3A_452 = arith.subi %squeeze3A, %while3A_450 : i32
        %while3A_453 = arith.addi %while3A_450, %while3A_452 : i32
        %while3A_454 = arith.constant 1 : i32
        %while3A_455 = arith.divsi %while3A_452, %while3A_454 : i32
        %while3A_456 = arith.muli %while3A_455, %while3A_454 : i32
        %while3A_457 = arith.addi %while3A_450, %while3A_456 : i32
        %while3A_458 = arith.constant 1 : i32
        %while3A_459 = scf.for %while3A_463 = %while3A_450 to %while3A_457 step %while3A_458 iter_args(%while3A_464 = %while3A_451) -> (i32)  : i32 {
          %get3A_465 = arith.index_cast %while3A_463 : i32 to index
          %get3A_466 = tpu.vector_load %arg9[%get3A_465] {strides = array<i32>} : memref<32xi32, #tpu.memory_space<vmem>>, vector<16xi32>,
          %slice3A_467 = vector.extract_strided_slice %get3A_466 {offsets = [0], sizes = [1], strides = [1]} : vector<16xi32> to vector<1xi32>
          %squeeze3A_468 = vector.extract %slice3A_467[0] : i32 from vector<1xi32>
          %get3A_469 = arith.index_cast %while3A_463 : i32 to index
          %get3A_470 = tpu.vector_load %arg10[%get3A_469] {strides = array<i32>} : memref<32xi32, #tpu.memory_space<vmem>>, vector<16xi32>,
          %slice3A_471 = vector.extract_strided_slice %get3A_470 {offsets = [0], sizes = [1], strides = [1]} : vector<16xi32> to vector<1xi32>
          %squeeze3A_472 = vector.extract %slice3A_471[0] : i32 from vector<1xi32>
          %shift_right_logical3A_473 = arith.constant 7 : i32
          %shift_right_logical3A_474 = arith.shrui %squeeze3A_468, %shift_right_logical3A_473 : i32
          %eq3A_475 = arith.constant 7812 : i32
          %eq3A_476 = arith.cmpi eq, %shift_right_logical3A_474, %eq3A_475 : i32
          %not3A = arith.constant true
          %not3A_477 = arith.xori %eq3A_476, %not3A : i1
          %convert_element_type3A_478 = arith.extui %not3A_477 : i1 to i32
          %cond3A_479 = arith.constant 0 : i32
          %cond3A_480 = arith.cmpi ne, %convert_element_type3A_478, %cond3A_479 : i32
          scf.if %cond3A_480 {
            %sub3A_485 = arith.subi %shift_right_logical3A_474, %add3A_394 : i32
            %broadcast_in_dim3A = vector.broadcast %sub3A_485 : i32 to vector<16xi32>
            %and3A_486 = arith.constant 127 : i32
            %and3A_487 = arith.andi %squeeze3A_468, %and3A_486 : i32
            %broadcast_in_dim3A_488 = vector.broadcast %and3A_487 : i32 to vector<16xi32>
            %get3A_489 = arith.constant 1 : i32
            %get3A_490 = arith.index_cast %get3A_489 : i32 to index
            %get3A_491 = memref.load %arg15[%get3A_490] : memref<8xi32, #tpu.memory_space<smem>>
            %add3A_492 = arith.constant 0 : i32
            %add3A_493 = vector.broadcast %add3A_492 : i32 to vector<16xi32>
            %add3A_494 = arith.addi %iota3A, %add3A_493 : vector<16xi32>
            %gather3A = arith.constant 1 : i32
            %gather3A_495 = arith.constant 0 : i32
            %gather3A_496 = arith.constant 0 : i32
            %gather3A_497 = arith.constant 0 : i32
            %gather3A_498 = tpu.memref_slice %arg11[%gather3A, %gather3A_495, %gather3A_496, %gather3A_497] : memref<2x4x64x128xf32, #tpu.memory_space<vmem>> -> memref<1x4x64x128xf32, #tpu.memory_space<vmem>>
            %gather3A_499 = tpu.memref_squeeze %gather3A_498 : memref<1x4x64x128xf32, #tpu.memory_space<vmem>> -> memref<4x64x128xf32, #tpu.memory_space<vmem>>
            %gather3A_500 = tpu.vector_load_idx %gather3A_499[%broadcast_in_dim3A, %add3A_494, %broadcast_in_dim3A_488] : memref<4x64x128xf32, #tpu.memory_space<vmem>>[vector<16xi32>, vector<16xi32>, vector<16xi32>], vector<16xf32>,
            %swap3A_501 = arith.index_cast %get3A_491 : i32 to index
            %swap3A_502 = arith.constant 0 : index
            %swap3A_503 = tpu.vector_load %arg13[%swap3A_501, %swap3A_502] {strides = array<i32>} : memref<64x128xf32, #tpu.memory_space<vmem>>, vector<16xf32>,
            tpu.vector_store %arg13[%swap3A_501, %swap3A_502], %gather3A_500 {strides = array<i32>} : memref<64x128xf32, #tpu.memory_space<vmem>>, vector<16xf32>,
            %add3A_504 = arith.constant 16 : i32
            %add3A_505 = vector.broadcast %add3A_504 : i32 to vector<16xi32>
            %add3A_506 = arith.addi %iota3A, %add3A_505 : vector<16xi32>
            %gather3A_507 = arith.constant 1 : i32
            %gather3A_508 = arith.constant 0 : i32
            %gather3A_509 = arith.constant 0 : i32
            %gather3A_510 = arith.constant 0 : i32
            %gather3A_511 = tpu.memref_slice %arg11[%gather3A_507, %gather3A_508, %gather3A_509, %gather3A_510] : memref<2x4x64x128xf32, #tpu.memory_space<vmem>> -> memref<1x4x64x128xf32, #tpu.memory_space<vmem>>
            %gather3A_512 = tpu.memref_squeeze %gather3A_511 : memref<1x4x64x128xf32, #tpu.memory_space<vmem>> -> memref<4x64x128xf32, #tpu.memory_space<vmem>>
            %gather3A_513 = tpu.vector_load_idx %gather3A_512[%broadcast_in_dim3A, %add3A_506, %broadcast_in_dim3A_488] : memref<4x64x128xf32, #tpu.memory_space<vmem>>[vector<16xi32>, vector<16xi32>, vector<16xi32>], vector<16xf32>,
            %swap3A_514 = arith.index_cast %get3A_491 : i32 to index
            %swap3A_515 = arith.constant 16 : index
            %swap3A_516 = tpu.vector_load %arg13[%swap3A_514, %swap3A_515] {strides = array<i32>} : memref<64x128xf32, #tpu.memory_space<vmem>>, vector<16xf32>,
            tpu.vector_store %arg13[%swap3A_514, %swap3A_515], %gather3A_513 {strides = array<i32>} : memref<64x128xf32, #tpu.memory_space<vmem>>, vector<16xf32>,
            %add3A_517 = arith.constant 32 : i32
            %add3A_518 = vector.broadcast %add3A_517 : i32 to vector<16xi32>
            %add3A_519 = arith.addi %iota3A, %add3A_518 : vector<16xi32>
            %gather3A_520 = arith.constant 1 : i32
            %gather3A_521 = arith.constant 0 : i32
            %gather3A_522 = arith.constant 0 : i32
            %gather3A_523 = arith.constant 0 : i32
            %gather3A_524 = tpu.memref_slice %arg11[%gather3A_520, %gather3A_521, %gather3A_522, %gather3A_523] : memref<2x4x64x128xf32, #tpu.memory_space<vmem>> -> memref<1x4x64x128xf32, #tpu.memory_space<vmem>>
            %gather3A_525 = tpu.memref_squeeze %gather3A_524 : memref<1x4x64x128xf32, #tpu.memory_space<vmem>> -> memref<4x64x128xf32, #tpu.memory_space<vmem>>
            %gather3A_526 = tpu.vector_load_idx %gather3A_525[%broadcast_in_dim3A, %add3A_519, %broadcast_in_dim3A_488] : memref<4x64x128xf32, #tpu.memory_space<vmem>>[vector<16xi32>, vector<16xi32>, vector<16xi32>], vector<16xf32>,
            %swap3A_527 = arith.index_cast %get3A_491 : i32 to index
            %swap3A_528 = arith.constant 32 : index
            %swap3A_529 = tpu.vector_load %arg13[%swap3A_527, %swap3A_528] {strides = array<i32>} : memref<64x128xf32, #tpu.memory_space<vmem>>, vector<16xf32>,
            tpu.vector_store %arg13[%swap3A_527, %swap3A_528], %gather3A_526 {strides = array<i32>} : memref<64x128xf32, #tpu.memory_space<vmem>>, vector<16xf32>,
            %add3A_530 = arith.constant 48 : i32
            %add3A_531 = vector.broadcast %add3A_530 : i32 to vector<16xi32>
            %add3A_532 = arith.addi %iota3A, %add3A_531 : vector<16xi32>
            %gather3A_533 = arith.constant 1 : i32
            %gather3A_534 = arith.constant 0 : i32
            %gather3A_535 = arith.constant 0 : i32
            %gather3A_536 = arith.constant 0 : i32
            %gather3A_537 = tpu.memref_slice %arg11[%gather3A_533, %gather3A_534, %gather3A_535, %gather3A_536] : memref<2x4x64x128xf32, #tpu.memory_space<vmem>> -> memref<1x4x64x128xf32, #tpu.memory_space<vmem>>
            %gather3A_538 = tpu.memref_squeeze %gather3A_537 : memref<1x4x64x128xf32, #tpu.memory_space<vmem>> -> memref<4x64x128xf32, #tpu.memory_space<vmem>>
            %gather3A_539 = tpu.vector_load_idx %gather3A_538[%broadcast_in_dim3A, %add3A_532, %broadcast_in_dim3A_488] : memref<4x64x128xf32, #tpu.memory_space<vmem>>[vector<16xi32>, vector<16xi32>, vector<16xi32>], vector<16xf32>,
            %swap3A_540 = arith.index_cast %get3A_491 : i32 to index
            %swap3A_541 = arith.constant 48 : index
            %swap3A_542 = tpu.vector_load %arg13[%swap3A_540, %swap3A_541] {strides = array<i32>} : memref<64x128xf32, #tpu.memory_space<vmem>>, vector<16xf32>,
            tpu.vector_store %arg13[%swap3A_540, %swap3A_541], %gather3A_539 {strides = array<i32>} : memref<64x128xf32, #tpu.memory_space<vmem>>, vector<16xf32>,
            %broadcast_in_dim3A_543 = vector.broadcast %get3A_491 : i32 to vector<16xi32>
            %broadcast_in_dim3A_544 = vector.broadcast %squeeze3A_472 : i32 to vector<16xi32>
            tpu.vector_store_idx %arg14[%broadcast_in_dim3A_543], %broadcast_in_dim3A_544 masked %eq3A_7 : memref<80xi32, #tpu.memory_space<vmem>>[vector<16xi32>], vector<16xi32>, vector<16xi1>
            %add3A_545 = arith.constant 1 : i32
            %add3A_546 = arith.addi %get3A_491, %add3A_545 : i32
            %swap3A_547 = arith.constant 1 : i32
            %swap3A_548 = arith.index_cast %swap3A_547 : i32 to index
            %swap3A_549 = memref.load %arg15[%swap3A_548] : memref<8xi32, #tpu.memory_space<smem>>
            memref.store %add3A_546, %arg15[%swap3A_548] : memref<8xi32, #tpu.memory_space<smem>>
            %add3A_550 = arith.constant 1 : i32
            %add3A_551 = arith.addi %get3A_491, %add3A_550 : i32
            %eq3A_552 = arith.constant 64 : i32
            %eq3A_553 = arith.cmpi eq, %add3A_551, %eq3A_552 : i32
            %convert_element_type3A_554 = arith.extui %eq3A_553 : i1 to i32
            %cond3A_555 = arith.constant 0 : i32
            %cond3A_556 = arith.cmpi ne, %convert_element_type3A_554, %cond3A_555 : i32
            scf.if %cond3A_556 {
              %dma_start3A_557 = arith.constant 0 : i32
              %dma_start3A_558 = tpu.memref_slice %arg14[%dma_start3A_557] : memref<80xi32, #tpu.memory_space<vmem>> -> memref<64xi32, #tpu.memory_space<vmem>>
              %dma_start3A_559 = arith.constant 0 : i32
              %dma_start3A_560 = arith.constant 0 : i32
              %dma_start3A_561 = tpu.memref_slice %arg5[%dma_start3A_559, %dma_start3A_560] : memref<16384x128xf32, #tpu.memory_space<hbm>> -> memref<16384x128xf32, #tpu.memory_space<hbm>>
              tpu.enqueue_indirect_dma source(%arg13 : memref<64x128xf32, #tpu.memory_space<vmem>>) target(%dma_start3A_561 : memref<16384x128xf32, #tpu.memory_space<hbm>>) offsets(%dma_start3A_558 : memref<64xi32, #tpu.memory_space<vmem>>) semaphore(%arg18 : memref<!tpu.dma_semaphore, #tpu.memory_space<semaphore_mem>>)
              %dma_wait3A_562 = arith.constant 0 : i32
              %dma_wait3A_563 = tpu.memref_slice %arg14[%dma_wait3A_562] : memref<80xi32, #tpu.memory_space<vmem>> -> memref<64xi32, #tpu.memory_space<vmem>>
              %dma_wait3A_564 = arith.constant 0 : i32
              %dma_wait3A_565 = arith.constant 0 : i32
              %dma_wait3A_566 = tpu.memref_slice %arg5[%dma_wait3A_564, %dma_wait3A_565] : memref<16384x128xf32, #tpu.memory_space<hbm>> -> memref<16384x128xf32, #tpu.memory_space<hbm>>
              tpu.wait_indirect_dma semaphore(%arg18 : memref<!tpu.dma_semaphore, #tpu.memory_space<semaphore_mem>>) src(%arg13 : memref<64x128xf32, #tpu.memory_space<vmem>>) dst(%dma_wait3A_566 : memref<16384x128xf32, #tpu.memory_space<hbm>>)
              %swap3A_567 = arith.constant 0 : i32
              %swap3A_568 = arith.constant 1 : i32
              %swap3A_569 = arith.index_cast %swap3A_568 : i32 to index
              %swap3A_570 = memref.load %arg15[%swap3A_569] : memref<8xi32, #tpu.memory_space<smem>>
              memref.store %swap3A_567, %arg15[%swap3A_569] : memref<8xi32, #tpu.memory_space<smem>>
            } else {
            }
          } else {
          }
          %convert_element_type3A_481 = arith.extui %eq3A_476 : i1 to i32
          %cond3A_482 = arith.constant 0 : i32
          %cond3A_483 = arith.cmpi ne, %convert_element_type3A_481, %cond3A_482 : i32
          scf.if %cond3A_483 {
            %and3A_485 = arith.constant 127 : i32
            %and3A_486 = arith.andi %squeeze3A_468, %and3A_485 : i32
            %broadcast_in_dim3A = vector.broadcast %and3A_486 : i32 to vector<16xi32>
            %get3A_487 = arith.constant 1 : i32
            %get3A_488 = arith.index_cast %get3A_487 : i32 to index
            %get3A_489 = memref.load %arg15[%get3A_488] : memref<8xi32, #tpu.memory_space<smem>>
            %add3A_490 = arith.constant 0 : i32
            %add3A_491 = vector.broadcast %add3A_490 : i32 to vector<16xi32>
            %add3A_492 = arith.addi %iota3A, %add3A_491 : vector<16xi32>
            %gather3A = tpu.vector_load_idx %arg12[%add3A_492, %broadcast_in_dim3A] : memref<64x128xf32, #tpu.memory_space<vmem>>[vector<16xi32>, vector<16xi32>], vector<16xf32>,
            %swap3A_493 = arith.index_cast %get3A_489 : i32 to index
            %swap3A_494 = arith.constant 0 : index
            %swap3A_495 = tpu.vector_load %arg13[%swap3A_493, %swap3A_494] {strides = array<i32>} : memref<64x128xf32, #tpu.memory_space<vmem>>, vector<16xf32>,
            tpu.vector_store %arg13[%swap3A_493, %swap3A_494], %gather3A {strides = array<i32>} : memref<64x128xf32, #tpu.memory_space<vmem>>, vector<16xf32>,
            %add3A_496 = arith.constant 16 : i32
            %add3A_497 = vector.broadcast %add3A_496 : i32 to vector<16xi32>
            %add3A_498 = arith.addi %iota3A, %add3A_497 : vector<16xi32>
            %gather3A_499 = tpu.vector_load_idx %arg12[%add3A_498, %broadcast_in_dim3A] : memref<64x128xf32, #tpu.memory_space<vmem>>[vector<16xi32>, vector<16xi32>], vector<16xf32>,
            %swap3A_500 = arith.index_cast %get3A_489 : i32 to index
            %swap3A_501 = arith.constant 16 : index
            %swap3A_502 = tpu.vector_load %arg13[%swap3A_500, %swap3A_501] {strides = array<i32>} : memref<64x128xf32, #tpu.memory_space<vmem>>, vector<16xf32>,
            tpu.vector_store %arg13[%swap3A_500, %swap3A_501], %gather3A_499 {strides = array<i32>} : memref<64x128xf32, #tpu.memory_space<vmem>>, vector<16xf32>,
            %add3A_503 = arith.constant 32 : i32
            %add3A_504 = vector.broadcast %add3A_503 : i32 to vector<16xi32>
            %add3A_505 = arith.addi %iota3A, %add3A_504 : vector<16xi32>
            %gather3A_506 = tpu.vector_load_idx %arg12[%add3A_505, %broadcast_in_dim3A] : memref<64x128xf32, #tpu.memory_space<vmem>>[vector<16xi32>, vector<16xi32>], vector<16xf32>,
            %swap3A_507 = arith.index_cast %get3A_489 : i32 to index
            %swap3A_508 = arith.constant 32 : index
            %swap3A_509 = tpu.vector_load %arg13[%swap3A_507, %swap3A_508] {strides = array<i32>} : memref<64x128xf32, #tpu.memory_space<vmem>>, vector<16xf32>,
            tpu.vector_store %arg13[%swap3A_507, %swap3A_508], %gather3A_506 {strides = array<i32>} : memref<64x128xf32, #tpu.memory_space<vmem>>, vector<16xf32>,
            %add3A_510 = arith.constant 48 : i32
            %add3A_511 = vector.broadcast %add3A_510 : i32 to vector<16xi32>
            %add3A_512 = arith.addi %iota3A, %add3A_511 : vector<16xi32>
            %gather3A_513 = tpu.vector_load_idx %arg12[%add3A_512, %broadcast_in_dim3A] : memref<64x128xf32, #tpu.memory_space<vmem>>[vector<16xi32>, vector<16xi32>], vector<16xf32>,
            %swap3A_514 = arith.index_cast %get3A_489 : i32 to index
            %swap3A_515 = arith.constant 48 : index
            %swap3A_516 = tpu.vector_load %arg13[%swap3A_514, %swap3A_515] {strides = array<i32>} : memref<64x128xf32, #tpu.memory_space<vmem>>, vector<16xf32>,
            tpu.vector_store %arg13[%swap3A_514, %swap3A_515], %gather3A_513 {strides = array<i32>} : memref<64x128xf32, #tpu.memory_space<vmem>>, vector<16xf32>,
            %broadcast_in_dim3A_517 = vector.broadcast %get3A_489 : i32 to vector<16xi32>
            %broadcast_in_dim3A_518 = vector.broadcast %squeeze3A_472 : i32 to vector<16xi32>
            tpu.vector_store_idx %arg14[%broadcast_in_dim3A_517], %broadcast_in_dim3A_518 masked %eq3A_7 : memref<80xi32, #tpu.memory_space<vmem>>[vector<16xi32>], vector<16xi32>, vector<16xi1>
            %add3A_519 = arith.constant 1 : i32
            %add3A_520 = arith.addi %get3A_489, %add3A_519 : i32
            %swap3A_521 = arith.constant 1 : i32
            %swap3A_522 = arith.index_cast %swap3A_521 : i32 to index
            %swap3A_523 = memref.load %arg15[%swap3A_522] : memref<8xi32, #tpu.memory_space<smem>>
            memref.store %add3A_520, %arg15[%swap3A_522] : memref<8xi32, #tpu.memory_space<smem>>
            %add3A_524 = arith.constant 1 : i32
            %add3A_525 = arith.addi %get3A_489, %add3A_524 : i32
            %eq3A_526 = arith.constant 64 : i32
            %eq3A_527 = arith.cmpi eq, %add3A_525, %eq3A_526 : i32
            %convert_element_type3A_528 = arith.extui %eq3A_527 : i1 to i32
            %cond3A_529 = arith.constant 0 : i32
            %cond3A_530 = arith.cmpi ne, %convert_element_type3A_528, %cond3A_529 : i32
            scf.if %cond3A_530 {
              %dma_start3A_531 = arith.constant 0 : i32
              %dma_start3A_532 = tpu.memref_slice %arg14[%dma_start3A_531] : memref<80xi32, #tpu.memory_space<vmem>> -> memref<64xi32, #tpu.memory_space<vmem>>
              %dma_start3A_533 = arith.constant 0 : i32
              %dma_start3A_534 = arith.constant 0 : i32
              %dma_start3A_535 = tpu.memref_slice %arg5[%dma_start3A_533, %dma_start3A_534] : memref<16384x128xf32, #tpu.memory_space<hbm>> -> memref<16384x128xf32, #tpu.memory_space<hbm>>
              tpu.enqueue_indirect_dma source(%arg13 : memref<64x128xf32, #tpu.memory_space<vmem>>) target(%dma_start3A_535 : memref<16384x128xf32, #tpu.memory_space<hbm>>) offsets(%dma_start3A_532 : memref<64xi32, #tpu.memory_space<vmem>>) semaphore(%arg18 : memref<!tpu.dma_semaphore, #tpu.memory_space<semaphore_mem>>)
              %dma_wait3A_536 = arith.constant 0 : i32
              %dma_wait3A_537 = tpu.memref_slice %arg14[%dma_wait3A_536] : memref<80xi32, #tpu.memory_space<vmem>> -> memref<64xi32, #tpu.memory_space<vmem>>
              %dma_wait3A_538 = arith.constant 0 : i32
              %dma_wait3A_539 = arith.constant 0 : i32
              %dma_wait3A_540 = tpu.memref_slice %arg5[%dma_wait3A_538, %dma_wait3A_539] : memref<16384x128xf32, #tpu.memory_space<hbm>> -> memref<16384x128xf32, #tpu.memory_space<hbm>>
              tpu.wait_indirect_dma semaphore(%arg18 : memref<!tpu.dma_semaphore, #tpu.memory_space<semaphore_mem>>) src(%arg13 : memref<64x128xf32, #tpu.memory_space<vmem>>) dst(%dma_wait3A_540 : memref<16384x128xf32, #tpu.memory_space<hbm>>)
              %swap3A_541 = arith.constant 0 : i32
              %swap3A_542 = arith.constant 1 : i32
              %swap3A_543 = arith.index_cast %swap3A_542 : i32 to index
              %swap3A_544 = memref.load %arg15[%swap3A_543] : memref<8xi32, #tpu.memory_space<smem>>
              memref.store %swap3A_541, %arg15[%swap3A_543] : memref<8xi32, #tpu.memory_space<smem>>
            } else {
            }
          } else {
          }
          %while3A_484 = arith.constant 0 : i32
          scf.yield %while3A_484 : i32
        }
        %while3A_460 = arith.constant 1 : i32
        %while3A_461 = scf.for %while3A_463 = %while3A_457 to %while3A_453 step %while3A_460 iter_args(%while3A_464 = %while3A_459) -> (i32)  : i32 {
          %get3A_465 = arith.index_cast %while3A_463 : i32 to index
          %get3A_466 = tpu.vector_load %arg9[%get3A_465] {strides = array<i32>} : memref<32xi32, #tpu.memory_space<vmem>>, vector<16xi32>,
          %slice3A_467 = vector.extract_strided_slice %get3A_466 {offsets = [0], sizes = [1], strides = [1]} : vector<16xi32> to vector<1xi32>
          %squeeze3A_468 = vector.extract %slice3A_467[0] : i32 from vector<1xi32>
          %get3A_469 = arith.index_cast %while3A_463 : i32 to index
          %get3A_470 = tpu.vector_load %arg10[%get3A_469] {strides = array<i32>} : memref<32xi32, #tpu.memory_space<vmem>>, vector<16xi32>,
          %slice3A_471 = vector.extract_strided_slice %get3A_470 {offsets = [0], sizes = [1], strides = [1]} : vector<16xi32> to vector<1xi32>
          %squeeze3A_472 = vector.extract %slice3A_471[0] : i32 from vector<1xi32>
          %shift_right_logical3A_473 = arith.constant 7 : i32
          %shift_right_logical3A_474 = arith.shrui %squeeze3A_468, %shift_right_logical3A_473 : i32
          %eq3A_475 = arith.constant 7812 : i32
          %eq3A_476 = arith.cmpi eq, %shift_right_logical3A_474, %eq3A_475 : i32
          %not3A = arith.constant true
          %not3A_477 = arith.xori %eq3A_476, %not3A : i1
          %convert_element_type3A_478 = arith.extui %not3A_477 : i1 to i32
          %cond3A_479 = arith.constant 0 : i32
          %cond3A_480 = arith.cmpi ne, %convert_element_type3A_478, %cond3A_479 : i32
          scf.if %cond3A_480 {
            %sub3A_485 = arith.subi %shift_right_logical3A_474, %add3A_394 : i32
            %broadcast_in_dim3A = vector.broadcast %sub3A_485 : i32 to vector<16xi32>
            %and3A_486 = arith.constant 127 : i32
            %and3A_487 = arith.andi %squeeze3A_468, %and3A_486 : i32
            %broadcast_in_dim3A_488 = vector.broadcast %and3A_487 : i32 to vector<16xi32>
            %get3A_489 = arith.constant 1 : i32
            %get3A_490 = arith.index_cast %get3A_489 : i32 to index
            %get3A_491 = memref.load %arg15[%get3A_490] : memref<8xi32, #tpu.memory_space<smem>>
            %add3A_492 = arith.constant 0 : i32
            %add3A_493 = vector.broadcast %add3A_492 : i32 to vector<16xi32>
            %add3A_494 = arith.addi %iota3A, %add3A_493 : vector<16xi32>
            %gather3A = arith.constant 1 : i32
            %gather3A_495 = arith.constant 0 : i32
            %gather3A_496 = arith.constant 0 : i32
            %gather3A_497 = arith.constant 0 : i32
            %gather3A_498 = tpu.memref_slice %arg11[%gather3A, %gather3A_495, %gather3A_496, %gather3A_497] : memref<2x4x64x128xf32, #tpu.memory_space<vmem>> -> memref<1x4x64x128xf32, #tpu.memory_space<vmem>>
            %gather3A_499 = tpu.memref_squeeze %gather3A_498 : memref<1x4x64x128xf32, #tpu.memory_space<vmem>> -> memref<4x64x128xf32, #tpu.memory_space<vmem>>
            %gather3A_500 = tpu.vector_load_idx %gather3A_499[%broadcast_in_dim3A, %add3A_494, %broadcast_in_dim3A_488] : memref<4x64x128xf32, #tpu.memory_space<vmem>>[vector<16xi32>, vector<16xi32>, vector<16xi32>], vector<16xf32>,
            %swap3A_501 = arith.index_cast %get3A_491 : i32 to index
            %swap3A_502 = arith.constant 0 : index
            %swap3A_503 = tpu.vector_load %arg13[%swap3A_501, %swap3A_502] {strides = array<i32>} : memref<64x128xf32, #tpu.memory_space<vmem>>, vector<16xf32>,
            tpu.vector_store %arg13[%swap3A_501, %swap3A_502], %gather3A_500 {strides = array<i32>} : memref<64x128xf32, #tpu.memory_space<vmem>>, vector<16xf32>,
            %add3A_504 = arith.constant 16 : i32
            %add3A_505 = vector.broadcast %add3A_504 : i32 to vector<16xi32>
            %add3A_506 = arith.addi %iota3A, %add3A_505 : vector<16xi32>
            %gather3A_507 = arith.constant 1 : i32
            %gather3A_508 = arith.constant 0 : i32
            %gather3A_509 = arith.constant 0 : i32
            %gather3A_510 = arith.constant 0 : i32
            %gather3A_511 = tpu.memref_slice %arg11[%gather3A_507, %gather3A_508, %gather3A_509, %gather3A_510] : memref<2x4x64x128xf32, #tpu.memory_space<vmem>> -> memref<1x4x64x128xf32, #tpu.memory_space<vmem>>
            %gather3A_512 = tpu.memref_squeeze %gather3A_511 : memref<1x4x64x128xf32, #tpu.memory_space<vmem>> -> memref<4x64x128xf32, #tpu.memory_space<vmem>>
            %gather3A_513 = tpu.vector_load_idx %gather3A_512[%broadcast_in_dim3A, %add3A_506, %broadcast_in_dim3A_488] : memref<4x64x128xf32, #tpu.memory_space<vmem>>[vector<16xi32>, vector<16xi32>, vector<16xi32>], vector<16xf32>,
            %swap3A_514 = arith.index_cast %get3A_491 : i32 to index
            %swap3A_515 = arith.constant 16 : index
            %swap3A_516 = tpu.vector_load %arg13[%swap3A_514, %swap3A_515] {strides = array<i32>} : memref<64x128xf32, #tpu.memory_space<vmem>>, vector<16xf32>,
            tpu.vector_store %arg13[%swap3A_514, %swap3A_515], %gather3A_513 {strides = array<i32>} : memref<64x128xf32, #tpu.memory_space<vmem>>, vector<16xf32>,
            %add3A_517 = arith.constant 32 : i32
            %add3A_518 = vector.broadcast %add3A_517 : i32 to vector<16xi32>
            %add3A_519 = arith.addi %iota3A, %add3A_518 : vector<16xi32>
            %gather3A_520 = arith.constant 1 : i32
            %gather3A_521 = arith.constant 0 : i32
            %gather3A_522 = arith.constant 0 : i32
            %gather3A_523 = arith.constant 0 : i32
            %gather3A_524 = tpu.memref_slice %arg11[%gather3A_520, %gather3A_521, %gather3A_522, %gather3A_523] : memref<2x4x64x128xf32, #tpu.memory_space<vmem>> -> memref<1x4x64x128xf32, #tpu.memory_space<vmem>>
            %gather3A_525 = tpu.memref_squeeze %gather3A_524 : memref<1x4x64x128xf32, #tpu.memory_space<vmem>> -> memref<4x64x128xf32, #tpu.memory_space<vmem>>
            %gather3A_526 = tpu.vector_load_idx %gather3A_525[%broadcast_in_dim3A, %add3A_519, %broadcast_in_dim3A_488] : memref<4x64x128xf32, #tpu.memory_space<vmem>>[vector<16xi32>, vector<16xi32>, vector<16xi32>], vector<16xf32>,
            %swap3A_527 = arith.index_cast %get3A_491 : i32 to index
            %swap3A_528 = arith.constant 32 : index
            %swap3A_529 = tpu.vector_load %arg13[%swap3A_527, %swap3A_528] {strides = array<i32>} : memref<64x128xf32, #tpu.memory_space<vmem>>, vector<16xf32>,
            tpu.vector_store %arg13[%swap3A_527, %swap3A_528], %gather3A_526 {strides = array<i32>} : memref<64x128xf32, #tpu.memory_space<vmem>>, vector<16xf32>,
            %add3A_530 = arith.constant 48 : i32
            %add3A_531 = vector.broadcast %add3A_530 : i32 to vector<16xi32>
            %add3A_532 = arith.addi %iota3A, %add3A_531 : vector<16xi32>
            %gather3A_533 = arith.constant 1 : i32
            %gather3A_534 = arith.constant 0 : i32
            %gather3A_535 = arith.constant 0 : i32
            %gather3A_536 = arith.constant 0 : i32
            %gather3A_537 = tpu.memref_slice %arg11[%gather3A_533, %gather3A_534, %gather3A_535, %gather3A_536] : memref<2x4x64x128xf32, #tpu.memory_space<vmem>> -> memref<1x4x64x128xf32, #tpu.memory_space<vmem>>
            %gather3A_538 = tpu.memref_squeeze %gather3A_537 : memref<1x4x64x128xf32, #tpu.memory_space<vmem>> -> memref<4x64x128xf32, #tpu.memory_space<vmem>>
            %gather3A_539 = tpu.vector_load_idx %gather3A_538[%broadcast_in_dim3A, %add3A_532, %broadcast_in_dim3A_488] : memref<4x64x128xf32, #tpu.memory_space<vmem>>[vector<16xi32>, vector<16xi32>, vector<16xi32>], vector<16xf32>,
            %swap3A_540 = arith.index_cast %get3A_491 : i32 to index
            %swap3A_541 = arith.constant 48 : index
            %swap3A_542 = tpu.vector_load %arg13[%swap3A_540, %swap3A_541] {strides = array<i32>} : memref<64x128xf32, #tpu.memory_space<vmem>>, vector<16xf32>,
            tpu.vector_store %arg13[%swap3A_540, %swap3A_541], %gather3A_539 {strides = array<i32>} : memref<64x128xf32, #tpu.memory_space<vmem>>, vector<16xf32>,
            %broadcast_in_dim3A_543 = vector.broadcast %get3A_491 : i32 to vector<16xi32>
            %broadcast_in_dim3A_544 = vector.broadcast %squeeze3A_472 : i32 to vector<16xi32>
            tpu.vector_store_idx %arg14[%broadcast_in_dim3A_543], %broadcast_in_dim3A_544 masked %eq3A_7 : memref<80xi32, #tpu.memory_space<vmem>>[vector<16xi32>], vector<16xi32>, vector<16xi1>
            %add3A_545 = arith.constant 1 : i32
            %add3A_546 = arith.addi %get3A_491, %add3A_545 : i32
            %swap3A_547 = arith.constant 1 : i32
            %swap3A_548 = arith.index_cast %swap3A_547 : i32 to index
            %swap3A_549 = memref.load %arg15[%swap3A_548] : memref<8xi32, #tpu.memory_space<smem>>
            memref.store %add3A_546, %arg15[%swap3A_548] : memref<8xi32, #tpu.memory_space<smem>>
            %add3A_550 = arith.constant 1 : i32
            %add3A_551 = arith.addi %get3A_491, %add3A_550 : i32
            %eq3A_552 = arith.constant 64 : i32
            %eq3A_553 = arith.cmpi eq, %add3A_551, %eq3A_552 : i32
            %convert_element_type3A_554 = arith.extui %eq3A_553 : i1 to i32
            %cond3A_555 = arith.constant 0 : i32
            %cond3A_556 = arith.cmpi ne, %convert_element_type3A_554, %cond3A_555 : i32
            scf.if %cond3A_556 {
              %dma_start3A_557 = arith.constant 0 : i32
              %dma_start3A_558 = tpu.memref_slice %arg14[%dma_start3A_557] : memref<80xi32, #tpu.memory_space<vmem>> -> memref<64xi32, #tpu.memory_space<vmem>>
              %dma_start3A_559 = arith.constant 0 : i32
              %dma_start3A_560 = arith.constant 0 : i32
              %dma_start3A_561 = tpu.memref_slice %arg5[%dma_start3A_559, %dma_start3A_560] : memref<16384x128xf32, #tpu.memory_space<hbm>> -> memref<16384x128xf32, #tpu.memory_space<hbm>>
              tpu.enqueue_indirect_dma source(%arg13 : memref<64x128xf32, #tpu.memory_space<vmem>>) target(%dma_start3A_561 : memref<16384x128xf32, #tpu.memory_space<hbm>>) offsets(%dma_start3A_558 : memref<64xi32, #tpu.memory_space<vmem>>) semaphore(%arg18 : memref<!tpu.dma_semaphore, #tpu.memory_space<semaphore_mem>>)
              %dma_wait3A_562 = arith.constant 0 : i32
              %dma_wait3A_563 = tpu.memref_slice %arg14[%dma_wait3A_562] : memref<80xi32, #tpu.memory_space<vmem>> -> memref<64xi32, #tpu.memory_space<vmem>>
              %dma_wait3A_564 = arith.constant 0 : i32
              %dma_wait3A_565 = arith.constant 0 : i32
              %dma_wait3A_566 = tpu.memref_slice %arg5[%dma_wait3A_564, %dma_wait3A_565] : memref<16384x128xf32, #tpu.memory_space<hbm>> -> memref<16384x128xf32, #tpu.memory_space<hbm>>
              tpu.wait_indirect_dma semaphore(%arg18 : memref<!tpu.dma_semaphore, #tpu.memory_space<semaphore_mem>>) src(%arg13 : memref<64x128xf32, #tpu.memory_space<vmem>>) dst(%dma_wait3A_566 : memref<16384x128xf32, #tpu.memory_space<hbm>>)
              %swap3A_567 = arith.constant 0 : i32
              %swap3A_568 = arith.constant 1 : i32
              %swap3A_569 = arith.index_cast %swap3A_568 : i32 to index
              %swap3A_570 = memref.load %arg15[%swap3A_569] : memref<8xi32, #tpu.memory_space<smem>>
              memref.store %swap3A_567, %arg15[%swap3A_569] : memref<8xi32, #tpu.memory_space<smem>>
            } else {
            }
          } else {
          }
          %convert_element_type3A_481 = arith.extui %eq3A_476 : i1 to i32
          %cond3A_482 = arith.constant 0 : i32
          %cond3A_483 = arith.cmpi ne, %convert_element_type3A_481, %cond3A_482 : i32
          scf.if %cond3A_483 {
            %and3A_485 = arith.constant 127 : i32
            %and3A_486 = arith.andi %squeeze3A_468, %and3A_485 : i32
            %broadcast_in_dim3A = vector.broadcast %and3A_486 : i32 to vector<16xi32>
            %get3A_487 = arith.constant 1 : i32
            %get3A_488 = arith.index_cast %get3A_487 : i32 to index
            %get3A_489 = memref.load %arg15[%get3A_488] : memref<8xi32, #tpu.memory_space<smem>>
            %add3A_490 = arith.constant 0 : i32
            %add3A_491 = vector.broadcast %add3A_490 : i32 to vector<16xi32>
            %add3A_492 = arith.addi %iota3A, %add3A_491 : vector<16xi32>
            %gather3A = tpu.vector_load_idx %arg12[%add3A_492, %broadcast_in_dim3A] : memref<64x128xf32, #tpu.memory_space<vmem>>[vector<16xi32>, vector<16xi32>], vector<16xf32>,
            %swap3A_493 = arith.index_cast %get3A_489 : i32 to index
            %swap3A_494 = arith.constant 0 : index
            %swap3A_495 = tpu.vector_load %arg13[%swap3A_493, %swap3A_494] {strides = array<i32>} : memref<64x128xf32, #tpu.memory_space<vmem>>, vector<16xf32>,
            tpu.vector_store %arg13[%swap3A_493, %swap3A_494], %gather3A {strides = array<i32>} : memref<64x128xf32, #tpu.memory_space<vmem>>, vector<16xf32>,
            %add3A_496 = arith.constant 16 : i32
            %add3A_497 = vector.broadcast %add3A_496 : i32 to vector<16xi32>
            %add3A_498 = arith.addi %iota3A, %add3A_497 : vector<16xi32>
            %gather3A_499 = tpu.vector_load_idx %arg12[%add3A_498, %broadcast_in_dim3A] : memref<64x128xf32, #tpu.memory_space<vmem>>[vector<16xi32>, vector<16xi32>], vector<16xf32>,
            %swap3A_500 = arith.index_cast %get3A_489 : i32 to index
            %swap3A_501 = arith.constant 16 : index
            %swap3A_502 = tpu.vector_load %arg13[%swap3A_500, %swap3A_501] {strides = array<i32>} : memref<64x128xf32, #tpu.memory_space<vmem>>, vector<16xf32>,
            tpu.vector_store %arg13[%swap3A_500, %swap3A_501], %gather3A_499 {strides = array<i32>} : memref<64x128xf32, #tpu.memory_space<vmem>>, vector<16xf32>,
            %add3A_503 = arith.constant 32 : i32
            %add3A_504 = vector.broadcast %add3A_503 : i32 to vector<16xi32>
            %add3A_505 = arith.addi %iota3A, %add3A_504 : vector<16xi32>
            %gather3A_506 = tpu.vector_load_idx %arg12[%add3A_505, %broadcast_in_dim3A] : memref<64x128xf32, #tpu.memory_space<vmem>>[vector<16xi32>, vector<16xi32>], vector<16xf32>,
            %swap3A_507 = arith.index_cast %get3A_489 : i32 to index
            %swap3A_508 = arith.constant 32 : index
            %swap3A_509 = tpu.vector_load %arg13[%swap3A_507, %swap3A_508] {strides = array<i32>} : memref<64x128xf32, #tpu.memory_space<vmem>>, vector<16xf32>,
            tpu.vector_store %arg13[%swap3A_507, %swap3A_508], %gather3A_506 {strides = array<i32>} : memref<64x128xf32, #tpu.memory_space<vmem>>, vector<16xf32>,
            %add3A_510 = arith.constant 48 : i32
            %add3A_511 = vector.broadcast %add3A_510 : i32 to vector<16xi32>
            %add3A_512 = arith.addi %iota3A, %add3A_511 : vector<16xi32>
            %gather3A_513 = tpu.vector_load_idx %arg12[%add3A_512, %broadcast_in_dim3A] : memref<64x128xf32, #tpu.memory_space<vmem>>[vector<16xi32>, vector<16xi32>], vector<16xf32>,
            %swap3A_514 = arith.index_cast %get3A_489 : i32 to index
            %swap3A_515 = arith.constant 48 : index
            %swap3A_516 = tpu.vector_load %arg13[%swap3A_514, %swap3A_515] {strides = array<i32>} : memref<64x128xf32, #tpu.memory_space<vmem>>, vector<16xf32>,
            tpu.vector_store %arg13[%swap3A_514, %swap3A_515], %gather3A_513 {strides = array<i32>} : memref<64x128xf32, #tpu.memory_space<vmem>>, vector<16xf32>,
            %broadcast_in_dim3A_517 = vector.broadcast %get3A_489 : i32 to vector<16xi32>
            %broadcast_in_dim3A_518 = vector.broadcast %squeeze3A_472 : i32 to vector<16xi32>
            tpu.vector_store_idx %arg14[%broadcast_in_dim3A_517], %broadcast_in_dim3A_518 masked %eq3A_7 : memref<80xi32, #tpu.memory_space<vmem>>[vector<16xi32>], vector<16xi32>, vector<16xi1>
            %add3A_519 = arith.constant 1 : i32
            %add3A_520 = arith.addi %get3A_489, %add3A_519 : i32
            %swap3A_521 = arith.constant 1 : i32
            %swap3A_522 = arith.index_cast %swap3A_521 : i32 to index
            %swap3A_523 = memref.load %arg15[%swap3A_522] : memref<8xi32, #tpu.memory_space<smem>>
            memref.store %add3A_520, %arg15[%swap3A_522] : memref<8xi32, #tpu.memory_space<smem>>
            %add3A_524 = arith.constant 1 : i32
            %add3A_525 = arith.addi %get3A_489, %add3A_524 : i32
            %eq3A_526 = arith.constant 64 : i32
            %eq3A_527 = arith.cmpi eq, %add3A_525, %eq3A_526 : i32
            %convert_element_type3A_528 = arith.extui %eq3A_527 : i1 to i32
            %cond3A_529 = arith.constant 0 : i32
            %cond3A_530 = arith.cmpi ne, %convert_element_type3A_528, %cond3A_529 : i32
            scf.if %cond3A_530 {
              %dma_start3A_531 = arith.constant 0 : i32
              %dma_start3A_532 = tpu.memref_slice %arg14[%dma_start3A_531] : memref<80xi32, #tpu.memory_space<vmem>> -> memref<64xi32, #tpu.memory_space<vmem>>
              %dma_start3A_533 = arith.constant 0 : i32
              %dma_start3A_534 = arith.constant 0 : i32
              %dma_start3A_535 = tpu.memref_slice %arg5[%dma_start3A_533, %dma_start3A_534] : memref<16384x128xf32, #tpu.memory_space<hbm>> -> memref<16384x128xf32, #tpu.memory_space<hbm>>
              tpu.enqueue_indirect_dma source(%arg13 : memref<64x128xf32, #tpu.memory_space<vmem>>) target(%dma_start3A_535 : memref<16384x128xf32, #tpu.memory_space<hbm>>) offsets(%dma_start3A_532 : memref<64xi32, #tpu.memory_space<vmem>>) semaphore(%arg18 : memref<!tpu.dma_semaphore, #tpu.memory_space<semaphore_mem>>)
              %dma_wait3A_536 = arith.constant 0 : i32
              %dma_wait3A_537 = tpu.memref_slice %arg14[%dma_wait3A_536] : memref<80xi32, #tpu.memory_space<vmem>> -> memref<64xi32, #tpu.memory_space<vmem>>
              %dma_wait3A_538 = arith.constant 0 : i32
              %dma_wait3A_539 = arith.constant 0 : i32
              %dma_wait3A_540 = tpu.memref_slice %arg5[%dma_wait3A_538, %dma_wait3A_539] : memref<16384x128xf32, #tpu.memory_space<hbm>> -> memref<16384x128xf32, #tpu.memory_space<hbm>>
              tpu.wait_indirect_dma semaphore(%arg18 : memref<!tpu.dma_semaphore, #tpu.memory_space<semaphore_mem>>) src(%arg13 : memref<64x128xf32, #tpu.memory_space<vmem>>) dst(%dma_wait3A_540 : memref<16384x128xf32, #tpu.memory_space<hbm>>)
              %swap3A_541 = arith.constant 0 : i32
              %swap3A_542 = arith.constant 1 : i32
              %swap3A_543 = arith.index_cast %swap3A_542 : i32 to index
              %swap3A_544 = memref.load %arg15[%swap3A_543] : memref<8xi32, #tpu.memory_space<smem>>
              memref.store %swap3A_541, %arg15[%swap3A_543] : memref<8xi32, #tpu.memory_space<smem>>
            } else {
            }
          } else {
          }
          %while3A_484 = arith.constant 0 : i32
          scf.yield %while3A_484 : i32
        }
        %while3A_462 = arith.constant 0 : i32
        scf.yield %while3A_462 : i32
      }
      %add3A_413 = arith.constant 2 : i32
      %add3A_414 = arith.addi %add3A_327, %add3A_413 : i32
      %lt3A_415 = arith.constant 62 : i32
      %lt3A_416 = arith.cmpi slt, %add3A_414, %lt3A_415 : i32
      %convert_element_type3A_417 = arith.extui %lt3A_416 : i1 to i32
      %cond3A_418 = arith.constant 0 : i32
      %cond3A_419 = arith.cmpi ne, %convert_element_type3A_417, %cond3A_418 : i32
      scf.if %cond3A_419 {
        %add3A_421 = arith.constant 2 : i32
        %add3A_422 = arith.addi %add3A_327, %add3A_421 : i32
        %mul3A_423 = arith.constant 4 : i32
        %mul3A_424 = arith.muli %add3A_422, %mul3A_423 : i32
        %add3A_425 = arith.addi %mul3A_2, %mul3A_424 : i32
        %add3A_426 = arith.constant 0 : i32
        %add3A_427 = arith.addi %add3A_425, %add3A_426 : i32
        %min3A_428 = arith.constant 7811 : i32
        %min3A_429 = arith.minsi %add3A_427, %min3A_428 : i32
        %mul3A_430 = arith.constant 128 : i32
        %mul3A_431 = arith.muli %min3A_429, %mul3A_430 : i32
        %dma_start3A_432 = arith.constant 1 : i32
        %dma_start3A_433 = arith.constant 0 : i32
        %dma_start3A_434 = arith.constant 0 : i32
        %dma_start3A_435 = arith.constant 0 : i32
        %dma_start3A_436 = tpu.memref_slice %arg11[%dma_start3A_432, %dma_start3A_433, %dma_start3A_434, %dma_start3A_435] : memref<2x4x64x128xf32, #tpu.memory_space<vmem>> -> memref<1x1x64x128xf32, #tpu.memory_space<vmem>>
        %dma_start3A_437 = tpu.memref_squeeze %dma_start3A_436 : memref<1x1x64x128xf32, #tpu.memory_space<vmem>> -> memref<64x128xf32, #tpu.memory_space<vmem>>
        %dma_start3A_438 = arith.constant 0 : i32
        %dma_start3A_439 = tpu.memref_slice %arg3[%dma_start3A_438, %mul3A_431] : memref<64x1000000xf32, #tpu.memory_space<hbm>> -> memref<64x128xf32, #tpu.memory_space<hbm>>
        %dma_start3A_440 = arith.constant 0 : i32
        %dma_start3A_441 = arith.constant 0 : i32
        %dma_start3A_442 = tpu.memref_slice %arg11[%dma_start3A_432, %dma_start3A_433, %dma_start3A_440, %dma_start3A_441] : memref<2x4x64x128xf32, #tpu.memory_space<vmem>> -> memref<1x1x64x128xf32, #tpu.memory_space<vmem>>
        %dma_start3A_443 = tpu.memref_squeeze %dma_start3A_442 : memref<1x1x64x128xf32, #tpu.memory_space<vmem>> -> memref<64x128xf32, #tpu.memory_space<vmem>>
        %dma_start3A_444 = arith.constant 0 : i32
        %dma_start3A_445 = tpu.memref_slice %arg3[%dma_start3A_444, %mul3A_431] : memref<64x1000000xf32, #tpu.memory_space<hbm>> -> memref<64x128xf32, #tpu.memory_space<hbm>>
        tpu.enqueue_dma source(%dma_start3A_445 : memref<64x128xf32, #tpu.memory_space<hbm>>) target(%dma_start3A_443 : memref<64x128xf32, #tpu.memory_space<vmem>>) target_semaphore(%arg17 : memref<!tpu.dma_semaphore, #tpu.memory_space<semaphore_mem>>)
        %mul3A_446 = arith.constant 4 : i32
        %mul3A_447 = arith.muli %add3A_422, %mul3A_446 : i32
        %add3A_448 = arith.addi %mul3A_2, %mul3A_447 : i32
        %add3A_449 = arith.constant 1 : i32
        %add3A_450 = arith.addi %add3A_448, %add3A_449 : i32
        %min3A_451 = arith.constant 7811 : i32
        %min3A_452 = arith.minsi %add3A_450, %min3A_451 : i32
        %mul3A_453 = arith.constant 128 : i32
        %mul3A_454 = arith.muli %min3A_452, %mul3A_453 : i32
        %dma_start3A_455 = arith.constant 1 : i32
        %dma_start3A_456 = arith.constant 1 : i32
        %dma_start3A_457 = arith.constant 0 : i32
        %dma_start3A_458 = arith.constant 0 : i32
        %dma_start3A_459 = tpu.memref_slice %arg11[%dma_start3A_455, %dma_start3A_456, %dma_start3A_457, %dma_start3A_458] : memref<2x4x64x128xf32, #tpu.memory_space<vmem>> -> memref<1x1x64x128xf32, #tpu.memory_space<vmem>>
        %dma_start3A_460 = tpu.memref_squeeze %dma_start3A_459 : memref<1x1x64x128xf32, #tpu.memory_space<vmem>> -> memref<64x128xf32, #tpu.memory_space<vmem>>
        %dma_start3A_461 = arith.constant 0 : i32
        %dma_start3A_462 = tpu.memref_slice %arg3[%dma_start3A_461, %mul3A_454] : memref<64x1000000xf32, #tpu.memory_space<hbm>> -> memref<64x128xf32, #tpu.memory_space<hbm>>
        %dma_start3A_463 = arith.constant 0 : i32
        %dma_start3A_464 = arith.constant 0 : i32
        %dma_start3A_465 = tpu.memref_slice %arg11[%dma_start3A_455, %dma_start3A_456, %dma_start3A_463, %dma_start3A_464] : memref<2x4x64x128xf32, #tpu.memory_space<vmem>> -> memref<1x1x64x128xf32, #tpu.memory_space<vmem>>
        %dma_start3A_466 = tpu.memref_squeeze %dma_start3A_465 : memref<1x1x64x128xf32, #tpu.memory_space<vmem>> -> memref<64x128xf32, #tpu.memory_space<vmem>>
        %dma_start3A_467 = arith.constant 0 : i32
        %dma_start3A_468 = tpu.memref_slice %arg3[%dma_start3A_467, %mul3A_454] : memref<64x1000000xf32, #tpu.memory_space<hbm>> -> memref<64x128xf32, #tpu.memory_space<hbm>>
        tpu.enqueue_dma source(%dma_start3A_468 : memref<64x128xf32, #tpu.memory_space<hbm>>) target(%dma_start3A_466 : memref<64x128xf32, #tpu.memory_space<vmem>>) target_semaphore(%arg17 : memref<!tpu.dma_semaphore, #tpu.memory_space<semaphore_mem>>)
        %mul3A_469 = arith.constant 4 : i32
        %mul3A_470 = arith.muli %add3A_422, %mul3A_469 : i32
        %add3A_471 = arith.addi %mul3A_2, %mul3A_470 : i32
        %add3A_472 = arith.constant 2 : i32
        %add3A_473 = arith.addi %add3A_471, %add3A_472 : i32
        %min3A_474 = arith.constant 7811 : i32
        %min3A_475 = arith.minsi %add3A_473, %min3A_474 : i32
        %mul3A_476 = arith.constant 128 : i32
        %mul3A_477 = arith.muli %min3A_475, %mul3A_476 : i32
        %dma_start3A_478 = arith.constant 1 : i32
        %dma_start3A_479 = arith.constant 2 : i32
        %dma_start3A_480 = arith.constant 0 : i32
        %dma_start3A_481 = arith.constant 0 : i32
        %dma_start3A_482 = tpu.memref_slice %arg11[%dma_start3A_478, %dma_start3A_479, %dma_start3A_480, %dma_start3A_481] : memref<2x4x64x128xf32, #tpu.memory_space<vmem>> -> memref<1x1x64x128xf32, #tpu.memory_space<vmem>>
        %dma_start3A_483 = tpu.memref_squeeze %dma_start3A_482 : memref<1x1x64x128xf32, #tpu.memory_space<vmem>> -> memref<64x128xf32, #tpu.memory_space<vmem>>
        %dma_start3A_484 = arith.constant 0 : i32
        %dma_start3A_485 = tpu.memref_slice %arg3[%dma_start3A_484, %mul3A_477] : memref<64x1000000xf32, #tpu.memory_space<hbm>> -> memref<64x128xf32, #tpu.memory_space<hbm>>
        %dma_start3A_486 = arith.constant 0 : i32
        %dma_start3A_487 = arith.constant 0 : i32
        %dma_start3A_488 = tpu.memref_slice %arg11[%dma_start3A_478, %dma_start3A_479, %dma_start3A_486, %dma_start3A_487] : memref<2x4x64x128xf32, #tpu.memory_space<vmem>> -> memref<1x1x64x128xf32, #tpu.memory_space<vmem>>
        %dma_start3A_489 = tpu.memref_squeeze %dma_start3A_488 : memref<1x1x64x128xf32, #tpu.memory_space<vmem>> -> memref<64x128xf32, #tpu.memory_space<vmem>>
        %dma_start3A_490 = arith.constant 0 : i32
        %dma_start3A_491 = tpu.memref_slice %arg3[%dma_start3A_490, %mul3A_477] : memref<64x1000000xf32, #tpu.memory_space<hbm>> -> memref<64x128xf32, #tpu.memory_space<hbm>>
        tpu.enqueue_dma source(%dma_start3A_491 : memref<64x128xf32, #tpu.memory_space<hbm>>) target(%dma_start3A_489 : memref<64x128xf32, #tpu.memory_space<vmem>>) target_semaphore(%arg17 : memref<!tpu.dma_semaphore, #tpu.memory_space<semaphore_mem>>)
        %mul3A_492 = arith.constant 4 : i32
        %mul3A_493 = arith.muli %add3A_422, %mul3A_492 : i32
        %add3A_494 = arith.addi %mul3A_2, %mul3A_493 : i32
        %add3A_495 = arith.constant 3 : i32
        %add3A_496 = arith.addi %add3A_494, %add3A_495 : i32
        %min3A_497 = arith.constant 7811 : i32
        %min3A_498 = arith.minsi %add3A_496, %min3A_497 : i32
        %mul3A_499 = arith.constant 128 : i32
        %mul3A_500 = arith.muli %min3A_498, %mul3A_499 : i32
        %dma_start3A_501 = arith.constant 1 : i32
        %dma_start3A_502 = arith.constant 3 : i32
        %dma_start3A_503 = arith.constant 0 : i32
        %dma_start3A_504 = arith.constant 0 : i32
        %dma_start3A_505 = tpu.memref_slice %arg11[%dma_start3A_501, %dma_start3A_502, %dma_start3A_503, %dma_start3A_504] : memref<2x4x64x128xf32, #tpu.memory_space<vmem>> -> memref<1x1x64x128xf32, #tpu.memory_space<vmem>>
        %dma_start3A_506 = tpu.memref_squeeze %dma_start3A_505 : memref<1x1x64x128xf32, #tpu.memory_space<vmem>> -> memref<64x128xf32, #tpu.memory_space<vmem>>
        %dma_start3A_507 = arith.constant 0 : i32
        %dma_start3A_508 = tpu.memref_slice %arg3[%dma_start3A_507, %mul3A_500] : memref<64x1000000xf32, #tpu.memory_space<hbm>> -> memref<64x128xf32, #tpu.memory_space<hbm>>
        %dma_start3A_509 = arith.constant 0 : i32
        %dma_start3A_510 = arith.constant 0 : i32
        %dma_start3A_511 = tpu.memref_slice %arg11[%dma_start3A_501, %dma_start3A_502, %dma_start3A_509, %dma_start3A_510] : memref<2x4x64x128xf32, #tpu.memory_space<vmem>> -> memref<1x1x64x128xf32, #tpu.memory_space<vmem>>
        %dma_start3A_512 = tpu.memref_squeeze %dma_start3A_511 : memref<1x1x64x128xf32, #tpu.memory_space<vmem>> -> memref<64x128xf32, #tpu.memory_space<vmem>>
        %dma_start3A_513 = arith.constant 0 : i32
        %dma_start3A_514 = tpu.memref_slice %arg3[%dma_start3A_513, %mul3A_500] : memref<64x1000000xf32, #tpu.memory_space<hbm>> -> memref<64x128xf32, #tpu.memory_space<hbm>>
        tpu.enqueue_dma source(%dma_start3A_514 : memref<64x128xf32, #tpu.memory_space<hbm>>) target(%dma_start3A_512 : memref<64x128xf32, #tpu.memory_space<vmem>>) target_semaphore(%arg17 : memref<!tpu.dma_semaphore, #tpu.memory_space<semaphore_mem>>)
      } else {
      }
      %scan3A_420 = arith.constant 0 : i32
      scf.yield %scan3A_420 : i32
    }
    %scan3A_225 = arith.constant 31 : i32
    %get3A_226 = arith.constant 1 : i32
    %get3A_227 = arith.index_cast %get3A_226 : i32 to index
    %get3A_228 = memref.load %arg15[%get3A_227] : memref<8xi32, #tpu.memory_space<smem>>
    %gt3A = arith.constant 0 : i32
    %gt3A_229 = arith.cmpi sgt, %get3A_228, %gt3A : i32
    %convert_element_type3A = arith.extui %gt3A_229 : i1 to i32
    %cond3A = arith.constant 0 : i32
    %cond3A_230 = arith.cmpi ne, %convert_element_type3A, %cond3A : i32
    scf.if %cond3A_230 {
      %get3A_231 = arith.constant 0 : index
      %get3A_232 = tpu.vector_load %arg14[%get3A_231] {strides = array<i32>} : memref<80xi32, #tpu.memory_space<vmem>>, vector<16xi32>,
      %slice3A = vector.extract_strided_slice %get3A_232 {offsets = [0], sizes = [1], strides = [1]} : vector<16xi32> to vector<1xi32>
      %squeeze3A = vector.extract %slice3A[0] : i32 from vector<1xi32>
      %while3A = arith.constant 64 : i32
      %while3A_233 = arith.constant 0 : i32
      %while3A_234 = arith.subi %while3A, %get3A_228 : i32
      %while3A_235 = arith.addi %get3A_228, %while3A_234 : i32
      %while3A_236 = arith.constant 1 : i32
      %while3A_237 = arith.divsi %while3A_234, %while3A_236 : i32
      %while3A_238 = arith.muli %while3A_237, %while3A_236 : i32
      %while3A_239 = arith.addi %get3A_228, %while3A_238 : i32
      %while3A_240 = arith.constant 1 : i32
      %while3A_241 = scf.for %while3A_257 = %get3A_228 to %while3A_239 step %while3A_240 iter_args(%while3A_258 = %while3A_233) -> (i32)  : i32 {
        %get3A_259 = arith.constant 0 : i32
        %get3A_260 = arith.index_cast %get3A_259 : i32 to index
        %get3A_261 = arith.constant 0 : index
        %get3A_262 = tpu.vector_load %arg13[%get3A_260, %get3A_261] {strides = array<i32>} : memref<64x128xf32, #tpu.memory_space<vmem>>, vector<16xf32>,
        %swap3A_263 = arith.index_cast %while3A_257 : i32 to index
        %swap3A_264 = arith.constant 0 : index
        %swap3A_265 = tpu.vector_load %arg13[%swap3A_263, %swap3A_264] {strides = array<i32>} : memref<64x128xf32, #tpu.memory_space<vmem>>, vector<16xf32>,
        tpu.vector_store %arg13[%swap3A_263, %swap3A_264], %get3A_262 {strides = array<i32>} : memref<64x128xf32, #tpu.memory_space<vmem>>, vector<16xf32>,
        %get3A_266 = arith.constant 0 : i32
        %get3A_267 = arith.index_cast %get3A_266 : i32 to index
        %get3A_268 = arith.constant 16 : index
        %get3A_269 = tpu.vector_load %arg13[%get3A_267, %get3A_268] {strides = array<i32>} : memref<64x128xf32, #tpu.memory_space<vmem>>, vector<16xf32>,
        %swap3A_270 = arith.index_cast %while3A_257 : i32 to index
        %swap3A_271 = arith.constant 16 : index
        %swap3A_272 = tpu.vector_load %arg13[%swap3A_270, %swap3A_271] {strides = array<i32>} : memref<64x128xf32, #tpu.memory_space<vmem>>, vector<16xf32>,
        tpu.vector_store %arg13[%swap3A_270, %swap3A_271], %get3A_269 {strides = array<i32>} : memref<64x128xf32, #tpu.memory_space<vmem>>, vector<16xf32>,
        %get3A_273 = arith.constant 0 : i32
        %get3A_274 = arith.index_cast %get3A_273 : i32 to index
        %get3A_275 = arith.constant 32 : index
        %get3A_276 = tpu.vector_load %arg13[%get3A_274, %get3A_275] {strides = array<i32>} : memref<64x128xf32, #tpu.memory_space<vmem>>, vector<16xf32>,
        %swap3A_277 = arith.index_cast %while3A_257 : i32 to index
        %swap3A_278 = arith.constant 32 : index
        %swap3A_279 = tpu.vector_load %arg13[%swap3A_277, %swap3A_278] {strides = array<i32>} : memref<64x128xf32, #tpu.memory_space<vmem>>, vector<16xf32>,
        tpu.vector_store %arg13[%swap3A_277, %swap3A_278], %get3A_276 {strides = array<i32>} : memref<64x128xf32, #tpu.memory_space<vmem>>, vector<16xf32>,
        %get3A_280 = arith.constant 0 : i32
        %get3A_281 = arith.index_cast %get3A_280 : i32 to index
        %get3A_282 = arith.constant 48 : index
        %get3A_283 = tpu.vector_load %arg13[%get3A_281, %get3A_282] {strides = array<i32>} : memref<64x128xf32, #tpu.memory_space<vmem>>, vector<16xf32>,
        %swap3A_284 = arith.index_cast %while3A_257 : i32 to index
        %swap3A_285 = arith.constant 48 : index
        %swap3A_286 = tpu.vector_load %arg13[%swap3A_284, %swap3A_285] {strides = array<i32>} : memref<64x128xf32, #tpu.memory_space<vmem>>, vector<16xf32>,
        tpu.vector_store %arg13[%swap3A_284, %swap3A_285], %get3A_283 {strides = array<i32>} : memref<64x128xf32, #tpu.memory_space<vmem>>, vector<16xf32>,
        %broadcast_in_dim3A = vector.broadcast %while3A_257 : i32 to vector<16xi32>
        %broadcast_in_dim3A_287 = vector.broadcast %squeeze3A : i32 to vector<16xi32>
        tpu.vector_store_idx %arg14[%broadcast_in_dim3A], %broadcast_in_dim3A_287 masked %eq3A_7 : memref<80xi32, #tpu.memory_space<vmem>>[vector<16xi32>], vector<16xi32>, vector<16xi1>
        %while3A_288 = arith.constant 0 : i32
        scf.yield %while3A_288 : i32
      }
      %while3A_242 = arith.constant 1 : i32
      %while3A_243 = scf.for %while3A_257 = %while3A_239 to %while3A_235 step %while3A_242 iter_args(%while3A_258 = %while3A_241) -> (i32)  : i32 {
        %get3A_259 = arith.constant 0 : i32
        %get3A_260 = arith.index_cast %get3A_259 : i32 to index
        %get3A_261 = arith.constant 0 : index
        %get3A_262 = tpu.vector_load %arg13[%get3A_260, %get3A_261] {strides = array<i32>} : memref<64x128xf32, #tpu.memory_space<vmem>>, vector<16xf32>,
        %swap3A_263 = arith.index_cast %while3A_257 : i32 to index
        %swap3A_264 = arith.constant 0 : index
        %swap3A_265 = tpu.vector_load %arg13[%swap3A_263, %swap3A_264] {strides = array<i32>} : memref<64x128xf32, #tpu.memory_space<vmem>>, vector<16xf32>,
        tpu.vector_store %arg13[%swap3A_263, %swap3A_264], %get3A_262 {strides = array<i32>} : memref<64x128xf32, #tpu.memory_space<vmem>>, vector<16xf32>,
        %get3A_266 = arith.constant 0 : i32
        %get3A_267 = arith.index_cast %get3A_266 : i32 to index
        %get3A_268 = arith.constant 16 : index
        %get3A_269 = tpu.vector_load %arg13[%get3A_267, %get3A_268] {strides = array<i32>} : memref<64x128xf32, #tpu.memory_space<vmem>>, vector<16xf32>,
        %swap3A_270 = arith.index_cast %while3A_257 : i32 to index
        %swap3A_271 = arith.constant 16 : index
        %swap3A_272 = tpu.vector_load %arg13[%swap3A_270, %swap3A_271] {strides = array<i32>} : memref<64x128xf32, #tpu.memory_space<vmem>>, vector<16xf32>,
        tpu.vector_store %arg13[%swap3A_270, %swap3A_271], %get3A_269 {strides = array<i32>} : memref<64x128xf32, #tpu.memory_space<vmem>>, vector<16xf32>,
        %get3A_273 = arith.constant 0 : i32
        %get3A_274 = arith.index_cast %get3A_273 : i32 to index
        %get3A_275 = arith.constant 32 : index
        %get3A_276 = tpu.vector_load %arg13[%get3A_274, %get3A_275] {strides = array<i32>} : memref<64x128xf32, #tpu.memory_space<vmem>>, vector<16xf32>,
        %swap3A_277 = arith.index_cast %while3A_257 : i32 to index
        %swap3A_278 = arith.constant 32 : index
        %swap3A_279 = tpu.vector_load %arg13[%swap3A_277, %swap3A_278] {strides = array<i32>} : memref<64x128xf32, #tpu.memory_space<vmem>>, vector<16xf32>,
        tpu.vector_store %arg13[%swap3A_277, %swap3A_278], %get3A_276 {strides = array<i32>} : memref<64x128xf32, #tpu.memory_space<vmem>>, vector<16xf32>,
        %get3A_280 = arith.constant 0 : i32
        %get3A_281 = arith.index_cast %get3A_280 : i32 to index
        %get3A_282 = arith.constant 48 : index
        %get3A_283 = tpu.vector_load %arg13[%get3A_281, %get3A_282] {strides = array<i32>} : memref<64x128xf32, #tpu.memory_space<vmem>>, vector<16xf32>,
        %swap3A_284 = arith.index_cast %while3A_257 : i32 to index
        %swap3A_285 = arith.constant 48 : index
        %swap3A_286 = tpu.vector_load %arg13[%swap3A_284, %swap3A_285] {strides = array<i32>} : memref<64x128xf32, #tpu.memory_space<vmem>>, vector<16xf32>,
        tpu.vector_store %arg13[%swap3A_284, %swap3A_285], %get3A_283 {strides = array<i32>} : memref<64x128xf32, #tpu.memory_space<vmem>>, vector<16xf32>,
        %broadcast_in_dim3A = vector.broadcast %while3A_257 : i32 to vector<16xi32>
        %broadcast_in_dim3A_287 = vector.broadcast %squeeze3A : i32 to vector<16xi32>
        tpu.vector_store_idx %arg14[%broadcast_in_dim3A], %broadcast_in_dim3A_287 masked %eq3A_7 : memref<80xi32, #tpu.memory_space<vmem>>[vector<16xi32>], vector<16xi32>, vector<16xi1>
        %while3A_288 = arith.constant 0 : i32
        scf.yield %while3A_288 : i32
      }
      %dma_start3A_244 = arith.constant 0 : i32
      %dma_start3A_245 = tpu.memref_slice %arg14[%dma_start3A_244] : memref<80xi32, #tpu.memory_space<vmem>> -> memref<64xi32, #tpu.memory_space<vmem>>
      %dma_start3A_246 = arith.constant 0 : i32
      %dma_start3A_247 = arith.constant 0 : i32
      %dma_start3A_248 = tpu.memref_slice %arg5[%dma_start3A_246, %dma_start3A_247] : memref<16384x128xf32, #tpu.memory_space<hbm>> -> memref<16384x128xf32, #tpu.memory_space<hbm>>
      tpu.enqueue_indirect_dma source(%arg13 : memref<64x128xf32, #tpu.memory_space<vmem>>) target(%dma_start3A_248 : memref<16384x128xf32, #tpu.memory_space<hbm>>) offsets(%dma_start3A_245 : memref<64xi32, #tpu.memory_space<vmem>>) semaphore(%arg18 : memref<!tpu.dma_semaphore, #tpu.memory_space<semaphore_mem>>)
      %dma_wait3A = arith.constant 0 : i32
      %dma_wait3A_249 = tpu.memref_slice %arg14[%dma_wait3A] : memref<80xi32, #tpu.memory_space<vmem>> -> memref<64xi32, #tpu.memory_space<vmem>>
      %dma_wait3A_250 = arith.constant 0 : i32
      %dma_wait3A_251 = arith.constant 0 : i32
      %dma_wait3A_252 = tpu.memref_slice %arg5[%dma_wait3A_250, %dma_wait3A_251] : memref<16384x128xf32, #tpu.memory_space<hbm>> -> memref<16384x128xf32, #tpu.memory_space<hbm>>
      tpu.wait_indirect_dma semaphore(%arg18 : memref<!tpu.dma_semaphore, #tpu.memory_space<semaphore_mem>>) src(%arg13 : memref<64x128xf32, #tpu.memory_space<vmem>>) dst(%dma_wait3A_252 : memref<16384x128xf32, #tpu.memory_space<hbm>>)
      %swap3A_253 = arith.constant 0 : i32
      %swap3A_254 = arith.constant 1 : i32
      %swap3A_255 = arith.index_cast %swap3A_254 : i32 to index
      %swap3A_256 = memref.load %arg15[%swap3A_255] : memref<8xi32, #tpu.memory_space<smem>>
      memref.store %swap3A_253, %arg15[%swap3A_255] : memref<8xi32, #tpu.memory_space<smem>>
    } else {
    }
    return
  }
}

</mosaic_0001>

<sc_bundles>
// kernel: _embed_lookup.3.cloned.1.call-start
scs
__scs_entry_jumppad:
0x0: {  	(pc) =	sbr.rel $0x88, $3  }
0x1: {  	(tag) =	ssettag $0x0;
	lr =	simm.s32 $0x1  }
0x2: {  	[smem:$0x3F9F] =	sst lr;
	_ =	strace $0xD0000000  }
0x3: {  	_ = 	snop  }
0x4: {  	_ = 	snop  }
0x5: {  	_ = 	snop  }
0x6: {  	_ = 	snop  }
0x7: {  	_ = 	snop  }
__scs_overlays_trampoline_lowered:
0x8: {  	[smem:$0x3FAE] =	sst s0  }
0x9: {  	[smem:$0x3FAF] =	sst s1  }
0xa: {  	[smem:$0x3FB0] =	sst s2  }
0xb: {  	[smem:$0x3FB1] =	sst s3  }
0xc: {  	[smem:$0x3FB2] =	sst s4  }
0xd: {  	[smem:$0x3FB3] =	sst s5  }
0xe: {  	[smem:$0x3FB4] =	sst s6  }
0xf: {  	[smem:$0x3FB5] =	sst s7  }
0x10: {  	[smem:$0x3FB6] =	sst s8  }
0x11: {  	[smem:$0x3FB7] =	sst s9;
	s0 =	simm.s32 @!p0 $0x0  }
0x12: {  	s1 =	sld [smem:$0x3F9D];
	s0 =	simm.s32 @p0 $0x1  }
0x13: {  	[smem:$0x3FB8] =	sst s0;
	s0 =	simm.s32 @!p1 $0x0  }
0x14: {  	s2 =	sld [smem:$0x3F9C];
	s0 =	simm.s32 @p1 $0x1  }
0x15: {  	[smem:$0x3FB9] =	sst s0;
	s0 =	simm.s32 @!p2 $0x0  }
0x16: {  	s3 =	sld [smem:$0x3FDB];
	s0 =	simm.s32 @p2 $0x1  }
0x17: {  	s4 =	simm.s32 $0x1BF5;
	[smem:$0x3FBB] =	sst s0  }
0x18: {  	s0 =	sld [smem:$0x3F9E];
	_ =	swait.ge [sflag:s4], $0x0  }
0x19: {  	s7 =	sld [smem:$0x3F9F]  }
0x1a: {  	s8 =	sadd.s32 $0xFFFFE003, lr  }
0x1b: {  	s9 =	sadd.s32 $0xFFFFFEF7, lr;
	s5 =	simm.s32 $0xFFFFFFFF;
	p2 =	slt.u32 s8, $0xFFFFF086  }
0x1c: {  	p1 =	slt.u32 s9, $0xF7A;
	s5 =	simm.s32 @!p2 $0x0  }
0x1d: {  	s5 =	simm.s32 @p1 $0x1;
	p0 =	seq.s32 s7, s2  }
0x1e: {  	s7 =	smul.u32 @!p0 $0xF7A, s2;
	p2 =	seq.s32 @!p0 s5, $0x0  }
0x1f: {  	s9 =	smul.u32 $0xF7A, s1;
	s8 =	simm.s32 @!p0 $0x1BF5;
	p2 =	por !p2, p0  }
0x20: {  	[sflag:s8] =	ssyncset.s32 @!p0 $0xFFFFF086;
	s6 =	sadd.s32 @!p0 s3, s7;
	s7 =	simm.s32 @!p0 $0x108  }
0x21: {  	s3 =	sadd.s32 s3, s9;
	s6 =	sadd.s32 @!p0 $0x88, s6;
	s7 =	simm.s32 @p2 $0x1082  }
0x22: {  	[simem:s7], [sflag:s8] =	dma.local @!p0 [hbm:s6], $0xF7A  }
0x23: {  	s9 =	sor.u32 $0xD0000000, s2;
	s6 =	simm.s32 $0x108;
	_ =	swait.ge @!p0 [sflag:s8], $0x0  }
0x24: {  	s3 =	sadd.s32 $0x88, s3;
	s6 =	simm.s32 @!p1 $0x1082;
	[sflag:s4] =	ssyncset.s32 $0xFFFFF086  }
0x25: {  	[simem:s6], [sflag:s4] =	dma.local [hbm:s3], $0xF7A  }
0x26: {  	[smem:$0x3F9F] =	sst s1;
	(tag) =	ssettag s2;
	_ =	strace s9  }
0x27: {  	s1 =	sld [smem:$0x3FAF]  }
0x28: {  	s2 =	sld [smem:$0x3FB0]  }
0x29: {  	s4 =	sld [smem:$0x3FB2]  }
0x2a: {  	p0 =	seq.s32 s5, $0x0;
	s5 =	sld [smem:$0x3FB3]  }
0x2b: {  	s6 =	sld [smem:$0x3FB4]  }
0x2c: {  	s7 =	sld [smem:$0x3FB5]  }
0x2d: {  	s3 =	simm.s32 $0x108;
	s8 =	sld [smem:$0x3FB6]  }
0x2e: {  	s3 =	simm.s32 @!p0 $0x1082;
	s9 =	sld [smem:$0x3FB7]  }
0x2f: {  	lr =	sadd.s32 s0, s3;
	s0 =	sld [smem:$0x3FAE]  }
0x30: {  	s3 =	sld [smem:$0x3FB1]  }
0x31: {  	[smem:$0x3FBA] =	sst s10  }
0x32: {  	s10 =	sld [smem:$0x3FB8];
	_ =	sdelay $0x3  }
0x33: {  	p0 =	seq.s32 s10, $0x1;
	s10 =	sld [smem:$0x3FBA];
	_ =	sdelay $0x3  }
0x34: {  	[smem:$0x3FBA] =	sst s10  }
0x35: {  	s10 =	sld [smem:$0x3FB9];
	_ =	sdelay $0x3  }
0x36: {  	p1 =	seq.s32 s10, $0x1;
	s10 =	sld [smem:$0x3FBA];
	_ =	sdelay $0x3  }
0x37: {  	[smem:$0x3FBA] =	sst s10  }
0x38: {  	s10 =	sld [smem:$0x3FBB]  }
0x39: {  	_ = 	snop;
	(pc) =	sbr.ind lr, $3  }
0x3a: {  	_ = 	snop  }
0x3b: {  	_ = 	snop  }
0x3c: {  	p2 =	seq.s32 s10, $0x1;
	s10 =	sld [smem:$0x3FBA]  }
0x3d: {  	_ =	shalt  }
0x3e: {  	_ =	shalt  }
0x3f: {  	_ =	shalt  }
0x40: {  	_ =	shalt  }
0x41: {  	_ =	shalt  }
0x42: {  	_ =	shalt  }
0x43: {  	_ =	shalt  }
0x44: {  	_ =	shalt  }
0x45: {  	_ =	shalt  }
0x46: {  	_ =	shalt  }
0x47: {  	_ =	shalt  }
0x48: {  	_ =	shalt  }
0x49: {  	_ =	shalt  }
0x4a: {  	_ =	shalt  }
0x4b: {  	_ =	shalt  }
0x4c: {  	_ =	shalt  }
0x4d: {  	_ =	shalt  }
0x4e: {  	_ =	shalt  }
0x4f: {  	_ =	shalt  }
0x50: {  	_ =	shalt  }
0x51: {  	_ =	shalt  }
0x52: {  	_ =	shalt  }
0x53: {  	_ =	shalt  }
0x54: {  	_ =	shalt  }
0x55: {  	_ =	shalt  }
0x56: {  	_ =	shalt  }
0x57: {  	_ =	shalt  }
0x58: {  	_ =	shalt  }
0x59: {  	_ =	shalt  }
0x5a: {  	_ =	shalt  }
0x5b: {  	_ =	shalt  }
0x5c: {  	_ =	shalt  }
0x5d: {  	_ =	shalt  }
0x5e: {  	_ =	shalt  }
0x5f: {  	_ =	shalt  }
0x60: {  	_ =	shalt  }
0x61: {  	_ =	shalt  }
0x62: {  	_ =	shalt  }
0x63: {  	_ =	shalt  }
0x64: {  	_ =	shalt  }
0x65: {  	_ =	shalt  }
0x66: {  	_ =	shalt  }
0x67: {  	_ =	shalt  }
0x68: {  	_ =	shalt  }
0x69: {  	_ =	shalt  }
0x6a: {  	_ =	shalt  }
0x6b: {  	_ =	shalt  }
0x6c: {  	_ =	shalt  }
0x6d: {  	_ =	shalt  }
0x6e: {  	_ =	shalt  }
0x6f: {  	_ =	shalt  }
0x70: {  	_ =	shalt  }
0x71: {  	_ =	shalt  }
0x72: {  	_ =	shalt  }
0x73: {  	_ =	shalt  }
0x74: {  	_ =	shalt  }
0x75: {  	_ =	shalt  }
0x76: {  	_ =	shalt  }
0x77: {  	_ =	shalt  }
0x78: {  	_ =	shalt  }
0x79: {  	_ =	shalt  }
0x7a: {  	_ =	shalt  }
0x7b: {  	_ =	shalt  }
0x7c: {  	_ =	shalt  }
0x7d: {  	_ =	shalt  }
0x7e: {  	_ =	shalt  }
0x7f: {  	_ =	shalt  }
0x80: {  	_ =	shalt  }
0x81: {  	_ =	shalt  }
0x82: {  	_ =	shalt  }
0x83: {  	_ =	shalt  }
0x84: {  	_ =	shalt  }
0x85: {  	_ =	shalt  }
0x86: {  	_ =	shalt  }
0x87: {  	_ =	shalt  }
.Lfunc_end0:
.L_simem_size_0:
called_computation_lowered:
.L_overlay_start_0:
0x88: {  	s2 =	sld [smem:$0x3FD9]  }
0x89: {  	s3 =	sld [smem:$0x3FFE];
	_ =	sdelay $0x1  }
0x8a: {  	s1 =	srdreg.scid  }
0x8b: {  	s0 =	sand.u32 $0x1, s1  }
0x8c: {  	s17 =	sshll.u32 s0, $0xA;
	s2 =	sadd.s32 s3, s2  }
0x8d: {  	s2 =	sadd.s32 s2, s17  }
0x8e: {  	[smem:$0x3FC6] =	sst s2  }
0x8f: {  	_ = 	snop  }
0x90: {  	s2 =	sld [smem:$0x3FC9]  }
0x91: {  	s18 =	sld [smem:$0x3FC8]  }
0x92: {  	s4 =	sld [smem:$0x3FD0];
	(tm) =	ssettm $0x1  }
0x93: {  	s5 =	sld [smem:$0x3FFB];
	_ =	sdelay $0x3  }
0x94: {  	_ =	strace s5  }
0x95: {  	s5 =	sld [smem:$0x3FFC];
	_ =	sdelay $0x3  }
0x96: {  	_ =	strace s5  }
0x97: {  	s5 =	sld [smem:$0x3FFD];
	_ =	sdelay $0x3  }
0x98: {  	_ =	strace s5  }
0x99: {  	_ =	strace $0x8FFFFFFF  }
0x9a: {  	s19 =	sld [smem:$0x3FDB];
	_ =	sdelay $0x1  }
0x9b: {  	s6 =	simm.s32 $_scs_section_size  }
0x9c: {  	s7 =	simm.s32 $_size__tile_overlayer_lowered;
	s8 =	simm.s32 $_tile_overlayer_lowered  }
0x9d: {  	s22 =	simm.s32 $0x1BFF;
	s21 =	sshll.u32 s8, $0x1;
	s5 =	sadd.s32 s6, s19  }
0x9e: {  	s9 =	simm.s32 $0x0;
	s20 =	sshll.u32 s7, $0x1;
	s7 =	sadd.s32 s21, s5  }
0x9f: {  	[timem:s9], [sflag:s22] =	dma.local [hbm:s7], s20  }
0xa0: {  	_ =	swait.ge [sflag:s22], s20  }
0xa1: {  	s6 =	ssub.s32 $0x0, s20;
	[sflag:s22] =	ssyncset.done $0x0  }
0xa2: {  	[sflag:s22] =	ssyncadd.s32 s6;
	_ =	sdelay $0x1  }
0xa3: {  	s23 =	simm.s32 $0x1B8B  }
0xa4: {  	_ =	swait.ge [sflag:s23], $0x1  }
0xa5: {  	[sflag:s23] =	ssyncset.done $0x0  }
0xa6: {  	s25 =	simm.s32 $0x1B8E;
	s24 =	sld [smem:$0x3FFE];
	[sflag:s23] =	ssyncadd.s32 $0xFFFFFFFF  }
0xa7: {  	s26 =	simm.s32 $execute0_lowered;
	[smem:$0x3FD2] =	sst s25  }
0xa8: {  	s7 =	sshll.u32 s26, $0x1;
	_ =	strace $0x80000046;
	[dreg:$0x1] =	wrdreg $0xFFFFFFFF  }
0xa9: {  	s28 =	simm.s32 $_size_execute0_lowered;
	s5 =	sadd.s32 s5, s7;
	[dreg:$0x0] =	wrdreg $0x0  }
0xaa: {  	s7 =	sshll.u32 s28, $0x1;
	[dreg:$0x2] =	wrdreg s5  }
0xab: {  	[dreg:$0x3] =	wrdreg s7  }
0xac: {  	[dreg:$0x4] =	wrdreg $0xC0  }
0xad: {  	_ =	task [dreg:s9], $0x5FFFF  }
0xae: {  	[dreg:$0x1] =	wrdreg $0xFFFFFFFF  }
0xaf: {  	[dreg:$0x0] =	wrdreg $0x60  }
0xb0: {  	[dreg:$0x2] =	wrdreg s2  }
0xb1: {  	[dreg:$0x3] =	wrdreg s18  }
0xb2: {  	[dreg:$0x4] =	wrdreg s4  }
0xb3: {  	[dreg:$0x5] =	wrdreg s24  }
0xb4: {  	[dreg:$0x6] =	wrdreg $0x9  }
0xb5: {  	_ =	task.clear_ibuf [dreg:s9], $0x7FFFF;
	_ =	strace $0x90000046  }
0xb6: {  	s29 =	simm.s32 $0x9;
	_ =	strace $0x80000048  }
0xb7: {  	_ =	swait.ge [sflag:s29], $0x1  }
0xb8: {  	[sflag:s29] =	ssyncadd.s32 $0xFFFFFFFF  }
0xb9: {  	_ =	strace $0x90000048  }
0xba: {  	_ =	sfence  }
0xbb: {  	s30 =	sld [smem:$0x0];
	_ =	sdelay $0x2  }
0xbc: {  	s31 =	sshll.u32 s1, $0xD;
	s1 =	sshrl.u32 s1, $0x2  }
0xbd: {  	s3 =	sand.u32 $0x4000, s31;
	s1 =	sadd.s32 s1, s30  }
0xbe: {  	s0 =	sor.u32 s3, s0;
	s1 =	sshll.u32 s1, $0x11  }
0xbf: {  	s0 =	sor.u32 s1, s0  }
0xc0: {  	s0 =	sadd.s32 $0x8F2B, s0  }
0xc1: {  	[sflag:s0] =	ssyncadd.remote.s32 $0x1  }
0xc2: {  	_ =	sfence.sel $0xFFFF  }
0xc3: {  	[dreg:$0x0] =	wrdreg $0xFFFFFFFF;
	(pc) =	sbr.abs _section_cstart, $3  }
0xc4: {  	[dreg:$0x1] =	wrdreg $0xFFFFFFFF  }
0xc5: {  	_ =	task.clear_ibuf [dreg:s9], $0x2FFFF;
	_ =	strace $0x9FFFFFFF  }
0xc6: {  	(tm) =	ssettm $0x7FFFFFFF  }
0xc7: {  	_ =	shalt  }
tec
execute0_lowered:
.L_overlay_start_1:
0x0: {  	(tag) =	ssettag $0x1  }
0x1: {  	s4 =	rddreg [dreg:$0x0]  }
0x2: {  	s2 =	rddreg [dreg:$0x1]  }
0x3: {  	s0 =	srdreg.scid;
	s1 =	stileid.u32  }
0x4: {  	s3 =	rddreg [dreg:$0x3];
	s5 =	simm.s32 $0x0;
	s29 =	simm.s32 $0x11280  }
0x5: {  	s31 =	simm.s32 $0x15280;
	s28 =	simm.s32 $0x1D280;
	s9 =	simm.s32 $0x1B280  }
0x6: {  	s10 =	simm.s32 $0x3;
	s0 =	sand.u32 $0x1, s0;
	s1 =	sshll.u32 s1, $0x1  }
0x7: {  	[smem:$0x7FF] =	sst s5;
	s7 =	sadd.s32 $0x400, s3;
	s25 =	sadd.s32 $0x200, s4  }
0x8: {  	s26 =	sadd.s32 $0x400, s4;
	s30 =	sadd.s32 $0x600, s4;
	s1 =	sor.u32 s0, s1  }
0x9: {  	s3 =	simm.s32 $0x17280;
	s0 =	ssub.s32 $0x2, s0;
	s6 =	smul.u32 $0xF5, s1  }
0xa: {  	_ =	strace $0x80000047;
	[dreg:$0xd] =	wrdreg s25;
	s1 =	smul.u32 $0x7A80, s1  }
0xb: {  	s5 =	simm.s32 $0x0;
	[dreg:$0xe] =	wrdreg s26;
	s14 =	sshrl.u32 s0, $0x1  }
0xc: {  	[dreg:$0xf] =	wrdreg s30;
	s0 =	ssub.s32 s0, s14;
	s16 =	sadd.s32 s2, s1  }
0xd: {  	s25 =	simm.s32 $0x1;
	s0 =	smax.u32 s0, $0x1;
	[dreg:$0x5] =	wrdreg s16  }
0xe: {  	s26 =	simm.s32 $0x2;
	s18 =	sadd.s32 $0x80, s16;
	[dreg:$0x10] =	wrdreg s0  }
0xf: {  	s15 =	smin.u32 s6, $0x1D90;
	s19 =	sadd.s32 $0x100, s16;
	[dreg:$0x6] =	wrdreg s18  }
0x10: {  	s1 =	simm.s32 $0x40;
	s20 =	sadd.s32 $0x180, s16;
	[dreg:$0x7] =	wrdreg s19  }
0x11: {  	s17 =	sadd.s32 $0xF5, s15;
	s21 =	sadd.s32 $0x200, s16;
	[dreg:$0x8] =	wrdreg s20  }
.Ltmp0:
0x12: {  	v0 =	vlaneseq.u32;
	s22 =	sadd.s32 $0x280, s16;
	[dreg:$0x9] =	wrdreg s21;
	(pc) =	sbr.rel .LBB2_1-.Ltmp0, $4  }
0x13: {  	v1 =	vmul.u32 $0x80, v0;
	s23 =	sadd.s32 $0x300, s16;
	s24 =	sadd.s32 $0x380, s16;
	[dreg:$0xa] =	wrdreg s22  }
0x14: {  	s0 =	simm.s32 $0x19280;
	s15 =	simm.s32 $0x4;
	[dreg:$0xb] =	wrdreg s23  }
0x15: {  	v4 =	vor.u32 $0x800, v1;
	v5 =	vor.u32 $0x1000, v1;
	[dreg:$0xc] =	wrdreg s24;
	s19 =	sadd.s32 $0x8, s6;
	s20 =	sadd.s32 $0xC, s6  }
0x16: {  	v6 =	vor.u32 $0x1800, v1;
	v3 =	vmov s6;
	s22 =	simm.s32 $0x400;
	s23 =	simm.s32 $0x7A1400;
	s24 =	simm.s32 $0x9280;
	v2 =	vmov s17  }
.LBB2_33:
0x17: {  	s14 =	smov.u32 s13  }
.LBB2_38:
0x18: {  	s4 =	sadd.s32 @p0 $0x80, s14  }
0x19: {  	s13 =	smov.u32 @p0 s4  }
0x1a: {  	[tilespmem:s13+$0xFFFFFFE0] =	vst v8  }
0x1b: {  	v8 =	vld [tilespmem:$0x1B290];
	_ =	sdelay $0x4  }
0x1c: {  	[tilespmem:s13+$0xFFFFFFF0] =	vst v8  }
0x1d: {  	v8 =	vld [tilespmem:$0x1B2A0];
	_ =	sdelay $0x4  }
0x1e: {  	[tilespmem:s13+$0x0] =	vst v8  }
0x1f: {  	v8 =	vld [tilespmem:$0x1B2B0]  }
0x20: {  	v9 =	vmov s12;
	_ =	sdelay $0x3  }
0x21: {  	[tilespmem:s13+$0x10] =	vst v8  }
0x22: {  	[tilespmem:v9+s28+$0x0] =	vst.idx.msk $0x1, v7  }
.LBB2_39:
0x23: {  	[hbm4b:s7+s1] =	stream.indirect.scatter [tilespmem:s9], [sflag:$0x3], $0x80, s28, s1, $0xb8;
	[tilespmem:$0x1D300] =	vst v63  }
0x24: {  	_ =	swait.ge [sflag:s10], $0x2000  }
0x25: {  	[sflag:s10] =	ssyncset.done $0x0  }
0x26: {  	s4 =	simm.s32 $0x0;
	[sflag:s10] =	ssyncadd.s32 $0xFFFFE000  }
0x27: {  	[smem:$0x1] =	sst s4  }
.LBB2_40:
0x28: {  	s5 =	sadd.s32 $0x1, s5;
	s4 =	rddreg [dreg:$0x10]  }
0x29: {  	p0 =	sne.s32 s5, s4  }
.Ltmp1:
0x2a: {  	_ = 	snop;
	(pc) =	sbr.rel @!p0 .LBB2_41-.Ltmp1, $1  }
0x2b: {  	_ =	sdelay $0x3  }
.LBB2_1:
0x2c: {  	[dreg:$0x11] =	wrdreg s5  }
0x2d: {  	s4 =	rddreg [dreg:$0x5]  }
0x2e: {  	[tilespmem:s24], [sflag:$0x1] =	stream.strided.gather [hbm4b:s4+s22], $0x2000, s23, s22, $0x38;
	[tilespmem:$0x1D300] =	vst v63  }
0x2f: {  	s17 =	rddreg [dreg:$0x6];
	s18 =	simm.s32 $0xB280  }
0x30: {  	[tilespmem:s18], [sflag:$0x1] =	stream.strided.gather [hbm4b:s17+s22], $0x2000, s23, s22, $0x38;
	[tilespmem:$0x1D300] =	vst v63  }
0x31: {  	s21 =	rddreg [dreg:$0x7];
	s30 =	simm.s32 $0xD280  }
0x32: {  	[tilespmem:s30], [sflag:$0x1] =	stream.strided.gather [hbm4b:s21+s22], $0x2000, s23, s22, $0x38;
	[tilespmem:$0x1D300] =	vst v63  }
0x33: {  	s8 =	rddreg [dreg:$0x8];
	s11 =	simm.s32 $0xF280  }
0x34: {  	[tilespmem:s11], [sflag:$0x1] =	stream.strided.gather [hbm4b:s8+s22], $0x2000, s23, s22, $0x38;
	[tilespmem:$0x1D300] =	vst v63  }
0x35: {  	s12 =	rddreg [dreg:$0x9]  }
0x36: {  	[tilespmem:s29], [sflag:$0x2] =	stream.strided.gather [hbm4b:s12+s22], $0x2000, s23, s22, $0x38;
	[tilespmem:$0x1D300] =	vst v63  }
0x37: {  	s13 =	rddreg [dreg:$0xa];
	s14 =	simm.s32 $0x13280  }
0x38: {  	[tilespmem:s14], [sflag:$0x2] =	stream.strided.gather [hbm4b:s13+s22], $0x2000, s23, s22, $0x38;
	[tilespmem:$0x1D300] =	vst v63  }
0x39: {  	s16 =	rddreg [dreg:$0xb]  }
0x3a: {  	[tilespmem:s31], [sflag:$0x2] =	stream.strided.gather [hbm4b:s16+s22], $0x2000, s23, s22, $0x38;
	[tilespmem:$0x1D300] =	vst v63  }
0x3b: {  	s17 =	rddreg [dreg:$0xc]  }
0x3c: {  	[tilespmem:s3], [sflag:$0x2] =	stream.strided.gather [hbm4b:s17+s22], $0x2000, s23, s22, $0x38;
	[tilespmem:$0x1D300] =	vst v63  }
0x3d: {  	s18 =	rddreg [dreg:$0x2];
	s21 =	simm.s32 $0x0  }
0x3e: {  	[tilespmem:s0], [sflag:$0x4] =	stream.linear.gather [hbm4b:s18+s21], $0x2000, $0x38;
	[tilespmem:$0x1D300] =	vst v63  }
0x3f: {  	_ =	swait.ge [sflag:s15], $0x2000  }
0x40: {  	[sflag:s15] =	ssyncset.done $0x0  }
0x41: {  	[sflag:s15] =	ssyncadd.s32 $0xFFFFE000  }
0x42: {  	s30 =	rddreg [dreg:$0x0]  }
0x43: {  	[tilespmem:s21], [sflag:$0x4] =	stream.linear.gather [hbm4b:s30+s21], $0x1000, $0x38;
	[tilespmem:$0x1D300] =	vst v63  }
0x44: {  	_ =	swait.ge [sflag:s15], $0x1000  }
0x45: {  	[sflag:s15] =	ssyncset.done $0x0  }
0x46: {  	[sflag:s15] =	ssyncadd.s32 $0xFFFFF000  }
0x47: {  	v7 =	vld [tilespmem:s21+$0x0];
	_ =	sdelay $0x4  }
0x48: {  	v8 =	vshrl.u32 v7, $0x7  }
0x49: {  	vm0 =	vge.u32 v8, v3;
	vm1 =	vlt.u32 v8, v2  }
0x4a: {  	vm0 =	vmand vm0, vm1  }
0x4b: {  	v8 =	vmpcnt.ones.xlane vm0;
	_ =	sdelay $0x1  }
0x4c: {  	(v2sf) =	vpush v8, $0x0;
	_ =	sdelay $0x3  }
0x4d: {  	[tilespmem:s21+$0x1080] =	vst.msk vm0, v7;
	v7 =	vor.u32 s21, v0  }
0x4e: {  	s8 =	simm.s32 $0x0;
	s12 =	simm.s32 $0x10;
	s13 =	simm.s32 $0x10;
	[tilespmem:s21+$0x5100] =	vst.msk vm0, v7  }
.LBB2_2:
0x4f: {  	v7 =	vld [tilespmem:s12+$0x0];
	p0 =	sne.s32 s13, $0xFF0;
	_ =	sdelay $0x4  }
0x50: {  	v8 =	vshrl.u32 v7, $0x7  }
0x51: {  	vm0 =	vge.u32 v8, v3;
	vm1 =	vlt.u32 v8, v2  }
0x52: {  	vm0 =	vmand vm0, vm1  }
0x53: {  	v8 =	vmpcnt.ones.xlane vm0  }
0x54: {  	s4 =	spop (v2sf)  }
0x55: {  	(v2sf) =	vpush v8, $0x0;
	s8 =	sadd.s32 s8, s4  }
.Ltmp2:
0x56: {  	[tilespmem:s8+$0x1080] =	vst.msk vm0, v7;
	v7 =	vor.u32 s13, v0;
	[smem:$0x0] =	sst s8;
	(pc) =	sbr.rel @p0 .LBB2_2-.Ltmp2, $2  }
0x57: {  	[tilespmem:s8+$0x5100] =	vst.msk vm0, v7;
	_ =	sdelay $0x2  }
0x58: {  	s12 =	sadd.s32 $0x10, s12;
	s13 =	sadd.s32 $0x10, s13  }
0x59: {  	_ =	sdelay $0x6  }
0x5a: {  	s21 =	simm.s32 $0x0;
	s5 =	rddreg [dreg:$0xd]  }
0x5b: {  	[tilespmem:s21], [sflag:$0x4] =	stream.linear.gather [hbm4b:s5+s21], $0x1000, $0x38;
	[tilespmem:$0x1D300] =	vst v63  }
0x5c: {  	s4 =	spop (v2sf)  }
0x5d: {  	s8 =	sadd.s32 s8, s4  }
0x5e: {  	[smem:$0x0] =	sst s8  }
0x5f: {  	_ =	swait.ge [sflag:s15], $0x1000  }
0x60: {  	[sflag:s15] =	ssyncset.done $0x0  }
0x61: {  	[sflag:s15] =	ssyncadd.s32 $0xFFFFF000  }
0x62: {  	v7 =	vld [tilespmem:s21+$0x0];
	_ =	sdelay $0x4  }
0x63: {  	v8 =	vshrl.u32 v7, $0x7  }
0x64: {  	vm0 =	vge.u32 v8, v3;
	vm1 =	vlt.u32 v8, v2  }
0x65: {  	vm0 =	vmand vm0, vm1  }
0x66: {  	v8 =	vmpcnt.ones.xlane vm0;
	_ =	sdelay $0x1  }
0x67: {  	(v2sf) =	vpush v8, $0x0;
	_ =	sdelay $0x2  }
0x68: {  	s30 =	simm.s32 $0x1000  }
0x69: {  	[tilespmem:s8+$0x1080] =	vst.msk vm0, v7;
	v7 =	vor.u32 s30, v0  }
0x6a: {  	s13 =	simm.s32 $0x10;
	[tilespmem:s8+$0x5100] =	vst.msk vm0, v7  }
0x6b: {  	s12 =	simm.s32 $0x1010;
	s5 =	simm.s32 $0x1020;
	v7 =	vld [tilespmem:s13+$0x0]  }
.LBB2_4:
0x6c: {  	p0 =	sne.s32 s5, $0x1FF0;
	_ =	sdelay $0x3  }
0x6d: {  	v8 =	vshrl.u32 v7, $0x7  }
0x6e: {  	vm0 =	vge.u32 v8, v3;
	vm1 =	vlt.u32 v8, v2  }
0x6f: {  	vm0 =	vmand vm0, vm1  }
0x70: {  	v8 =	vmpcnt.ones.xlane vm0  }
0x71: {  	s4 =	spop (v2sf)  }
0x72: {  	(v2sf) =	vpush v8, $0x0;
	s8 =	sadd.s32 s8, s4  }
0x73: {  	[tilespmem:s8+$0x1080] =	vst.msk vm0, v7;
	v7 =	vor.u32 s12, v0;
	s12 =	smov.u32 s5  }
.Ltmp3:
0x74: {  	[tilespmem:s8+$0x5100] =	vst.msk vm0, v7;
	(pc) =	sbr.rel @p0 .LBB2_4-.Ltmp3, $3  }
0x75: {  	_ =	sdelay $0x1  }
0x76: {  	s13 =	sadd.s32 $0x10, s13  }
0x77: {  	s5 =	sadd.s32 $0x10, s5;
	v7 =	vld [tilespmem:s13+$0x0]  }
0x78: {  	_ =	sdelay $0x3  }
0x79: {  	v8 =	vshrl.u32 v7, $0x7  }
0x7a: {  	vm0 =	vge.u32 v8, v3;
	vm1 =	vlt.u32 v8, v2  }
0x7b: {  	vm0 =	vmand vm0, vm1  }
0x7c: {  	v8 =	vmpcnt.ones.xlane vm0;
	_ =	sdelay $0x1  }
0x7d: {  	(v2sf) =	vpush v8, $0x0;
	_ =	sdelay $0x9  }
0x7e: {  	s4 =	spop (v2sf)  }
0x7f: {  	s4 =	sadd.s32 s8, s4  }
0x80: {  	[tilespmem:s4+$0x1080] =	vst.msk vm0, v7;
	v7 =	vor.u32 s12, v0  }
0x81: {  	s21 =	simm.s32 $0x0;
	s11 =	rddreg [dreg:$0xe];
	[tilespmem:s4+$0x5100] =	vst.msk vm0, v7  }
0x82: {  	[tilespmem:s21], [sflag:$0x4] =	stream.linear.gather [hbm4b:s11+s21], $0x1000, $0x38;
	[tilespmem:$0x1D300] =	vst v63  }
0x83: {  	s5 =	spop (v2sf)  }
0x84: {  	_ =	swait.ge [sflag:s15], $0x1000  }
0x85: {  	[sflag:s15] =	ssyncset.done $0x0  }
0x86: {  	[sflag:s15] =	ssyncadd.s32 $0xFFFFF000  }
0x87: {  	v7 =	vld [tilespmem:s21+$0x0];
	_ =	sdelay $0x4  }
0x88: {  	v8 =	vshrl.u32 v7, $0x7  }
0x89: {  	vm14 =	vge.u32 v8, v3;
	vm15 =	vlt.u32 v8, v2  }
0x8a: {  	vm0 =	vmand vm14, vm15  }
0x8b: {  	v8 =	vmpcnt.ones.xlane vm0;
	_ =	sdelay $0x1  }
0x8c: {  	(v2sf) =	vpush v8, $0x0;
	_ =	sdelay $0x2  }
0x8d: {  	s30 =	simm.s32 $0x2000;
	s8 =	sadd.s32 s4, s5  }
0x8e: {  	[tilespmem:s8+$0x1080] =	vst.msk vm0, v7;
	v7 =	vor.u32 s30, v0  }
0x8f: {  	s13 =	simm.s32 $0x10;
	[tilespmem:s8+$0x5100] =	vst.msk vm0, v7  }
0x90: {  	s12 =	simm.s32 $0x2010;
	s5 =	simm.s32 $0x2020;
	v7 =	vld [tilespmem:s13+$0x0]  }
.LBB2_6:
0x91: {  	p0 =	sne.s32 s5, $0x2FF0;
	_ =	sdelay $0x3  }
0x92: {  	v8 =	vshrl.u32 v7, $0x7  }
0x93: {  	vm0 =	vge.u32 v8, v3;
	vm1 =	vlt.u32 v8, v2  }
0x94: {  	vm0 =	vmand vm0, vm1  }
0x95: {  	v8 =	vmpcnt.ones.xlane vm0  }
0x96: {  	s4 =	spop (v2sf)  }
0x97: {  	(v2sf) =	vpush v8, $0x0;
	s8 =	sadd.s32 s8, s4  }
0x98: {  	[tilespmem:s8+$0x1080] =	vst.msk vm0, v7;
	v7 =	vor.u32 s12, v0;
	s12 =	smov.u32 s5  }
.Ltmp4:
0x99: {  	[tilespmem:s8+$0x5100] =	vst.msk vm0, v7;
	(pc) =	sbr.rel @p0 .LBB2_6-.Ltmp4, $3  }
0x9a: {  	_ =	sdelay $0x1  }
0x9b: {  	s13 =	sadd.s32 $0x10, s13  }
0x9c: {  	s5 =	sadd.s32 $0x10, s5;
	v7 =	vld [tilespmem:s13+$0x0]  }
0x9d: {  	_ =	sdelay $0x3  }
0x9e: {  	v8 =	vshrl.u32 v7, $0x7  }
0x9f: {  	vm0 =	vge.u32 v8, v3;
	vm1 =	vlt.u32 v8, v2  }
0xa0: {  	vm0 =	vmand vm0, vm1  }
0xa1: {  	v8 =	vmpcnt.ones.xlane vm0;
	_ =	sdelay $0x1  }
0xa2: {  	(v2sf) =	vpush v8, $0x0;
	_ =	sdelay $0x9  }
0xa3: {  	s4 =	spop (v2sf)  }
0xa4: {  	s4 =	sadd.s32 s8, s4  }
0xa5: {  	[tilespmem:s4+$0x1080] =	vst.msk vm0, v7;
	v7 =	vor.u32 s12, v0  }
0xa6: {  	s21 =	simm.s32 $0x0;
	s11 =	rddreg [dreg:$0xf];
	[tilespmem:s4+$0x5100] =	vst.msk vm0, v7  }
0xa7: {  	[tilespmem:s21], [sflag:$0x4] =	stream.linear.gather [hbm4b:s11+s21], $0x1000, $0x38;
	[tilespmem:$0x1D300] =	vst v63  }
0xa8: {  	s5 =	spop (v2sf)  }
0xa9: {  	_ =	swait.ge [sflag:s15], $0x1000  }
0xaa: {  	[sflag:s15] =	ssyncset.done $0x0  }
0xab: {  	[sflag:s15] =	ssyncadd.s32 $0xFFFFF000  }
0xac: {  	v7 =	vld [tilespmem:s21+$0x0];
	_ =	sdelay $0x4  }
0xad: {  	v8 =	vshrl.u32 v7, $0x7  }
0xae: {  	vm14 =	vge.u32 v8, v3;
	vm15 =	vlt.u32 v8, v2  }
0xaf: {  	vm0 =	vmand vm14, vm15  }
0xb0: {  	v8 =	vmpcnt.ones.xlane vm0;
	_ =	sdelay $0x1  }
0xb1: {  	(v2sf) =	vpush v8, $0x0;
	_ =	sdelay $0x2  }
0xb2: {  	s30 =	simm.s32 $0x3000;
	s8 =	sadd.s32 s4, s5  }
0xb3: {  	[tilespmem:s8+$0x1080] =	vst.msk vm0, v7;
	v7 =	vor.u32 s30, v0  }
0xb4: {  	s12 =	simm.s32 $0x10;
	s5 =	simm.s32 $0x3010;
	[tilespmem:s8+$0x5100] =	vst.msk vm0, v7  }
.LBB2_8:
0xb5: {  	v7 =	vld [tilespmem:s12+$0x0];
	p0 =	sne.s32 s5, $0x3FF0;
	_ =	sdelay $0x4  }
0xb6: {  	v8 =	vshrl.u32 v7, $0x7  }
0xb7: {  	vm0 =	vge.u32 v8, v3;
	vm1 =	vlt.u32 v8, v2  }
0xb8: {  	vm0 =	vmand vm0, vm1  }
0xb9: {  	v8 =	vmpcnt.ones.xlane vm0  }
0xba: {  	s4 =	spop (v2sf)  }
0xbb: {  	(v2sf) =	vpush v8, $0x0;
	s8 =	sadd.s32 s8, s4  }
.Ltmp5:
0xbc: {  	[tilespmem:s8+$0x1080] =	vst.msk vm0, v7;
	v7 =	vor.u32 s5, v0;
	[smem:$0x0] =	sst s8;
	(pc) =	sbr.rel @p0 .LBB2_8-.Ltmp5, $2  }
0xbd: {  	[tilespmem:s8+$0x5100] =	vst.msk vm0, v7;
	_ =	sdelay $0x2  }
0xbe: {  	s12 =	sadd.s32 $0x10, s12;
	s5 =	sadd.s32 $0x10, s5  }
0xbf: {  	_ =	sdelay $0x8  }
0xc0: {  	s4 =	spop (v2sf)  }
0xc1: {  	s4 =	sadd.s32 s8, s4  }
0xc2: {  	s5 =	sadd.s32 $0xF, s4  }
0xc3: {  	s12 =	simm.s32 $0x0;
	[smem:$0x0] =	sst s4;
	s13 =	sshrl.u32 s5, $0x4  }
0xc4: {  	s14 =	simm.s32 $0x0;
	v7 =	vmov s4;
	[smem:$0x1] =	sst s12;
	p0 =	seq.s32 s13, $0x0  }
.LBB2_10:
0xc5: {  	_ =	swait.ge [sflag:s25], $0x2000  }
0xc6: {  	[sflag:s25] =	ssyncset.done $0x0  }
0xc7: {  	[sflag:s25] =	ssyncadd.s32 $0xFFFFE000  }
0xc8: {  	_ =	swait.ge [sflag:s25], $0x2000  }
0xc9: {  	[sflag:s25] =	ssyncset.done $0x0  }
0xca: {  	[sflag:s25] =	ssyncadd.s32 $0xFFFFE000  }
0xcb: {  	_ =	swait.ge [sflag:s25], $0x2000  }
.Ltmp6:
0xcc: {  	[sflag:s25] =	ssyncset.done $0x0;
	(pc) =	sbr.rel @p0 .LBB2_19-.Ltmp6, $4  }
0xcd: {  	[sflag:s25] =	ssyncadd.s32 $0xFFFFE000  }
0xce: {  	_ =	swait.ge [sflag:s25], $0x2000  }
0xcf: {  	[sflag:s25] =	ssyncset.done $0x0  }
0xd0: {  	s15 =	sshll.u32 s14, $0x3;
	[sflag:s25] =	ssyncadd.s32 $0xFFFFE000  }
.Ltmp7:
0xd1: {  	(pc) =	sbr.rel .LBB2_12-.Ltmp7, $4  }
0xd2: {  	_ = 	snop  }
0xd3: {  	s16 =	sadd.s32 s6, s15  }
0xd4: {  	s4 =	sadd.s32 $0x4, s16  }
0xd5: {  	s17 =	simm.s32 $0x0;
	v8 =	vmov s16;
	v9 =	vmov s4  }
.LBB2_18:
0xd6: {  	s17 =	sadd.s32 $0x1, s17  }
0xd7: {  	p1 =	sne.s32 s17, s13  }
.Ltmp8:
0xd8: {  	_ = 	snop;
	(pc) =	sbr.rel @!p1 .LBB2_19-.Ltmp8, $1  }
0xd9: {  	_ =	sdelay $0x3  }
.LBB2_12:
0xda: {  	s4 =	sshll.u32 s17, $0x4  }
0xdb: {  	v10 =	vld [tilespmem:s4+$0x1080];
	_ =	sdelay $0x4  }
0xdc: {  	v11 =	vshrl.u32 v10, $0x7  }
0xdd: {  	v12 =	vor.u32 s4, v0;
	vm0 =	vge.u32 v11, v8;
	vm1 =	vlt.u32 v11, v9  }
0xde: {  	vm2 =	vlt.s32 v12, v7;
	vm0 =	vmand vm0, vm1  }
0xdf: {  	vm0 =	vmand vm2, vm0  }
0xe0: {  	v11 =	vmpcnt.ones.xlane vm0;
	_ =	sdelay $0x1  }
0xe1: {  	(v2sf) =	vpush v11, $0x0;
	_ =	sdelay $0xe  }
0xe2: {  	s18 =	spop (v2sf)  }
0xe3: {  	v11 =	vld [tilespmem:s4+$0x5100];
	p1 =	slt.s32 s18, $0x1  }
.Ltmp9:
0xe4: {  	_ = 	snop;
	(pc) =	sbr.rel @!p1 .LBB2_13-.Ltmp9, $4  }
.Ltmp10:
0xe5: {  	_ = 	snop;
	(pc) =	sbr.rel @p1 .LBB2_18-.Ltmp10, $4  }
0xe6: {  	s21 =	simm.s32 $0x9180  }
0xe7: {  	s8 =	simm.s32 $0x9200;
	[tilespmem:s21+$0x0] =	vst.msk vm0, v10  }
0xe8: {  	[tilespmem:s8+$0x0] =	vst.msk vm0, v11  }
0xe9: {  	_ = 	snop  }
.LBB2_14:
0xea: {  	s4 =	ssub.s32 s4, s16  }
0xeb: {  	s4 =	sshll.u32 s4, $0xD  }
0xec: {  	s4 =	sor.u32 s11, s4  }
0xed: {  	v11 =	vor.u32 s4, v1;
	_ =	sdelay $0x4  }
0xee: {  	v11 =	vld.idx.msk [tilespmem:v11+s24+$0x0], $0xffff  }
0xef: {  	v12 =	vor.u32 s4, v4;
	_ =	sdelay $0x3  }
0xf0: {  	[tilespmem:s5+$0x1B280] =	vst v11  }
0xf1: {  	v11 =	vld.idx.msk [tilespmem:v12+s24+$0x0], $0xffff  }
0xf2: {  	v61 =	vor.u32 s4, v5;
	_ =	sdelay $0x3  }
0xf3: {  	[tilespmem:s5+$0x1B290] =	vst v11  }
0xf4: {  	v11 =	vld.idx.msk [tilespmem:v61+s24+$0x0], $0xffff  }
0xf5: {  	v62 =	vor.u32 s4, v6;
	_ =	sdelay $0x3  }
0xf6: {  	[tilespmem:s5+$0x1B2A0] =	vst v11  }
0xf7: {  	v63 =	vmov s12;
	s12 =	sadd.s32 $0x1, s12;
	v11 =	vld.idx.msk [tilespmem:v62+s24+$0x0], $0xffff  }
0xf8: {  	p1 =	seq.s32 s12, $0x40  }
.Ltmp11:
0xf9: {  	_ = 	snop;
	(pc) =	sbr.rel @p1 .LBB2_16-.Ltmp11, $4  }
0xfa: {  	_ = 	snop  }
0xfb: {  	v10 =	vbroadcast v10, $0x0  }
0xfc: {  	[tilespmem:s5+$0x1B2B0] =	vst v11  }
0xfd: {  	[smem:$0x1] =	sst s12;
	[tilespmem:v63+s28+$0x0] =	vst.idx.msk $0x1, v10  }
.LBB2_17:
0xfe: {  	s18 =	sadd.s32 $0xFFFFFFFF, s18  }
0xff: {  	p1 =	sne.s32 s18, $0x0  }
.Ltmp12:
0x100: {  	_ = 	snop;
	(pc) =	sbr.rel @!p1 .LBB2_18-.Ltmp12, $2  }
0x101: {  	_ =	sdelay $0x2  }
0x102: {  	s8 =	sadd.s32 $0x1, s8;
	s21 =	sadd.s32 $0x1, s21  }
.LBB2_13:
0x103: {  	v10 =	vld [tilespmem:s21+$0x0];
	_ =	sdelay $0x4  }
0x104: {  	(v2sf) =	vpush v10, $0x0;
	_ =	sdelay $0xe  }
0x105: {  	s5 =	spop (v2sf)  }
0x106: {  	s4 =	sshrl.u32 s5, $0x7  }
0x107: {  	p1 =	seq.s32 s4, $0x1E84  }
.Ltmp13:
0x108: {  	_ = 	snop;
	(pc) =	sbr.rel @!p1 .LBB2_14-.Ltmp13, $3  }
0x109: {  	_ =	sdelay $0x1  }
0x10a: {  	s30 =	sshll.u32 s12, $0x9  }
0x10b: {  	v10 =	vld [tilespmem:s8+$0x0];
	s11 =	sand.u32 $0x7F, s5;
	s5 =	sshra.s32 s30, $0x2  }
0x10c: {  	v11 =	vor.u32 s11, v1;
	_ =	sdelay $0x4  }
0x10d: {  	v11 =	vld.idx.msk [tilespmem:v11+s0+$0x0], $0xffff  }
0x10e: {  	v12 =	vor.u32 s11, v4;
	_ =	sdelay $0x3  }
0x10f: {  	[tilespmem:s5+$0x1B280] =	vst v11  }
0x110: {  	v11 =	vld.idx.msk [tilespmem:v12+s0+$0x0], $0xffff  }
0x111: {  	v61 =	vor.u32 s11, v5;
	_ =	sdelay $0x3  }
0x112: {  	[tilespmem:s5+$0x1B290] =	vst v11  }
0x113: {  	v11 =	vld.idx.msk [tilespmem:v61+s0+$0x0], $0xffff  }
0x114: {  	v62 =	vor.u32 s11, v6;
	_ =	sdelay $0x3  }
0x115: {  	[tilespmem:s5+$0x1B2A0] =	vst v11  }
0x116: {  	v63 =	vmov s12;
	s12 =	sadd.s32 $0x1, s12;
	v11 =	vld.idx.msk [tilespmem:v62+s0+$0x0], $0xffff  }
0x117: {  	p1 =	sne.s32 s12, $0x40  }
.Ltmp14:
0x118: {  	_ = 	snop;
	(pc) =	sbr.rel @p1 .LBB2_17-.Ltmp14, $4  }
0x119: {  	_ = 	snop  }
0x11a: {  	v10 =	vbroadcast v10, $0x0  }
0x11b: {  	[tilespmem:s5+$0x1B2B0] =	vst v11  }
0x11c: {  	[smem:$0x1] =	sst s12;
	[tilespmem:v63+s28+$0x0] =	vst.idx.msk $0x1, v10  }
.LBB2_16:
0x11d: {  	[hbm4b:s7+s1] =	stream.indirect.scatter [tilespmem:s9], [sflag:$0x3], $0x80, s28, s1, $0xb8;
	[tilespmem:$0x1D300] =	vst v63  }
.Ltmp15:
0x11e: {  	_ = 	snop;
	(pc) =	sbr.rel .LBB2_17-.Ltmp15, $4  }
0x11f: {  	_ =	swait.ge [sflag:s10], $0x2000  }
0x120: {  	[sflag:s10] =	ssyncset.done $0x0  }
0x121: {  	s12 =	simm.s32 $0x0;
	[sflag:s10] =	ssyncadd.s32 $0xFFFFE000  }
0x122: {  	[smem:$0x1] =	sst s12  }
.LBB2_19:
0x123: {  	p1 =	seq.s32 s14, $0x1E  }
0x124: {  	s4 =	sadd.s32 @!p1 s15, s19  }
0x125: {  	s5 =	smin.u32 @!p1 s4, $0x1E83  }
0x126: {  	s8 =	simm.s32 @!p1 $0x400;
	s5 =	sshll.u32 @!p1 s5, $0x7  }
0x127: {  	s11 =	simm.s32 @!p1 $0x7A1400;
	s16 =	simm.s32 @!p1 $0x9280;
	s5 =	sadd.s32 @!p1 s2, s5  }
0x128: {  	[tilespmem:s16], [sflag:$0x1] =	stream.strided.gather @!p1 [hbm4b:s5+s8], $0x2000, s11, s8, $0x38;
	[tilespmem:$0x1D300] =	vst v63  }
0x129: {  	s5 =	smin.u32 @!p1 s4, $0x1E82  }
0x12a: {  	s5 =	sshll.u32 @!p1 s5, $0x7  }
0x12b: {  	s5 =	sadd.s32 @!p1 s2, s5  }
0x12c: {  	s16 =	simm.s32 @!p1 $0xB280;
	s5 =	sadd.s32 @!p1 $0x80, s5  }
0x12d: {  	[tilespmem:s16], [sflag:$0x1] =	stream.strided.gather @!p1 [hbm4b:s5+s8], $0x2000, s11, s8, $0x38;
	[tilespmem:$0x1D300] =	vst v63  }
0x12e: {  	s5 =	smin.u32 @!p1 s4, $0x1E81  }
0x12f: {  	s4 =	smin.u32 @!p1 s4, $0x1E80;
	s5 =	sshll.u32 @!p1 s5, $0x7  }
0x130: {  	s4 =	sshll.u32 @!p1 s4, $0x7;
	s5 =	sadd.s32 @!p1 s2, s5  }
0x131: {  	s16 =	simm.s32 @!p1 $0xD280;
	s4 =	sadd.s32 @!p1 s2, s4;
	s5 =	sadd.s32 @!p1 $0x100, s5  }
0x132: {  	[tilespmem:s16], [sflag:$0x1] =	stream.strided.gather @!p1 [hbm4b:s5+s8], $0x2000, s11, s8, $0x38;
	[tilespmem:$0x1D300] =	vst v63  }
0x133: {  	s4 =	sadd.s32 @!p1 $0x180, s4;
	s5 =	simm.s32 @!p1 $0xF280  }
0x134: {  	[tilespmem:s5], [sflag:$0x1] =	stream.strided.gather @!p1 [hbm4b:s4+s8], $0x2000, s11, s8, $0x38;
	[tilespmem:$0x1D300] =	vst v63  }
0x135: {  	_ =	swait.ge [sflag:s26], $0x2000  }
0x136: {  	[sflag:s26] =	ssyncset.done $0x0  }
0x137: {  	[sflag:s26] =	ssyncadd.s32 $0xFFFFE000  }
0x138: {  	_ =	swait.ge [sflag:s26], $0x2000  }
0x139: {  	[sflag:s26] =	ssyncset.done $0x0  }
0x13a: {  	[sflag:s26] =	ssyncadd.s32 $0xFFFFE000  }
0x13b: {  	_ =	swait.ge [sflag:s26], $0x2000  }
.Ltmp16:
0x13c: {  	[sflag:s26] =	ssyncset.done $0x0;
	(pc) =	sbr.rel @p0 .LBB2_28-.Ltmp16, $4  }
0x13d: {  	[sflag:s26] =	ssyncadd.s32 $0xFFFFE000  }
0x13e: {  	_ =	swait.ge [sflag:s26], $0x2000  }
0x13f: {  	[sflag:s26] =	ssyncset.done $0x0  }
0x140: {  	[sflag:s26] =	ssyncadd.s32 $0xFFFFE000  }
.Ltmp17:
0x141: {  	(pc) =	sbr.rel .LBB2_21-.Ltmp17, $4  }
0x142: {  	s4 =	sadd.s32 s15, s6  }
0x143: {  	s16 =	sadd.s32 $0x4, s4  }
0x144: {  	s4 =	sadd.s32 $0x4, s16  }
0x145: {  	s17 =	simm.s32 $0x0;
	v8 =	vmov s16;
	v9 =	vmov s4  }
.LBB2_27:
0x146: {  	s17 =	sadd.s32 $0x1, s17  }
0x147: {  	p2 =	sne.s32 s17, s13  }
.Ltmp18:
0x148: {  	_ = 	snop;
	(pc) =	sbr.rel @!p2 .LBB2_28-.Ltmp18, $1  }
0x149: {  	_ =	sdelay $0x3  }
.LBB2_21:
0x14a: {  	s4 =	sshll.u32 s17, $0x4  }
0x14b: {  	v10 =	vld [tilespmem:s4+$0x1080];
	_ =	sdelay $0x4  }
0x14c: {  	v11 =	vshrl.u32 v10, $0x7  }
0x14d: {  	v12 =	vor.u32 s4, v0;
	vm0 =	vge.u32 v11, v8;
	vm1 =	vlt.u32 v11, v9  }
0x14e: {  	vm2 =	vlt.s32 v12, v7;
	vm0 =	vmand vm0, vm1  }
0x14f: {  	vm0 =	vmand vm2, vm0  }
0x150: {  	v11 =	vmpcnt.ones.xlane vm0;
	_ =	sdelay $0x1  }
0x151: {  	(v2sf) =	vpush v11, $0x0;
	_ =	sdelay $0xe  }
0x152: {  	s18 =	spop (v2sf)  }
0x153: {  	v11 =	vld [tilespmem:s4+$0x5100];
	p2 =	slt.s32 s18, $0x1  }
.Ltmp19:
0x154: {  	_ = 	snop;
	(pc) =	sbr.rel @!p2 .LBB2_22-.Ltmp19, $4  }
.Ltmp20:
0x155: {  	_ = 	snop;
	(pc) =	sbr.rel @p2 .LBB2_27-.Ltmp20, $4  }
0x156: {  	s21 =	simm.s32 $0x9180  }
0x157: {  	s8 =	simm.s32 $0x9200;
	[tilespmem:s21+$0x0] =	vst.msk vm0, v10  }
0x158: {  	[tilespmem:s8+$0x0] =	vst.msk vm0, v11  }
0x159: {  	_ = 	snop  }
.LBB2_23:
0x15a: {  	s4 =	ssub.s32 s4, s16  }
0x15b: {  	s4 =	sshll.u32 s4, $0xD  }
0x15c: {  	s4 =	sor.u32 s11, s4  }
0x15d: {  	v11 =	vor.u32 s4, v1;
	_ =	sdelay $0x4  }
0x15e: {  	v11 =	vld.idx.msk [tilespmem:v11+s29+$0x0], $0xffff  }
0x15f: {  	v12 =	vor.u32 s4, v4;
	_ =	sdelay $0x3  }
0x160: {  	[tilespmem:s5+$0x1B280] =	vst v11  }
0x161: {  	v11 =	vld.idx.msk [tilespmem:v12+s29+$0x0], $0xffff  }
0x162: {  	v61 =	vor.u32 s4, v5;
	_ =	sdelay $0x3  }
0x163: {  	[tilespmem:s5+$0x1B290] =	vst v11  }
0x164: {  	v11 =	vld.idx.msk [tilespmem:v61+s29+$0x0], $0xffff  }
0x165: {  	v62 =	vor.u32 s4, v6;
	_ =	sdelay $0x3  }
0x166: {  	[tilespmem:s5+$0x1B2A0] =	vst v11  }
0x167: {  	v63 =	vmov s12;
	s12 =	sadd.s32 $0x1, s12;
	v11 =	vld.idx.msk [tilespmem:v62+s29+$0x0], $0xffff  }
0x168: {  	p2 =	seq.s32 s12, $0x40  }
.Ltmp21:
0x169: {  	_ = 	snop;
	(pc) =	sbr.rel @p2 .LBB2_25-.Ltmp21, $4  }
0x16a: {  	_ = 	snop  }
0x16b: {  	v10 =	vbroadcast v10, $0x0  }
0x16c: {  	[tilespmem:s5+$0x1B2B0] =	vst v11  }
0x16d: {  	[smem:$0x1] =	sst s12;
	[tilespmem:v63+s28+$0x0] =	vst.idx.msk $0x1, v10  }
.LBB2_26:
0x16e: {  	s18 =	sadd.s32 $0xFFFFFFFF, s18  }
0x16f: {  	p2 =	sne.s32 s18, $0x0  }
.Ltmp22:
0x170: {  	_ = 	snop;
	(pc) =	sbr.rel @!p2 .LBB2_27-.Ltmp22, $2  }
0x171: {  	_ =	sdelay $0x2  }
0x172: {  	s8 =	sadd.s32 $0x1, s8;
	s21 =	sadd.s32 $0x1, s21  }
.LBB2_22:
0x173: {  	v10 =	vld [tilespmem:s21+$0x0];
	_ =	sdelay $0x4  }
0x174: {  	(v2sf) =	vpush v10, $0x0;
	_ =	sdelay $0xe  }
0x175: {  	s5 =	spop (v2sf)  }
0x176: {  	s4 =	sshrl.u32 s5, $0x7  }
0x177: {  	p2 =	seq.s32 s4, $0x1E84  }
.Ltmp23:
0x178: {  	_ = 	snop;
	(pc) =	sbr.rel @!p2 .LBB2_23-.Ltmp23, $3  }
0x179: {  	_ =	sdelay $0x1  }
0x17a: {  	s30 =	sshll.u32 s12, $0x9  }
0x17b: {  	v10 =	vld [tilespmem:s8+$0x0];
	s11 =	sand.u32 $0x7F, s5;
	s5 =	sshra.s32 s30, $0x2  }
0x17c: {  	v11 =	vor.u32 s11, v1;
	_ =	sdelay $0x4  }
0x17d: {  	v11 =	vld.idx.msk [tilespmem:v11+s0+$0x0], $0xffff  }
0x17e: {  	v12 =	vor.u32 s11, v4;
	_ =	sdelay $0x3  }
0x17f: {  	[tilespmem:s5+$0x1B280] =	vst v11  }
0x180: {  	v11 =	vld.idx.msk [tilespmem:v12+s0+$0x0], $0xffff  }
0x181: {  	v61 =	vor.u32 s11, v5;
	_ =	sdelay $0x3  }
0x182: {  	[tilespmem:s5+$0x1B290] =	vst v11  }
0x183: {  	v11 =	vld.idx.msk [tilespmem:v61+s0+$0x0], $0xffff  }
0x184: {  	v62 =	vor.u32 s11, v6;
	_ =	sdelay $0x3  }
0x185: {  	[tilespmem:s5+$0x1B2A0] =	vst v11  }
0x186: {  	v63 =	vmov s12;
	s12 =	sadd.s32 $0x1, s12;
	v11 =	vld.idx.msk [tilespmem:v62+s0+$0x0], $0xffff  }
0x187: {  	p2 =	sne.s32 s12, $0x40  }
.Ltmp24:
0x188: {  	_ = 	snop;
	(pc) =	sbr.rel @p2 .LBB2_26-.Ltmp24, $4  }
0x189: {  	_ = 	snop  }
0x18a: {  	v10 =	vbroadcast v10, $0x0  }
0x18b: {  	[tilespmem:s5+$0x1B2B0] =	vst v11  }
0x18c: {  	[smem:$0x1] =	sst s12;
	[tilespmem:v63+s28+$0x0] =	vst.idx.msk $0x1, v10  }
.LBB2_25:
0x18d: {  	[hbm4b:s7+s1] =	stream.indirect.scatter [tilespmem:s9], [sflag:$0x3], $0x80, s28, s1, $0xb8;
	[tilespmem:$0x1D300] =	vst v63  }
.Ltmp25:
0x18e: {  	_ = 	snop;
	(pc) =	sbr.rel .LBB2_26-.Ltmp25, $4  }
0x18f: {  	_ =	swait.ge [sflag:s10], $0x2000  }
0x190: {  	[sflag:s10] =	ssyncset.done $0x0  }
0x191: {  	s12 =	simm.s32 $0x0;
	[sflag:s10] =	ssyncadd.s32 $0xFFFFE000  }
0x192: {  	[smem:$0x1] =	sst s12  }
.LBB2_28:
.Ltmp26:
0x193: {  	(pc) =	sbr.rel @p1 .LBB2_30-.Ltmp26, $1  }
0x194: {  	_ =	sdelay $0x3  }
0x195: {  	s4 =	sadd.s32 s15, s20  }
0x196: {  	s5 =	smin.u32 s4, $0x1E83  }
0x197: {  	s5 =	sshll.u32 s5, $0x7  }
0x198: {  	s21 =	smin.u32 s4, $0x1E82;
	s5 =	sadd.s32 s2, s5  }
0x199: {  	[tilespmem:s29], [sflag:$0x2] =	stream.strided.gather [hbm4b:s5+s22], $0x2000, s23, s22, $0x38;
	[tilespmem:$0x1D300] =	vst v63  }
0x19a: {  	s5 =	sshll.u32 s21, $0x7  }
0x19b: {  	s5 =	sadd.s32 s2, s5  }
0x19c: {  	s8 =	simm.s32 $0x13280;
	s30 =	smin.u32 s4, $0x1E81;
	s5 =	sadd.s32 $0x80, s5  }
0x19d: {  	[tilespmem:s8], [sflag:$0x2] =	stream.strided.gather [hbm4b:s5+s22], $0x2000, s23, s22, $0x38;
	[tilespmem:$0x1D300] =	vst v63  }
0x19e: {  	s4 =	smin.u32 s4, $0x1E80;
	s5 =	sshll.u32 s30, $0x7  }
.Ltmp27:
0x19f: {  	s4 =	sshll.u32 s4, $0x7;
	s5 =	sadd.s32 s2, s5;
	(pc) =	sbr.rel .LBB2_10-.Ltmp27, $4  }
0x1a0: {  	s4 =	sadd.s32 s2, s4;
	s5 =	sadd.s32 $0x100, s5  }
0x1a1: {  	[tilespmem:s31], [sflag:$0x2] =	stream.strided.gather [hbm4b:s5+s22], $0x2000, s23, s22, $0x38;
	[tilespmem:$0x1D300] =	vst v63  }
0x1a2: {  	s14 =	sadd.s32 $0x1, s14;
	s4 =	sadd.s32 $0x180, s4  }
0x1a3: {  	[tilespmem:s3], [sflag:$0x2] =	stream.strided.gather [hbm4b:s4+s22], $0x2000, s23, s22, $0x38;
	[tilespmem:$0x1D300] =	vst v63  }
.LBB2_30:
0x1a4: {  	p0 =	slt.s32 s12, $0x1  }
.Ltmp28:
0x1a5: {  	_ = 	snop;
	(pc) =	sbr.rel @p0 .LBB2_40-.Ltmp28, $2  }
0x1a6: {  	_ =	sdelay $0x2  }
0x1a7: {  	s15 =	simm.s32 $0x4;
	s5 =	rddreg [dreg:$0x11]  }
0x1a8: {  	p0 =	sgt.u32 s12, $0x3F  }
.Ltmp29:
0x1a9: {  	_ = 	snop;
	(pc) =	sbr.rel @p0 .LBB2_39-.Ltmp29, $1  }
0x1aa: {  	_ =	sdelay $0x3  }
0x1ab: {  	p1 =	sne.s32 s12, $0x3F  }
.Ltmp30:
0x1ac: {  	_ = 	snop;
	(pc) =	sbr.rel @!p1 .LBB2_33-.Ltmp30, $4  }
0x1ad: {  	_ = 	snop  }
0x1ae: {  	s4 =	sshll.u32 s12, $0x9;
	v8 =	vld [tilespmem:$0x1B280]  }
0x1af: {  	s4 =	sshra.s32 s4, $0x2  }
0x1b0: {  	v7 =	vld.msk [tilespmem:$0x1D280 ss:$0x0], $0xffff;
	s8 =	sadd.s32 $0x1, s12;
	p0 =	por $0x0, $0x0;
	s13 =	sadd.s32 $0x1B2A0, s4  }
0x1b1: {  	_ =	sdelay $0x1  }
0x1b2: {  	[tilespmem:s13+$0xFFFFFFE0] =	vst v8  }
0x1b3: {  	v8 =	vld [tilespmem:$0x1B290];
	_ =	sdelay $0x4  }
0x1b4: {  	[tilespmem:s13+$0xFFFFFFF0] =	vst v8  }
0x1b5: {  	v8 =	vld [tilespmem:$0x1B2A0];
	_ =	sdelay $0x4  }
0x1b6: {  	[tilespmem:s13+$0x0] =	vst v8  }
0x1b7: {  	v8 =	vld [tilespmem:$0x1B2B0]  }
0x1b8: {  	v9 =	vmov s12;
	_ =	sdelay $0x2  }
0x1b9: {  	p1 =	sne.s32 s8, $0x3F  }
.Ltmp31:
0x1ba: {  	[tilespmem:s13+$0x10] =	vst v8;
	(pc) =	sbr.rel @!p1 .LBB2_35-.Ltmp31, $3  }
0x1bb: {  	[tilespmem:v9+s28+$0x0] =	vst.idx.msk $0x1, v7  }
0x1bc: {  	v8 =	vld [tilespmem:$0x1B280];
	_ =	sdelay $0x1  }
0x1bd: {  	s12 =	sadd.s32 $0x1, s8;
	p0 =	por $0x1, $0x1;
	s14 =	smov.u32 s13  }
.LBB2_36:
0x1be: {  	p1 =	sne.s32 s12, $0x3F;
	_ =	sdelay $0x1  }
0x1bf: {  	s14 =	sadd.s32 $0x80, s14  }
0x1c0: {  	[tilespmem:s14+$0xFFFFFFE0] =	vst v8  }
0x1c1: {  	v8 =	vld [tilespmem:$0x1B290];
	_ =	sdelay $0x4  }
0x1c2: {  	[tilespmem:s14+$0xFFFFFFF0] =	vst v8  }
0x1c3: {  	v8 =	vld [tilespmem:$0x1B2A0];
	_ =	sdelay $0x4  }
0x1c4: {  	[tilespmem:s14+$0x0] =	vst v8  }
0x1c5: {  	v8 =	vld [tilespmem:$0x1B2B0]  }
0x1c6: {  	v9 =	vmov s8;
	s8 =	smov.u32 s12;
	_ =	sdelay $0x2  }
.Ltmp32:
0x1c7: {  	(pc) =	sbr.rel @p1 .LBB2_36-.Ltmp32, $4  }
0x1c8: {  	[tilespmem:s14+$0x10] =	vst v8  }
0x1c9: {  	[tilespmem:v9+s28+$0x0] =	vst.idx.msk $0x1, v7  }
0x1ca: {  	v8 =	vld [tilespmem:$0x1B280]  }
0x1cb: {  	s12 =	sadd.s32 $0x1, s12  }
.Ltmp33:
0x1cc: {  	(pc) =	sbr.rel .LBB2_38-.Ltmp33, $2  }
0x1cd: {  	_ =	sdelay $0x2  }
0x1ce: {  	s12 =	smov.u32 s8  }
.LBB2_35:
.Ltmp34:
0x1cf: {  	(pc) =	sbr.rel .LBB2_38-.Ltmp34, $2  }
0x1d0: {  	_ =	sdelay $0x2  }
0x1d1: {  	s14 =	smov.u32 s13;
	s12 =	smov.u32 s8  }
.LBB2_41:
0x1d2: {  	_ =	sfence.sel $0x180000  }
0x1d3: {  	[bflag:$0x0] =	sbarrier.arrive $0xFFFF  }
0x1d4: {  	_ =	strace $0x90000047  }
0x1d5: {  	s0 =	stileid.u32;
	[bflag:$0x2] =	sbarrier.arrive $0xFFFF  }
0x1d6: {  	p0 =	sne.s32 s0, $0x0;
	s0 =	rddreg [dreg:$0x4]  }
0x1d7: {  	s0 =	sadd.s32 @!p0 $0x100000, s0  }
0x1d8: {  	[sflag:s0] =	ssyncadd.tile.s32 @!p0 $0x1;
	_ =	shalt  }
.Lfunc_end2:
_tile_overlayer_lowered:
.L_overlay_start_2:
0x1d9: {  	(tag) =	ssettag $0x2  }
0x1da: {  	s0 =	rddreg [dreg:$0x0];
	s2 =	stileid.u32  }
0x1db: {  	s1 =	rddreg [dreg:$0x1];
	p0 =	sne.s32 s2, $0x0  }
0x1dc: {  	s3 =	rddreg [dreg:$0x2];
	[bflag:$0x3] =	sbarrier.arrive $0xFFFF;
	s2 =	simm.s32 @!p0 $0x1C04  }
0x1dd: {  	[timem:s3], [sflag:s2] =	dma.local @!p0 [hbm:s0], s1  }
0x1de: {  	s0 =	simm.s32 @!p0 $0x4  }
0x1df: {  	_ =	swait.ge @!p0 [sflag:s0], s1  }
0x1e0: {  	s1 =	ssub.s32 @!p0 $0x0, s1;
	[sflag:s0] =	ssyncset.done @!p0 $0x0  }
0x1e1: {  	[sflag:s0] =	ssyncadd.s32 @!p0 s1  }
0x1e2: {  	[bflag:$0x3] =	sbarrier.arrive $0xFFFF  }
0x1e3: {  	_ =	shalt  }

</sc_bundles>
